<compile_context>
chip_gen: v7x
topology: tpu7x:2x2x1
jax: 0.10.2.dev20260603
libtpu: 0.0.44.dev20260713+nightly
codegen_flags: <defaults>
</compile_context>

<pallas_src>
import jax
import jax.numpy as jnp
import numpy as np
from jax import lax
from jax.experimental import pallas as pl
from jax.experimental.pallas import tpu as pltpu
from jax.experimental.pallas import tpu_sc as plsc

N_ROWS = 65536
N_CH = 256
N_GROUPS = 8
GROUP = 32
EPS = 1e-5

NUM_CORES = 2
NUM_SUBCORES = 16
NW = NUM_CORES * NUM_SUBCORES
ROWS_PER_W = N_ROWS // NW
CHUNK = 64
N_CHUNKS = ROWS_PER_W // CHUNK

_RSQRT_MAGIC = np.int32(0x5F3759DF)


def _rsqrt(v):
    i = lax.bitcast_convert_type(v, jnp.int32)
    y = lax.bitcast_convert_type(_RSQRT_MAGIC - lax.shift_right_logical(i, 1),
                                 jnp.float32)
    half = jnp.float32(0.5) * v
    for _ in range(2):
        y = y * (jnp.float32(1.5) - half * y * y)
    return y


def _compute_chunk(in_v, out_v):
    lane = lax.broadcasted_iota(jnp.int32, (16,), 0)
    c15 = jnp.full((16,), 15, jnp.int32)
    masks = [lane == g for g in range(N_GROUPS)]
    zeros = jnp.zeros((16,), jnp.float32)

    @plsc.parallel_loop(0, CHUNK)
    def row_body(r):
        var_all = zeros
        ds = []
        for g in range(N_GROUPS):
            a = in_v[r, pl.ds(g * GROUP, 16)]
            b = in_v[r, pl.ds(g * GROUP + 16, 16)]
            t = a + b
            s_b = plsc.cumsum(t).at[c15].get(mode="promise_in_bounds")
            mean = s_b * jnp.float32(1.0 / GROUP)
            da = a - mean
            db = b - mean
            qt = da * da + db * db
            q_b = plsc.cumsum(qt).at[c15].get(mode="promise_in_bounds")
            var_all = jnp.where(masks[g], q_b, var_all)
            ds.append((da, db))
        var_all = var_all * jnp.float32(1.0 / (GROUP - 1))
        std = var_all * _rsqrt(var_all)
        rcp_all = jnp.ones((16,), jnp.float32) / (std + jnp.float32(EPS))
        for g in range(N_GROUPS):
            r_g = rcp_all.at[jnp.full((16,), g, jnp.int32)].get(
                mode="promise_in_bounds")
            out_v[pl.ds(r * N_CH + g * GROUP, 16)] = ds[g][0] * r_g
            out_v[pl.ds(r * N_CH + g * GROUP + 16, 16)] = ds[g][1] * r_g


def _body(x_hbm, out_hbm, in0, in1, ou0, ou1, isem0, isem1, osem0, osem1):
    cid = lax.axis_index("c")
    sid = lax.axis_index("s")
    wid = sid * NUM_CORES + cid
    base_row = wid * ROWS_PER_W

    ins = (in0, in1)
    ous = (ou0, ou1)
    isems = (isem0, isem1)
    osems = (osem0, osem1)

    def in_slice(ci):
        return x_hbm.at[pl.ds(base_row + ci * CHUNK, CHUNK)]

    def out_slice(ci):
        return out_hbm.at[pl.ds((base_row + ci * CHUNK) * N_CH, CHUNK * N_CH)]

    pltpu.async_copy(in_slice(0), ins[0], isems[0])

    n_pairs = N_CHUNKS // 2

    def pair_body(p, _):
        for b in range(2):
            ci = p * 2 + b
            nb = 1 - b

            @pl.when(ci + 1 < N_CHUNKS)
            def _():
                pltpu.async_copy(in_slice(ci + 1), ins[nb], isems[nb])

            pltpu.make_async_copy(in_slice(ci), ins[b], isems[b]).wait()

            @pl.when(ci >= 2)
            def _():
                pltpu.make_async_copy(ous[b], out_slice(ci), osems[b]).wait()

            _compute_chunk(ins[b], ous[b])
            pltpu.async_copy(ous[b], out_slice(ci), osems[b])
        return 0

    lax.fori_loop(0, n_pairs, pair_body, 0)

    pltpu.make_async_copy(ous[0], out_slice(N_CHUNKS - 2), osems[0]).wait()
    pltpu.make_async_copy(ous[1], out_slice(N_CHUNKS - 1), osems[1]).wait()


@jax.jit
def _run(x):
    mesh = plsc.VectorSubcoreMesh(core_axis_name="c", subcore_axis_name="s")
    f = pl.kernel(
        _body,
        out_type=jax.ShapeDtypeStruct((N_ROWS * N_CH,), jnp.float32),
        mesh=mesh,
        scratch_types=[
            pltpu.VMEM((CHUNK, N_CH), jnp.float32),
            pltpu.VMEM((CHUNK, N_CH), jnp.float32),
            pltpu.VMEM((CHUNK * N_CH,), jnp.float32),
            pltpu.VMEM((CHUNK * N_CH,), jnp.float32),
            pltpu.SemaphoreType.DMA,
            pltpu.SemaphoreType.DMA,
            pltpu.SemaphoreType.DMA,
            pltpu.SemaphoreType.DMA,
        ],
        compiler_params=pltpu.CompilerParams(needs_layout_passes=False,
                                             use_tc_tiling_on_sc=True),
    )
    return f(x)


def kernel(x, channel_groups):
    del channel_groups
    out = _run(x)
    return out.reshape(N_ROWS, N_CH, 1)

# --- scband reference (transcript-rebuilt; emitter-appended) ---
"""Pipeline reference for scband-group-layer-norm-4896262717797 (READ-ONLY COPY).

The authoritative reference and input builder live on the scoring server;
editing this copy changes nothing except your own understanding.
"""

import jax, jax.numpy as jnp
import numpy as np

NUM_GROUPS = 8
NUM_CHANNELS = 256
NUM_ROWS = 65536
EPS = 1e-05


def setup_inputs(seed: int = 0):
    key = jax.random.key(seed)
    x = jax.random.normal(key, (NUM_ROWS, NUM_CHANNELS), dtype=jnp.float32)
    channel_groups = jnp.repeat(jnp.arange(NUM_GROUPS, dtype=jnp.int32), NUM_CHANNELS // NUM_GROUPS)
    return {"x": x, "channel_groups": channel_groups}


def reference(x, channel_groups):
    # x.squeeze() is a no-op for a [N, C] input with no singleton dims
    x = jnp.squeeze(x)
    ones_c = jnp.ones((NUM_CHANNELS,), dtype=x.dtype)
    counts = jax.ops.segment_sum(ones_c, channel_groups, num_segments=NUM_GROUPS)  # [G]
    # scatter_mean over dim=1: segment-sum over channels for every row
    mean = jax.ops.segment_sum(x.T, channel_groups, num_segments=NUM_GROUPS) / counts[:, None]  # [G, N]
    mean = mean.T  # [N, G]
    expanded_mean = jnp.take(mean, channel_groups, axis=1)  # [N, C]
    # scatter_std (unbiased, matching torch_scatter default)
    sq = (x - expanded_mean) ** 2
    denom = jnp.maximum(counts - 1.0, 1.0)
    var = jax.ops.segment_sum(sq.T, channel_groups, num_segments=NUM_GROUPS).T / denom[None, :]  # [N, G]
    std = jax.lax.stop_gradient(jnp.sqrt(var))  # .detach() in the torch code
    expanded_std = jnp.take(std, channel_groups, axis=1)  # [N, C]
    out = (x - expanded_mean) / (expanded_std + EPS)
    return out[..., None]  # unsqueeze(-1) -> [N, C, 1]

if __name__ == "__main__":
    import jax
    _d = setup_inputs()
    print(jax.jit(kernel)(*tuple(_d.values())))

</pallas_src>

<mosaic_0001>
#map = affine_map<(d0, d1) -> (0, 0)>
#map1 = affine_map<(d0, d1) -> (0)>
module attributes {stable_mosaic.version = 14 : i64} {
  func.func @_body(%arg0: i32, %arg1: i32, %arg2: memref<65536x256xf32, #tpu.memory_space<hbm>>, %arg3: memref<16777216xf32, #tpu.memory_space<hbm>>, %arg4: memref<64x256xf32, #tpu.memory_space<vmem>>, %arg5: memref<64x256xf32, #tpu.memory_space<vmem>>, %arg6: memref<16384xf32, #tpu.memory_space<vmem>>, %arg7: memref<16384xf32, #tpu.memory_space<vmem>>, %arg8: memref<!tpu.dma_semaphore, #tpu.memory_space<semaphore_mem>>, %arg9: memref<!tpu.dma_semaphore, #tpu.memory_space<semaphore_mem>>, %arg10: memref<!tpu.dma_semaphore, #tpu.memory_space<semaphore_mem>>, %arg11: memref<!tpu.dma_semaphore, #tpu.memory_space<semaphore_mem>>) attributes {dimension_semantics = [#tpu.dimension_semantics<core_parallel>, #tpu.dimension_semantics<subcore_parallel>], iteration_bounds = array<i64: 2, 16>, scalar_prefetch = 0 : i64, scratch_operands = 8 : i64, tpu.core_type = #tpu.core_type<sc_vector_subcore>, window_params = [{transform_indices = #map}, {transform_indices = #map1}]} {
    %mul3A = arith.constant 2 : i32
    %mul3A_0 = arith.muli %arg1, %mul3A : i32
    %add3A = arith.addi %mul3A_0, %arg0 : i32
    %mul3A_1 = arith.constant 2048 : i32
    %mul3A_2 = arith.muli %add3A, %mul3A_1 : i32
    %add3A_3 = arith.constant 0 : i32
    %add3A_4 = arith.addi %mul3A_2, %add3A_3 : i32
    %dma_start3A = arith.constant 0 : i32
    %dma_start3A_5 = tpu.memref_slice %arg2[%add3A_4, %dma_start3A] : memref<65536x256xf32, #tpu.memory_space<hbm>> -> memref<64x256xf32, #tpu.memory_space<hbm>>
    %dma_start3A_6 = arith.constant 0 : i32
    %dma_start3A_7 = tpu.memref_slice %arg2[%add3A_4, %dma_start3A_6] : memref<65536x256xf32, #tpu.memory_space<hbm>> -> memref<64x256xf32, #tpu.memory_space<hbm>>
    tpu.enqueue_dma source(%dma_start3A_7 : memref<64x256xf32, #tpu.memory_space<hbm>>) target(%arg4 : memref<64x256xf32, #tpu.memory_space<vmem>>) target_semaphore(%arg8 : memref<!tpu.dma_semaphore, #tpu.memory_space<semaphore_mem>>)
    %scan3A = arith.constant 0 : i32
    %scan3A_8 = arith.constant 0 : i32
    %scan3A_9 = arith.constant 16 : i32
    %scan3A_10 = arith.addi %scan3A_8, %scan3A_9 : i32
    %scan3A_11 = arith.constant 1 : i32
    %scan3A_12 = scf.for %scan3A_25 = %scan3A_8 to %scan3A_10 step %scan3A_11 iter_args(%scan3A_26 = %scan3A) -> (i32)  : i32 {
      %mul3A_27 = arith.constant 2 : i32
      %mul3A_28 = arith.muli %scan3A_25, %mul3A_27 : i32
      %add3A_29 = arith.constant 0 : i32
      %add3A_30 = arith.addi %mul3A_28, %add3A_29 : i32
      %add3A_31 = arith.constant 1 : i32
      %add3A_32 = arith.addi %add3A_30, %add3A_31 : i32
      %lt3A = arith.constant 32 : i32
      %lt3A_33 = arith.cmpi slt, %add3A_32, %lt3A : i32
      %convert_element_type3A = arith.extui %lt3A_33 : i1 to i32
      %cond3A = arith.constant 0 : i32
      %cond3A_34 = arith.cmpi ne, %convert_element_type3A, %cond3A : i32
      scf.if %cond3A_34 {
        %add3A_144 = arith.constant 1 : i32
        %add3A_145 = arith.addi %add3A_30, %add3A_144 : i32
        %mul3A_146 = arith.constant 64 : i32
        %mul3A_147 = arith.muli %add3A_145, %mul3A_146 : i32
        %add3A_148 = arith.addi %mul3A_2, %mul3A_147 : i32
        %dma_start3A_149 = arith.constant 0 : i32
        %dma_start3A_150 = tpu.memref_slice %arg2[%add3A_148, %dma_start3A_149] : memref<65536x256xf32, #tpu.memory_space<hbm>> -> memref<64x256xf32, #tpu.memory_space<hbm>>
        %dma_start3A_151 = arith.constant 0 : i32
        %dma_start3A_152 = tpu.memref_slice %arg2[%add3A_148, %dma_start3A_151] : memref<65536x256xf32, #tpu.memory_space<hbm>> -> memref<64x256xf32, #tpu.memory_space<hbm>>
        tpu.enqueue_dma source(%dma_start3A_152 : memref<64x256xf32, #tpu.memory_space<hbm>>) target(%arg5 : memref<64x256xf32, #tpu.memory_space<vmem>>) target_semaphore(%arg9 : memref<!tpu.dma_semaphore, #tpu.memory_space<semaphore_mem>>)
      } else {
      }
      %mul3A_35 = arith.constant 64 : i32
      %mul3A_36 = arith.muli %add3A_30, %mul3A_35 : i32
      %add3A_37 = arith.addi %mul3A_2, %mul3A_36 : i32
      %dma_wait3A_38 = arith.constant 0 : i32
      %dma_wait3A_39 = tpu.memref_slice %arg2[%add3A_37, %dma_wait3A_38] : memref<65536x256xf32, #tpu.memory_space<hbm>> -> memref<64x256xf32, #tpu.memory_space<hbm>>
      %dma_wait3A_40 = arith.constant 0 : i32
      %dma_wait3A_41 = tpu.memref_slice %arg2[%add3A_37, %dma_wait3A_40] : memref<65536x256xf32, #tpu.memory_space<hbm>> -> memref<64x256xf32, #tpu.memory_space<hbm>>
      tpu.wait_dma2 semaphore(%arg8 : memref<!tpu.dma_semaphore, #tpu.memory_space<semaphore_mem>>) src(%dma_wait3A_41 : memref<64x256xf32, #tpu.memory_space<hbm>>) dst(%arg4 : memref<64x256xf32, #tpu.memory_space<vmem>>)
      %ge3A = arith.constant 2 : i32
      %ge3A_42 = arith.cmpi sge, %add3A_30, %ge3A : i32
      %convert_element_type3A_43 = arith.extui %ge3A_42 : i1 to i32
      %cond3A_44 = arith.constant 0 : i32
      %cond3A_45 = arith.cmpi ne, %convert_element_type3A_43, %cond3A_44 : i32
      scf.if %cond3A_45 {
        %mul3A_144 = arith.constant 64 : i32
        %mul3A_145 = arith.muli %add3A_30, %mul3A_144 : i32
        %add3A_146 = arith.addi %mul3A_2, %mul3A_145 : i32
        %mul3A_147 = arith.constant 256 : i32
        %mul3A_148 = arith.muli %add3A_146, %mul3A_147 : i32
        %dma_wait3A_149 = tpu.memref_slice %arg3[%mul3A_148] : memref<16777216xf32, #tpu.memory_space<hbm>> -> memref<16384xf32, #tpu.memory_space<hbm>>
        %dma_wait3A_150 = tpu.memref_slice %arg3[%mul3A_148] : memref<16777216xf32, #tpu.memory_space<hbm>> -> memref<16384xf32, #tpu.memory_space<hbm>>
        tpu.wait_dma2 semaphore(%arg10 : memref<!tpu.dma_semaphore, #tpu.memory_space<semaphore_mem>>) src(%arg6 : memref<16384xf32, #tpu.memory_space<vmem>>) dst(%dma_wait3A_150 : memref<16384xf32, #tpu.memory_space<hbm>>)
      } else {
      }
      %iota3A = tpu.iota {dimensions = array<i32: 0>} : vector<16xi32>
      %broadcast_in_dim3A = arith.constant 15 : i32
      %broadcast_in_dim3A_46 = vector.broadcast %broadcast_in_dim3A : i32 to vector<16xi32>
      %eq3A = arith.constant 0 : i32
      %eq3A_47 = vector.broadcast %eq3A : i32 to vector<16xi32>
      %eq3A_48 = arith.cmpi eq, %iota3A, %eq3A_47 : vector<16xi32>
      %eq3A_49 = arith.constant 1 : i32
      %eq3A_50 = vector.broadcast %eq3A_49 : i32 to vector<16xi32>
      %eq3A_51 = arith.cmpi eq, %iota3A, %eq3A_50 : vector<16xi32>
      %eq3A_52 = arith.constant 2 : i32
      %eq3A_53 = vector.broadcast %eq3A_52 : i32 to vector<16xi32>
      %eq3A_54 = arith.cmpi eq, %iota3A, %eq3A_53 : vector<16xi32>
      %eq3A_55 = arith.constant 3 : i32
      %eq3A_56 = vector.broadcast %eq3A_55 : i32 to vector<16xi32>
      %eq3A_57 = arith.cmpi eq, %iota3A, %eq3A_56 : vector<16xi32>
      %eq3A_58 = arith.constant 4 : i32
      %eq3A_59 = vector.broadcast %eq3A_58 : i32 to vector<16xi32>
      %eq3A_60 = arith.cmpi eq, %iota3A, %eq3A_59 : vector<16xi32>
      %eq3A_61 = arith.constant 5 : i32
      %eq3A_62 = vector.broadcast %eq3A_61 : i32 to vector<16xi32>
      %eq3A_63 = arith.cmpi eq, %iota3A, %eq3A_62 : vector<16xi32>
      %eq3A_64 = arith.constant 6 : i32
      %eq3A_65 = vector.broadcast %eq3A_64 : i32 to vector<16xi32>
      %eq3A_66 = arith.cmpi eq, %iota3A, %eq3A_65 : vector<16xi32>
      %eq3A_67 = arith.constant 7 : i32
      %eq3A_68 = vector.broadcast %eq3A_67 : i32 to vector<16xi32>
      %eq3A_69 = arith.cmpi eq, %iota3A, %eq3A_68 : vector<16xi32>
      %broadcast_in_dim3A_70 = arith.constant 0.000000e+00 : f32
      %broadcast_in_dim3A_71 = vector.broadcast %broadcast_in_dim3A_70 : f32 to vector<16xf32>
      %parallel_loop3A = arith.constant 0 : i32
      %parallel_loop3A_72 = arith.constant 64 : i32
      %parallel_loop3A_73 = arith.constant 1 : i32
      scf.for %parallel_loop3A_144 = %parallel_loop3A to %parallel_loop3A_72 step %parallel_loop3A_73  : i32 {
        %parallel_loop3A_145 = arith.index_cast %parallel_loop3A_144 : i32 to index
        %parallel_loop3A_146 = arith.constant 0 : index
        %parallel_loop3A_147 = tpu.vector_load %arg4[%parallel_loop3A_145, %parallel_loop3A_146] {strides = array<i32>} : memref<64x256xf32, #tpu.memory_space<vmem>>, vector<16xf32>,
        %parallel_loop3A_148 = arith.index_cast %parallel_loop3A_144 : i32 to index
        %parallel_loop3A_149 = arith.constant 16 : index
        %parallel_loop3A_150 = tpu.vector_load %arg4[%parallel_loop3A_148, %parallel_loop3A_149] {strides = array<i32>} : memref<64x256xf32, #tpu.memory_space<vmem>>, vector<16xf32>,
        %parallel_loop3A_151 = arith.addf %parallel_loop3A_147, %parallel_loop3A_150 : vector<16xf32>
        %parallel_loop3A_152 = arith.constant true
        %parallel_loop3A_153 = vector.broadcast %parallel_loop3A_152 : i1 to vector<16xi1>
        %parallel_loop3A_154 = tpu.scan <sum>, %parallel_loop3A_151 masked %parallel_loop3A_153 : vector<16xf32>, vector<16xi1> -> vector<16xf32>
        %parallel_loop3A_155 = arith.constant 0 : i32
        %parallel_loop3A_156 = vector.broadcast %parallel_loop3A_155 : i32 to vector<16xi32>
        %parallel_loop3A_157 = arith.cmpi slt, %broadcast_in_dim3A_46, %parallel_loop3A_156 : vector<16xi32>
        %parallel_loop3A_158 = arith.constant 16 : i32
        %parallel_loop3A_159 = vector.broadcast %parallel_loop3A_158 : i32 to vector<16xi32>
        %parallel_loop3A_160 = arith.addi %broadcast_in_dim3A_46, %parallel_loop3A_159 : vector<16xi32>
        %parallel_loop3A_161 = arith.select %parallel_loop3A_157, %parallel_loop3A_160, %broadcast_in_dim3A_46 : vector<16xi1>, vector<16xi32>
        %parallel_loop3A_162 = vector.shape_cast %parallel_loop3A_161 : vector<16xi32> to vector<16x1xi32>
        %parallel_loop3A_163 = vector.shape_cast %parallel_loop3A_162 : vector<16x1xi32> to vector<16xi32>
        %parallel_loop3A_164 = tpu.dynamic_gather %parallel_loop3A_154[%parallel_loop3A_163] in [0] : vector<16xf32>, vector<16xi32> -> vector<16xf32>
        %parallel_loop3A_165 = arith.constant 3.125000e-02 : f32
        %parallel_loop3A_166 = vector.broadcast %parallel_loop3A_165 : f32 to vector<16xf32>
        %parallel_loop3A_167 = arith.mulf %parallel_loop3A_164, %parallel_loop3A_166 : vector<16xf32>
        %parallel_loop3A_168 = arith.subf %parallel_loop3A_147, %parallel_loop3A_167 : vector<16xf32>
        %parallel_loop3A_169 = arith.subf %parallel_loop3A_150, %parallel_loop3A_167 : vector<16xf32>
        %parallel_loop3A_170 = arith.mulf %parallel_loop3A_168, %parallel_loop3A_168 : vector<16xf32>
        %parallel_loop3A_171 = arith.mulf %parallel_loop3A_169, %parallel_loop3A_169 : vector<16xf32>
        %parallel_loop3A_172 = arith.addf %parallel_loop3A_170, %parallel_loop3A_171 : vector<16xf32>
        %parallel_loop3A_173 = arith.constant true
        %parallel_loop3A_174 = vector.broadcast %parallel_loop3A_173 : i1 to vector<16xi1>
        %parallel_loop3A_175 = tpu.scan <sum>, %parallel_loop3A_172 masked %parallel_loop3A_174 : vector<16xf32>, vector<16xi1> -> vector<16xf32>
        %parallel_loop3A_176 = arith.constant 0 : i32
        %parallel_loop3A_177 = vector.broadcast %parallel_loop3A_176 : i32 to vector<16xi32>
        %parallel_loop3A_178 = arith.cmpi slt, %broadcast_in_dim3A_46, %parallel_loop3A_177 : vector<16xi32>
        %parallel_loop3A_179 = arith.constant 16 : i32
        %parallel_loop3A_180 = vector.broadcast %parallel_loop3A_179 : i32 to vector<16xi32>
        %parallel_loop3A_181 = arith.addi %broadcast_in_dim3A_46, %parallel_loop3A_180 : vector<16xi32>
        %parallel_loop3A_182 = arith.select %parallel_loop3A_178, %parallel_loop3A_181, %broadcast_in_dim3A_46 : vector<16xi1>, vector<16xi32>
        %parallel_loop3A_183 = vector.shape_cast %parallel_loop3A_182 : vector<16xi32> to vector<16x1xi32>
        %parallel_loop3A_184 = vector.shape_cast %parallel_loop3A_183 : vector<16x1xi32> to vector<16xi32>
        %parallel_loop3A_185 = tpu.dynamic_gather %parallel_loop3A_175[%parallel_loop3A_184] in [0] : vector<16xf32>, vector<16xi32> -> vector<16xf32>
        %parallel_loop3A_186 = arith.select %eq3A_48, %parallel_loop3A_185, %broadcast_in_dim3A_71 : vector<16xi1>, vector<16xf32>
        %parallel_loop3A_187 = arith.index_cast %parallel_loop3A_144 : i32 to index
        %parallel_loop3A_188 = arith.constant 32 : index
        %parallel_loop3A_189 = tpu.vector_load %arg4[%parallel_loop3A_187, %parallel_loop3A_188] {strides = array<i32>} : memref<64x256xf32, #tpu.memory_space<vmem>>, vector<16xf32>,
        %parallel_loop3A_190 = arith.index_cast %parallel_loop3A_144 : i32 to index
        %parallel_loop3A_191 = arith.constant 48 : index
        %parallel_loop3A_192 = tpu.vector_load %arg4[%parallel_loop3A_190, %parallel_loop3A_191] {strides = array<i32>} : memref<64x256xf32, #tpu.memory_space<vmem>>, vector<16xf32>,
        %parallel_loop3A_193 = arith.addf %parallel_loop3A_189, %parallel_loop3A_192 : vector<16xf32>
        %parallel_loop3A_194 = arith.constant true
        %parallel_loop3A_195 = vector.broadcast %parallel_loop3A_194 : i1 to vector<16xi1>
        %parallel_loop3A_196 = tpu.scan <sum>, %parallel_loop3A_193 masked %parallel_loop3A_195 : vector<16xf32>, vector<16xi1> -> vector<16xf32>
        %parallel_loop3A_197 = arith.constant 0 : i32
        %parallel_loop3A_198 = vector.broadcast %parallel_loop3A_197 : i32 to vector<16xi32>
        %parallel_loop3A_199 = arith.cmpi slt, %broadcast_in_dim3A_46, %parallel_loop3A_198 : vector<16xi32>
        %parallel_loop3A_200 = arith.constant 16 : i32
        %parallel_loop3A_201 = vector.broadcast %parallel_loop3A_200 : i32 to vector<16xi32>
        %parallel_loop3A_202 = arith.addi %broadcast_in_dim3A_46, %parallel_loop3A_201 : vector<16xi32>
        %parallel_loop3A_203 = arith.select %parallel_loop3A_199, %parallel_loop3A_202, %broadcast_in_dim3A_46 : vector<16xi1>, vector<16xi32>
        %parallel_loop3A_204 = vector.shape_cast %parallel_loop3A_203 : vector<16xi32> to vector<16x1xi32>
        %parallel_loop3A_205 = vector.shape_cast %parallel_loop3A_204 : vector<16x1xi32> to vector<16xi32>
        %parallel_loop3A_206 = tpu.dynamic_gather %parallel_loop3A_196[%parallel_loop3A_205] in [0] : vector<16xf32>, vector<16xi32> -> vector<16xf32>
        %parallel_loop3A_207 = arith.constant 3.125000e-02 : f32
        %parallel_loop3A_208 = vector.broadcast %parallel_loop3A_207 : f32 to vector<16xf32>
        %parallel_loop3A_209 = arith.mulf %parallel_loop3A_206, %parallel_loop3A_208 : vector<16xf32>
        %parallel_loop3A_210 = arith.subf %parallel_loop3A_189, %parallel_loop3A_209 : vector<16xf32>
        %parallel_loop3A_211 = arith.subf %parallel_loop3A_192, %parallel_loop3A_209 : vector<16xf32>
        %parallel_loop3A_212 = arith.mulf %parallel_loop3A_210, %parallel_loop3A_210 : vector<16xf32>
        %parallel_loop3A_213 = arith.mulf %parallel_loop3A_211, %parallel_loop3A_211 : vector<16xf32>
        %parallel_loop3A_214 = arith.addf %parallel_loop3A_212, %parallel_loop3A_213 : vector<16xf32>
        %parallel_loop3A_215 = arith.constant true
        %parallel_loop3A_216 = vector.broadcast %parallel_loop3A_215 : i1 to vector<16xi1>
        %parallel_loop3A_217 = tpu.scan <sum>, %parallel_loop3A_214 masked %parallel_loop3A_216 : vector<16xf32>, vector<16xi1> -> vector<16xf32>
        %parallel_loop3A_218 = arith.constant 0 : i32
        %parallel_loop3A_219 = vector.broadcast %parallel_loop3A_218 : i32 to vector<16xi32>
        %parallel_loop3A_220 = arith.cmpi slt, %broadcast_in_dim3A_46, %parallel_loop3A_219 : vector<16xi32>
        %parallel_loop3A_221 = arith.constant 16 : i32
        %parallel_loop3A_222 = vector.broadcast %parallel_loop3A_221 : i32 to vector<16xi32>
        %parallel_loop3A_223 = arith.addi %broadcast_in_dim3A_46, %parallel_loop3A_222 : vector<16xi32>
        %parallel_loop3A_224 = arith.select %parallel_loop3A_220, %parallel_loop3A_223, %broadcast_in_dim3A_46 : vector<16xi1>, vector<16xi32>
        %parallel_loop3A_225 = vector.shape_cast %parallel_loop3A_224 : vector<16xi32> to vector<16x1xi32>
        %parallel_loop3A_226 = vector.shape_cast %parallel_loop3A_225 : vector<16x1xi32> to vector<16xi32>
        %parallel_loop3A_227 = tpu.dynamic_gather %parallel_loop3A_217[%parallel_loop3A_226] in [0] : vector<16xf32>, vector<16xi32> -> vector<16xf32>
        %parallel_loop3A_228 = arith.select %eq3A_51, %parallel_loop3A_227, %parallel_loop3A_186 : vector<16xi1>, vector<16xf32>
        %parallel_loop3A_229 = arith.index_cast %parallel_loop3A_144 : i32 to index
        %parallel_loop3A_230 = arith.constant 64 : index
        %parallel_loop3A_231 = tpu.vector_load %arg4[%parallel_loop3A_229, %parallel_loop3A_230] {strides = array<i32>} : memref<64x256xf32, #tpu.memory_space<vmem>>, vector<16xf32>,
        %parallel_loop3A_232 = arith.index_cast %parallel_loop3A_144 : i32 to index
        %parallel_loop3A_233 = arith.constant 80 : index
        %parallel_loop3A_234 = tpu.vector_load %arg4[%parallel_loop3A_232, %parallel_loop3A_233] {strides = array<i32>} : memref<64x256xf32, #tpu.memory_space<vmem>>, vector<16xf32>,
        %parallel_loop3A_235 = arith.addf %parallel_loop3A_231, %parallel_loop3A_234 : vector<16xf32>
        %parallel_loop3A_236 = arith.constant true
        %parallel_loop3A_237 = vector.broadcast %parallel_loop3A_236 : i1 to vector<16xi1>
        %parallel_loop3A_238 = tpu.scan <sum>, %parallel_loop3A_235 masked %parallel_loop3A_237 : vector<16xf32>, vector<16xi1> -> vector<16xf32>
        %parallel_loop3A_239 = arith.constant 0 : i32
        %parallel_loop3A_240 = vector.broadcast %parallel_loop3A_239 : i32 to vector<16xi32>
        %parallel_loop3A_241 = arith.cmpi slt, %broadcast_in_dim3A_46, %parallel_loop3A_240 : vector<16xi32>
        %parallel_loop3A_242 = arith.constant 16 : i32
        %parallel_loop3A_243 = vector.broadcast %parallel_loop3A_242 : i32 to vector<16xi32>
        %parallel_loop3A_244 = arith.addi %broadcast_in_dim3A_46, %parallel_loop3A_243 : vector<16xi32>
        %parallel_loop3A_245 = arith.select %parallel_loop3A_241, %parallel_loop3A_244, %broadcast_in_dim3A_46 : vector<16xi1>, vector<16xi32>
        %parallel_loop3A_246 = vector.shape_cast %parallel_loop3A_245 : vector<16xi32> to vector<16x1xi32>
        %parallel_loop3A_247 = vector.shape_cast %parallel_loop3A_246 : vector<16x1xi32> to vector<16xi32>
        %parallel_loop3A_248 = tpu.dynamic_gather %parallel_loop3A_238[%parallel_loop3A_247] in [0] : vector<16xf32>, vector<16xi32> -> vector<16xf32>
        %parallel_loop3A_249 = arith.constant 3.125000e-02 : f32
        %parallel_loop3A_250 = vector.broadcast %parallel_loop3A_249 : f32 to vector<16xf32>
        %parallel_loop3A_251 = arith.mulf %parallel_loop3A_248, %parallel_loop3A_250 : vector<16xf32>
        %parallel_loop3A_252 = arith.subf %parallel_loop3A_231, %parallel_loop3A_251 : vector<16xf32>
        %parallel_loop3A_253 = arith.subf %parallel_loop3A_234, %parallel_loop3A_251 : vector<16xf32>
        %parallel_loop3A_254 = arith.mulf %parallel_loop3A_252, %parallel_loop3A_252 : vector<16xf32>
        %parallel_loop3A_255 = arith.mulf %parallel_loop3A_253, %parallel_loop3A_253 : vector<16xf32>
        %parallel_loop3A_256 = arith.addf %parallel_loop3A_254, %parallel_loop3A_255 : vector<16xf32>
        %parallel_loop3A_257 = arith.constant true
        %parallel_loop3A_258 = vector.broadcast %parallel_loop3A_257 : i1 to vector<16xi1>
        %parallel_loop3A_259 = tpu.scan <sum>, %parallel_loop3A_256 masked %parallel_loop3A_258 : vector<16xf32>, vector<16xi1> -> vector<16xf32>
        %parallel_loop3A_260 = arith.constant 0 : i32
        %parallel_loop3A_261 = vector.broadcast %parallel_loop3A_260 : i32 to vector<16xi32>
        %parallel_loop3A_262 = arith.cmpi slt, %broadcast_in_dim3A_46, %parallel_loop3A_261 : vector<16xi32>
        %parallel_loop3A_263 = arith.constant 16 : i32
        %parallel_loop3A_264 = vector.broadcast %parallel_loop3A_263 : i32 to vector<16xi32>
        %parallel_loop3A_265 = arith.addi %broadcast_in_dim3A_46, %parallel_loop3A_264 : vector<16xi32>
        %parallel_loop3A_266 = arith.select %parallel_loop3A_262, %parallel_loop3A_265, %broadcast_in_dim3A_46 : vector<16xi1>, vector<16xi32>
        %parallel_loop3A_267 = vector.shape_cast %parallel_loop3A_266 : vector<16xi32> to vector<16x1xi32>
        %parallel_loop3A_268 = vector.shape_cast %parallel_loop3A_267 : vector<16x1xi32> to vector<16xi32>
        %parallel_loop3A_269 = tpu.dynamic_gather %parallel_loop3A_259[%parallel_loop3A_268] in [0] : vector<16xf32>, vector<16xi32> -> vector<16xf32>
        %parallel_loop3A_270 = arith.select %eq3A_54, %parallel_loop3A_269, %parallel_loop3A_228 : vector<16xi1>, vector<16xf32>
        %parallel_loop3A_271 = arith.index_cast %parallel_loop3A_144 : i32 to index
        %parallel_loop3A_272 = arith.constant 96 : index
        %parallel_loop3A_273 = tpu.vector_load %arg4[%parallel_loop3A_271, %parallel_loop3A_272] {strides = array<i32>} : memref<64x256xf32, #tpu.memory_space<vmem>>, vector<16xf32>,
        %parallel_loop3A_274 = arith.index_cast %parallel_loop3A_144 : i32 to index
        %parallel_loop3A_275 = arith.constant 112 : index
        %parallel_loop3A_276 = tpu.vector_load %arg4[%parallel_loop3A_274, %parallel_loop3A_275] {strides = array<i32>} : memref<64x256xf32, #tpu.memory_space<vmem>>, vector<16xf32>,
        %parallel_loop3A_277 = arith.addf %parallel_loop3A_273, %parallel_loop3A_276 : vector<16xf32>
        %parallel_loop3A_278 = arith.constant true
        %parallel_loop3A_279 = vector.broadcast %parallel_loop3A_278 : i1 to vector<16xi1>
        %parallel_loop3A_280 = tpu.scan <sum>, %parallel_loop3A_277 masked %parallel_loop3A_279 : vector<16xf32>, vector<16xi1> -> vector<16xf32>
        %parallel_loop3A_281 = arith.constant 0 : i32
        %parallel_loop3A_282 = vector.broadcast %parallel_loop3A_281 : i32 to vector<16xi32>
        %parallel_loop3A_283 = arith.cmpi slt, %broadcast_in_dim3A_46, %parallel_loop3A_282 : vector<16xi32>
        %parallel_loop3A_284 = arith.constant 16 : i32
        %parallel_loop3A_285 = vector.broadcast %parallel_loop3A_284 : i32 to vector<16xi32>
        %parallel_loop3A_286 = arith.addi %broadcast_in_dim3A_46, %parallel_loop3A_285 : vector<16xi32>
        %parallel_loop3A_287 = arith.select %parallel_loop3A_283, %parallel_loop3A_286, %broadcast_in_dim3A_46 : vector<16xi1>, vector<16xi32>
        %parallel_loop3A_288 = vector.shape_cast %parallel_loop3A_287 : vector<16xi32> to vector<16x1xi32>
        %parallel_loop3A_289 = vector.shape_cast %parallel_loop3A_288 : vector<16x1xi32> to vector<16xi32>
        %parallel_loop3A_290 = tpu.dynamic_gather %parallel_loop3A_280[%parallel_loop3A_289] in [0] : vector<16xf32>, vector<16xi32> -> vector<16xf32>
        %parallel_loop3A_291 = arith.constant 3.125000e-02 : f32
        %parallel_loop3A_292 = vector.broadcast %parallel_loop3A_291 : f32 to vector<16xf32>
        %parallel_loop3A_293 = arith.mulf %parallel_loop3A_290, %parallel_loop3A_292 : vector<16xf32>
        %parallel_loop3A_294 = arith.subf %parallel_loop3A_273, %parallel_loop3A_293 : vector<16xf32>
        %parallel_loop3A_295 = arith.subf %parallel_loop3A_276, %parallel_loop3A_293 : vector<16xf32>
        %parallel_loop3A_296 = arith.mulf %parallel_loop3A_294, %parallel_loop3A_294 : vector<16xf32>
        %parallel_loop3A_297 = arith.mulf %parallel_loop3A_295, %parallel_loop3A_295 : vector<16xf32>
        %parallel_loop3A_298 = arith.addf %parallel_loop3A_296, %parallel_loop3A_297 : vector<16xf32>
        %parallel_loop3A_299 = arith.constant true
        %parallel_loop3A_300 = vector.broadcast %parallel_loop3A_299 : i1 to vector<16xi1>
        %parallel_loop3A_301 = tpu.scan <sum>, %parallel_loop3A_298 masked %parallel_loop3A_300 : vector<16xf32>, vector<16xi1> -> vector<16xf32>
        %parallel_loop3A_302 = arith.constant 0 : i32
        %parallel_loop3A_303 = vector.broadcast %parallel_loop3A_302 : i32 to vector<16xi32>
        %parallel_loop3A_304 = arith.cmpi slt, %broadcast_in_dim3A_46, %parallel_loop3A_303 : vector<16xi32>
        %parallel_loop3A_305 = arith.constant 16 : i32
        %parallel_loop3A_306 = vector.broadcast %parallel_loop3A_305 : i32 to vector<16xi32>
        %parallel_loop3A_307 = arith.addi %broadcast_in_dim3A_46, %parallel_loop3A_306 : vector<16xi32>
        %parallel_loop3A_308 = arith.select %parallel_loop3A_304, %parallel_loop3A_307, %broadcast_in_dim3A_46 : vector<16xi1>, vector<16xi32>
        %parallel_loop3A_309 = vector.shape_cast %parallel_loop3A_308 : vector<16xi32> to vector<16x1xi32>
        %parallel_loop3A_310 = vector.shape_cast %parallel_loop3A_309 : vector<16x1xi32> to vector<16xi32>
        %parallel_loop3A_311 = tpu.dynamic_gather %parallel_loop3A_301[%parallel_loop3A_310] in [0] : vector<16xf32>, vector<16xi32> -> vector<16xf32>
        %parallel_loop3A_312 = arith.select %eq3A_57, %parallel_loop3A_311, %parallel_loop3A_270 : vector<16xi1>, vector<16xf32>
        %parallel_loop3A_313 = arith.index_cast %parallel_loop3A_144 : i32 to index
        %parallel_loop3A_314 = arith.constant 128 : index
        %parallel_loop3A_315 = tpu.vector_load %arg4[%parallel_loop3A_313, %parallel_loop3A_314] {strides = array<i32>} : memref<64x256xf32, #tpu.memory_space<vmem>>, vector<16xf32>,
        %parallel_loop3A_316 = arith.index_cast %parallel_loop3A_144 : i32 to index
        %parallel_loop3A_317 = arith.constant 144 : index
        %parallel_loop3A_318 = tpu.vector_load %arg4[%parallel_loop3A_316, %parallel_loop3A_317] {strides = array<i32>} : memref<64x256xf32, #tpu.memory_space<vmem>>, vector<16xf32>,
        %parallel_loop3A_319 = arith.addf %parallel_loop3A_315, %parallel_loop3A_318 : vector<16xf32>
        %parallel_loop3A_320 = arith.constant true
        %parallel_loop3A_321 = vector.broadcast %parallel_loop3A_320 : i1 to vector<16xi1>
        %parallel_loop3A_322 = tpu.scan <sum>, %parallel_loop3A_319 masked %parallel_loop3A_321 : vector<16xf32>, vector<16xi1> -> vector<16xf32>
        %parallel_loop3A_323 = arith.constant 0 : i32
        %parallel_loop3A_324 = vector.broadcast %parallel_loop3A_323 : i32 to vector<16xi32>
        %parallel_loop3A_325 = arith.cmpi slt, %broadcast_in_dim3A_46, %parallel_loop3A_324 : vector<16xi32>
        %parallel_loop3A_326 = arith.constant 16 : i32
        %parallel_loop3A_327 = vector.broadcast %parallel_loop3A_326 : i32 to vector<16xi32>
        %parallel_loop3A_328 = arith.addi %broadcast_in_dim3A_46, %parallel_loop3A_327 : vector<16xi32>
        %parallel_loop3A_329 = arith.select %parallel_loop3A_325, %parallel_loop3A_328, %broadcast_in_dim3A_46 : vector<16xi1>, vector<16xi32>
        %parallel_loop3A_330 = vector.shape_cast %parallel_loop3A_329 : vector<16xi32> to vector<16x1xi32>
        %parallel_loop3A_331 = vector.shape_cast %parallel_loop3A_330 : vector<16x1xi32> to vector<16xi32>
        %parallel_loop3A_332 = tpu.dynamic_gather %parallel_loop3A_322[%parallel_loop3A_331] in [0] : vector<16xf32>, vector<16xi32> -> vector<16xf32>
        %parallel_loop3A_333 = arith.constant 3.125000e-02 : f32
        %parallel_loop3A_334 = vector.broadcast %parallel_loop3A_333 : f32 to vector<16xf32>
        %parallel_loop3A_335 = arith.mulf %parallel_loop3A_332, %parallel_loop3A_334 : vector<16xf32>
        %parallel_loop3A_336 = arith.subf %parallel_loop3A_315, %parallel_loop3A_335 : vector<16xf32>
        %parallel_loop3A_337 = arith.subf %parallel_loop3A_318, %parallel_loop3A_335 : vector<16xf32>
        %parallel_loop3A_338 = arith.mulf %parallel_loop3A_336, %parallel_loop3A_336 : vector<16xf32>
        %parallel_loop3A_339 = arith.mulf %parallel_loop3A_337, %parallel_loop3A_337 : vector<16xf32>
        %parallel_loop3A_340 = arith.addf %parallel_loop3A_338, %parallel_loop3A_339 : vector<16xf32>
        %parallel_loop3A_341 = arith.constant true
        %parallel_loop3A_342 = vector.broadcast %parallel_loop3A_341 : i1 to vector<16xi1>
        %parallel_loop3A_343 = tpu.scan <sum>, %parallel_loop3A_340 masked %parallel_loop3A_342 : vector<16xf32>, vector<16xi1> -> vector<16xf32>
        %parallel_loop3A_344 = arith.constant 0 : i32
        %parallel_loop3A_345 = vector.broadcast %parallel_loop3A_344 : i32 to vector<16xi32>
        %parallel_loop3A_346 = arith.cmpi slt, %broadcast_in_dim3A_46, %parallel_loop3A_345 : vector<16xi32>
        %parallel_loop3A_347 = arith.constant 16 : i32
        %parallel_loop3A_348 = vector.broadcast %parallel_loop3A_347 : i32 to vector<16xi32>
        %parallel_loop3A_349 = arith.addi %broadcast_in_dim3A_46, %parallel_loop3A_348 : vector<16xi32>
        %parallel_loop3A_350 = arith.select %parallel_loop3A_346, %parallel_loop3A_349, %broadcast_in_dim3A_46 : vector<16xi1>, vector<16xi32>
        %parallel_loop3A_351 = vector.shape_cast %parallel_loop3A_350 : vector<16xi32> to vector<16x1xi32>
        %parallel_loop3A_352 = vector.shape_cast %parallel_loop3A_351 : vector<16x1xi32> to vector<16xi32>
        %parallel_loop3A_353 = tpu.dynamic_gather %parallel_loop3A_343[%parallel_loop3A_352] in [0] : vector<16xf32>, vector<16xi32> -> vector<16xf32>
        %parallel_loop3A_354 = arith.select %eq3A_60, %parallel_loop3A_353, %parallel_loop3A_312 : vector<16xi1>, vector<16xf32>
        %parallel_loop3A_355 = arith.index_cast %parallel_loop3A_144 : i32 to index
        %parallel_loop3A_356 = arith.constant 160 : index
        %parallel_loop3A_357 = tpu.vector_load %arg4[%parallel_loop3A_355, %parallel_loop3A_356] {strides = array<i32>} : memref<64x256xf32, #tpu.memory_space<vmem>>, vector<16xf32>,
        %parallel_loop3A_358 = arith.index_cast %parallel_loop3A_144 : i32 to index
        %parallel_loop3A_359 = arith.constant 176 : index
        %parallel_loop3A_360 = tpu.vector_load %arg4[%parallel_loop3A_358, %parallel_loop3A_359] {strides = array<i32>} : memref<64x256xf32, #tpu.memory_space<vmem>>, vector<16xf32>,
        %parallel_loop3A_361 = arith.addf %parallel_loop3A_357, %parallel_loop3A_360 : vector<16xf32>
        %parallel_loop3A_362 = arith.constant true
        %parallel_loop3A_363 = vector.broadcast %parallel_loop3A_362 : i1 to vector<16xi1>
        %parallel_loop3A_364 = tpu.scan <sum>, %parallel_loop3A_361 masked %parallel_loop3A_363 : vector<16xf32>, vector<16xi1> -> vector<16xf32>
        %parallel_loop3A_365 = arith.constant 0 : i32
        %parallel_loop3A_366 = vector.broadcast %parallel_loop3A_365 : i32 to vector<16xi32>
        %parallel_loop3A_367 = arith.cmpi slt, %broadcast_in_dim3A_46, %parallel_loop3A_366 : vector<16xi32>
        %parallel_loop3A_368 = arith.constant 16 : i32
        %parallel_loop3A_369 = vector.broadcast %parallel_loop3A_368 : i32 to vector<16xi32>
        %parallel_loop3A_370 = arith.addi %broadcast_in_dim3A_46, %parallel_loop3A_369 : vector<16xi32>
        %parallel_loop3A_371 = arith.select %parallel_loop3A_367, %parallel_loop3A_370, %broadcast_in_dim3A_46 : vector<16xi1>, vector<16xi32>
        %parallel_loop3A_372 = vector.shape_cast %parallel_loop3A_371 : vector<16xi32> to vector<16x1xi32>
        %parallel_loop3A_373 = vector.shape_cast %parallel_loop3A_372 : vector<16x1xi32> to vector<16xi32>
        %parallel_loop3A_374 = tpu.dynamic_gather %parallel_loop3A_364[%parallel_loop3A_373] in [0] : vector<16xf32>, vector<16xi32> -> vector<16xf32>
        %parallel_loop3A_375 = arith.constant 3.125000e-02 : f32
        %parallel_loop3A_376 = vector.broadcast %parallel_loop3A_375 : f32 to vector<16xf32>
        %parallel_loop3A_377 = arith.mulf %parallel_loop3A_374, %parallel_loop3A_376 : vector<16xf32>
        %parallel_loop3A_378 = arith.subf %parallel_loop3A_357, %parallel_loop3A_377 : vector<16xf32>
        %parallel_loop3A_379 = arith.subf %parallel_loop3A_360, %parallel_loop3A_377 : vector<16xf32>
        %parallel_loop3A_380 = arith.mulf %parallel_loop3A_378, %parallel_loop3A_378 : vector<16xf32>
        %parallel_loop3A_381 = arith.mulf %parallel_loop3A_379, %parallel_loop3A_379 : vector<16xf32>
        %parallel_loop3A_382 = arith.addf %parallel_loop3A_380, %parallel_loop3A_381 : vector<16xf32>
        %parallel_loop3A_383 = arith.constant true
        %parallel_loop3A_384 = vector.broadcast %parallel_loop3A_383 : i1 to vector<16xi1>
        %parallel_loop3A_385 = tpu.scan <sum>, %parallel_loop3A_382 masked %parallel_loop3A_384 : vector<16xf32>, vector<16xi1> -> vector<16xf32>
        %parallel_loop3A_386 = arith.constant 0 : i32
        %parallel_loop3A_387 = vector.broadcast %parallel_loop3A_386 : i32 to vector<16xi32>
        %parallel_loop3A_388 = arith.cmpi slt, %broadcast_in_dim3A_46, %parallel_loop3A_387 : vector<16xi32>
        %parallel_loop3A_389 = arith.constant 16 : i32
        %parallel_loop3A_390 = vector.broadcast %parallel_loop3A_389 : i32 to vector<16xi32>
        %parallel_loop3A_391 = arith.addi %broadcast_in_dim3A_46, %parallel_loop3A_390 : vector<16xi32>
        %parallel_loop3A_392 = arith.select %parallel_loop3A_388, %parallel_loop3A_391, %broadcast_in_dim3A_46 : vector<16xi1>, vector<16xi32>
        %parallel_loop3A_393 = vector.shape_cast %parallel_loop3A_392 : vector<16xi32> to vector<16x1xi32>
        %parallel_loop3A_394 = vector.shape_cast %parallel_loop3A_393 : vector<16x1xi32> to vector<16xi32>
        %parallel_loop3A_395 = tpu.dynamic_gather %parallel_loop3A_385[%parallel_loop3A_394] in [0] : vector<16xf32>, vector<16xi32> -> vector<16xf32>
        %parallel_loop3A_396 = arith.select %eq3A_63, %parallel_loop3A_395, %parallel_loop3A_354 : vector<16xi1>, vector<16xf32>
        %parallel_loop3A_397 = arith.index_cast %parallel_loop3A_144 : i32 to index
        %parallel_loop3A_398 = arith.constant 192 : index
        %parallel_loop3A_399 = tpu.vector_load %arg4[%parallel_loop3A_397, %parallel_loop3A_398] {strides = array<i32>} : memref<64x256xf32, #tpu.memory_space<vmem>>, vector<16xf32>,
        %parallel_loop3A_400 = arith.index_cast %parallel_loop3A_144 : i32 to index
        %parallel_loop3A_401 = arith.constant 208 : index
        %parallel_loop3A_402 = tpu.vector_load %arg4[%parallel_loop3A_400, %parallel_loop3A_401] {strides = array<i32>} : memref<64x256xf32, #tpu.memory_space<vmem>>, vector<16xf32>,
        %parallel_loop3A_403 = arith.addf %parallel_loop3A_399, %parallel_loop3A_402 : vector<16xf32>
        %parallel_loop3A_404 = arith.constant true
        %parallel_loop3A_405 = vector.broadcast %parallel_loop3A_404 : i1 to vector<16xi1>
        %parallel_loop3A_406 = tpu.scan <sum>, %parallel_loop3A_403 masked %parallel_loop3A_405 : vector<16xf32>, vector<16xi1> -> vector<16xf32>
        %parallel_loop3A_407 = arith.constant 0 : i32
        %parallel_loop3A_408 = vector.broadcast %parallel_loop3A_407 : i32 to vector<16xi32>
        %parallel_loop3A_409 = arith.cmpi slt, %broadcast_in_dim3A_46, %parallel_loop3A_408 : vector<16xi32>
        %parallel_loop3A_410 = arith.constant 16 : i32
        %parallel_loop3A_411 = vector.broadcast %parallel_loop3A_410 : i32 to vector<16xi32>
        %parallel_loop3A_412 = arith.addi %broadcast_in_dim3A_46, %parallel_loop3A_411 : vector<16xi32>
        %parallel_loop3A_413 = arith.select %parallel_loop3A_409, %parallel_loop3A_412, %broadcast_in_dim3A_46 : vector<16xi1>, vector<16xi32>
        %parallel_loop3A_414 = vector.shape_cast %parallel_loop3A_413 : vector<16xi32> to vector<16x1xi32>
        %parallel_loop3A_415 = vector.shape_cast %parallel_loop3A_414 : vector<16x1xi32> to vector<16xi32>
        %parallel_loop3A_416 = tpu.dynamic_gather %parallel_loop3A_406[%parallel_loop3A_415] in [0] : vector<16xf32>, vector<16xi32> -> vector<16xf32>
        %parallel_loop3A_417 = arith.constant 3.125000e-02 : f32
        %parallel_loop3A_418 = vector.broadcast %parallel_loop3A_417 : f32 to vector<16xf32>
        %parallel_loop3A_419 = arith.mulf %parallel_loop3A_416, %parallel_loop3A_418 : vector<16xf32>
        %parallel_loop3A_420 = arith.subf %parallel_loop3A_399, %parallel_loop3A_419 : vector<16xf32>
        %parallel_loop3A_421 = arith.subf %parallel_loop3A_402, %parallel_loop3A_419 : vector<16xf32>
        %parallel_loop3A_422 = arith.mulf %parallel_loop3A_420, %parallel_loop3A_420 : vector<16xf32>
        %parallel_loop3A_423 = arith.mulf %parallel_loop3A_421, %parallel_loop3A_421 : vector<16xf32>
        %parallel_loop3A_424 = arith.addf %parallel_loop3A_422, %parallel_loop3A_423 : vector<16xf32>
        %parallel_loop3A_425 = arith.constant true
        %parallel_loop3A_426 = vector.broadcast %parallel_loop3A_425 : i1 to vector<16xi1>
        %parallel_loop3A_427 = tpu.scan <sum>, %parallel_loop3A_424 masked %parallel_loop3A_426 : vector<16xf32>, vector<16xi1> -> vector<16xf32>
        %parallel_loop3A_428 = arith.constant 0 : i32
        %parallel_loop3A_429 = vector.broadcast %parallel_loop3A_428 : i32 to vector<16xi32>
        %parallel_loop3A_430 = arith.cmpi slt, %broadcast_in_dim3A_46, %parallel_loop3A_429 : vector<16xi32>
        %parallel_loop3A_431 = arith.constant 16 : i32
        %parallel_loop3A_432 = vector.broadcast %parallel_loop3A_431 : i32 to vector<16xi32>
        %parallel_loop3A_433 = arith.addi %broadcast_in_dim3A_46, %parallel_loop3A_432 : vector<16xi32>
        %parallel_loop3A_434 = arith.select %parallel_loop3A_430, %parallel_loop3A_433, %broadcast_in_dim3A_46 : vector<16xi1>, vector<16xi32>
        %parallel_loop3A_435 = vector.shape_cast %parallel_loop3A_434 : vector<16xi32> to vector<16x1xi32>
        %parallel_loop3A_436 = vector.shape_cast %parallel_loop3A_435 : vector<16x1xi32> to vector<16xi32>
        %parallel_loop3A_437 = tpu.dynamic_gather %parallel_loop3A_427[%parallel_loop3A_436] in [0] : vector<16xf32>, vector<16xi32> -> vector<16xf32>
        %parallel_loop3A_438 = arith.select %eq3A_66, %parallel_loop3A_437, %parallel_loop3A_396 : vector<16xi1>, vector<16xf32>
        %parallel_loop3A_439 = arith.index_cast %parallel_loop3A_144 : i32 to index
        %parallel_loop3A_440 = arith.constant 224 : index
        %parallel_loop3A_441 = tpu.vector_load %arg4[%parallel_loop3A_439, %parallel_loop3A_440] {strides = array<i32>} : memref<64x256xf32, #tpu.memory_space<vmem>>, vector<16xf32>,
        %parallel_loop3A_442 = arith.index_cast %parallel_loop3A_144 : i32 to index
        %parallel_loop3A_443 = arith.constant 240 : index
        %parallel_loop3A_444 = tpu.vector_load %arg4[%parallel_loop3A_442, %parallel_loop3A_443] {strides = array<i32>} : memref<64x256xf32, #tpu.memory_space<vmem>>, vector<16xf32>,
        %parallel_loop3A_445 = arith.addf %parallel_loop3A_441, %parallel_loop3A_444 : vector<16xf32>
        %parallel_loop3A_446 = arith.constant true
        %parallel_loop3A_447 = vector.broadcast %parallel_loop3A_446 : i1 to vector<16xi1>
        %parallel_loop3A_448 = tpu.scan <sum>, %parallel_loop3A_445 masked %parallel_loop3A_447 : vector<16xf32>, vector<16xi1> -> vector<16xf32>
        %parallel_loop3A_449 = arith.constant 0 : i32
        %parallel_loop3A_450 = vector.broadcast %parallel_loop3A_449 : i32 to vector<16xi32>
        %parallel_loop3A_451 = arith.cmpi slt, %broadcast_in_dim3A_46, %parallel_loop3A_450 : vector<16xi32>
        %parallel_loop3A_452 = arith.constant 16 : i32
        %parallel_loop3A_453 = vector.broadcast %parallel_loop3A_452 : i32 to vector<16xi32>
        %parallel_loop3A_454 = arith.addi %broadcast_in_dim3A_46, %parallel_loop3A_453 : vector<16xi32>
        %parallel_loop3A_455 = arith.select %parallel_loop3A_451, %parallel_loop3A_454, %broadcast_in_dim3A_46 : vector<16xi1>, vector<16xi32>
        %parallel_loop3A_456 = vector.shape_cast %parallel_loop3A_455 : vector<16xi32> to vector<16x1xi32>
        %parallel_loop3A_457 = vector.shape_cast %parallel_loop3A_456 : vector<16x1xi32> to vector<16xi32>
        %parallel_loop3A_458 = tpu.dynamic_gather %parallel_loop3A_448[%parallel_loop3A_457] in [0] : vector<16xf32>, vector<16xi32> -> vector<16xf32>
        %parallel_loop3A_459 = arith.constant 3.125000e-02 : f32
        %parallel_loop3A_460 = vector.broadcast %parallel_loop3A_459 : f32 to vector<16xf32>
        %parallel_loop3A_461 = arith.mulf %parallel_loop3A_458, %parallel_loop3A_460 : vector<16xf32>
        %parallel_loop3A_462 = arith.subf %parallel_loop3A_441, %parallel_loop3A_461 : vector<16xf32>
        %parallel_loop3A_463 = arith.subf %parallel_loop3A_444, %parallel_loop3A_461 : vector<16xf32>
        %parallel_loop3A_464 = arith.mulf %parallel_loop3A_462, %parallel_loop3A_462 : vector<16xf32>
        %parallel_loop3A_465 = arith.mulf %parallel_loop3A_463, %parallel_loop3A_463 : vector<16xf32>
        %parallel_loop3A_466 = arith.addf %parallel_loop3A_464, %parallel_loop3A_465 : vector<16xf32>
        %parallel_loop3A_467 = arith.constant true
        %parallel_loop3A_468 = vector.broadcast %parallel_loop3A_467 : i1 to vector<16xi1>
        %parallel_loop3A_469 = tpu.scan <sum>, %parallel_loop3A_466 masked %parallel_loop3A_468 : vector<16xf32>, vector<16xi1> -> vector<16xf32>
        %parallel_loop3A_470 = arith.constant 0 : i32
        %parallel_loop3A_471 = vector.broadcast %parallel_loop3A_470 : i32 to vector<16xi32>
        %parallel_loop3A_472 = arith.cmpi slt, %broadcast_in_dim3A_46, %parallel_loop3A_471 : vector<16xi32>
        %parallel_loop3A_473 = arith.constant 16 : i32
        %parallel_loop3A_474 = vector.broadcast %parallel_loop3A_473 : i32 to vector<16xi32>
        %parallel_loop3A_475 = arith.addi %broadcast_in_dim3A_46, %parallel_loop3A_474 : vector<16xi32>
        %parallel_loop3A_476 = arith.select %parallel_loop3A_472, %parallel_loop3A_475, %broadcast_in_dim3A_46 : vector<16xi1>, vector<16xi32>
        %parallel_loop3A_477 = vector.shape_cast %parallel_loop3A_476 : vector<16xi32> to vector<16x1xi32>
        %parallel_loop3A_478 = vector.shape_cast %parallel_loop3A_477 : vector<16x1xi32> to vector<16xi32>
        %parallel_loop3A_479 = tpu.dynamic_gather %parallel_loop3A_469[%parallel_loop3A_478] in [0] : vector<16xf32>, vector<16xi32> -> vector<16xf32>
        %parallel_loop3A_480 = arith.select %eq3A_69, %parallel_loop3A_479, %parallel_loop3A_438 : vector<16xi1>, vector<16xf32>
        %parallel_loop3A_481 = arith.constant 0.0322580636 : f32
        %parallel_loop3A_482 = vector.broadcast %parallel_loop3A_481 : f32 to vector<16xf32>
        %parallel_loop3A_483 = arith.mulf %parallel_loop3A_480, %parallel_loop3A_482 : vector<16xf32>
        %parallel_loop3A_484 = tpu.bitcast %parallel_loop3A_483 : vector<16xf32> -> vector<16xi32>
        %parallel_loop3A_485 = arith.constant 1 : i32
        %parallel_loop3A_486 = vector.broadcast %parallel_loop3A_485 : i32 to vector<16xi32>
        %parallel_loop3A_487 = arith.shrui %parallel_loop3A_484, %parallel_loop3A_486 : vector<16xi32>
        %parallel_loop3A_488 = arith.constant 1597463007 : i32
        %parallel_loop3A_489 = vector.broadcast %parallel_loop3A_488 : i32 to vector<16xi32>
        %parallel_loop3A_490 = arith.subi %parallel_loop3A_489, %parallel_loop3A_487 : vector<16xi32>
        %parallel_loop3A_491 = tpu.bitcast %parallel_loop3A_490 : vector<16xi32> -> vector<16xf32>
        %parallel_loop3A_492 = arith.constant 5.000000e-01 : f32
        %parallel_loop3A_493 = vector.broadcast %parallel_loop3A_492 : f32 to vector<16xf32>
        %parallel_loop3A_494 = arith.mulf %parallel_loop3A_493, %parallel_loop3A_483 : vector<16xf32>
        %parallel_loop3A_495 = arith.mulf %parallel_loop3A_494, %parallel_loop3A_491 : vector<16xf32>
        %parallel_loop3A_496 = arith.mulf %parallel_loop3A_495, %parallel_loop3A_491 : vector<16xf32>
        %parallel_loop3A_497 = arith.constant 1.500000e+00 : f32
        %parallel_loop3A_498 = vector.broadcast %parallel_loop3A_497 : f32 to vector<16xf32>
        %parallel_loop3A_499 = arith.subf %parallel_loop3A_498, %parallel_loop3A_496 : vector<16xf32>
        %parallel_loop3A_500 = arith.mulf %parallel_loop3A_491, %parallel_loop3A_499 : vector<16xf32>
        %parallel_loop3A_501 = arith.mulf %parallel_loop3A_494, %parallel_loop3A_500 : vector<16xf32>
        %parallel_loop3A_502 = arith.mulf %parallel_loop3A_501, %parallel_loop3A_500 : vector<16xf32>
        %parallel_loop3A_503 = arith.constant 1.500000e+00 : f32
        %parallel_loop3A_504 = vector.broadcast %parallel_loop3A_503 : f32 to vector<16xf32>
        %parallel_loop3A_505 = arith.subf %parallel_loop3A_504, %parallel_loop3A_502 : vector<16xf32>
        %parallel_loop3A_506 = arith.mulf %parallel_loop3A_500, %parallel_loop3A_505 : vector<16xf32>
        %parallel_loop3A_507 = arith.mulf %parallel_loop3A_483, %parallel_loop3A_506 : vector<16xf32>
        %parallel_loop3A_508 = arith.constant 1.000000e+00 : f32
        %parallel_loop3A_509 = vector.broadcast %parallel_loop3A_508 : f32 to vector<16xf32>
        %parallel_loop3A_510 = arith.constant 9.99999974E-6 : f32
        %parallel_loop3A_511 = vector.broadcast %parallel_loop3A_510 : f32 to vector<16xf32>
        %parallel_loop3A_512 = arith.addf %parallel_loop3A_507, %parallel_loop3A_511 : vector<16xf32>
        %parallel_loop3A_513 = arith.divf %parallel_loop3A_509, %parallel_loop3A_512 : vector<16xf32>
        %parallel_loop3A_514 = arith.constant 0 : i32
        %parallel_loop3A_515 = vector.broadcast %parallel_loop3A_514 : i32 to vector<16xi32>
        %parallel_loop3A_516 = arith.constant 0 : i32
        %parallel_loop3A_517 = vector.broadcast %parallel_loop3A_516 : i32 to vector<16xi32>
        %parallel_loop3A_518 = arith.cmpi slt, %parallel_loop3A_515, %parallel_loop3A_517 : vector<16xi32>
        %parallel_loop3A_519 = arith.constant 16 : i32
        %parallel_loop3A_520 = vector.broadcast %parallel_loop3A_519 : i32 to vector<16xi32>
        %parallel_loop3A_521 = arith.addi %parallel_loop3A_515, %parallel_loop3A_520 : vector<16xi32>
        %parallel_loop3A_522 = arith.select %parallel_loop3A_518, %parallel_loop3A_521, %parallel_loop3A_515 : vector<16xi1>, vector<16xi32>
        %parallel_loop3A_523 = vector.shape_cast %parallel_loop3A_522 : vector<16xi32> to vector<16x1xi32>
        %parallel_loop3A_524 = vector.shape_cast %parallel_loop3A_523 : vector<16x1xi32> to vector<16xi32>
        %parallel_loop3A_525 = tpu.dynamic_gather %parallel_loop3A_513[%parallel_loop3A_524] in [0] : vector<16xf32>, vector<16xi32> -> vector<16xf32>
        %parallel_loop3A_526 = arith.mulf %parallel_loop3A_168, %parallel_loop3A_525 : vector<16xf32>
        %parallel_loop3A_527 = arith.constant 256 : i32
        %parallel_loop3A_528 = arith.muli %parallel_loop3A_144, %parallel_loop3A_527 : i32
        %parallel_loop3A_529 = arith.constant 0 : i32
        %parallel_loop3A_530 = arith.addi %parallel_loop3A_528, %parallel_loop3A_529 : i32
        %parallel_loop3A_531 = arith.index_cast %parallel_loop3A_530 : i32 to index
        %parallel_loop3A_532 = tpu.vector_load %arg6[%parallel_loop3A_531] {strides = array<i32>} : memref<16384xf32, #tpu.memory_space<vmem>>, vector<16xf32>,
        tpu.vector_store %arg6[%parallel_loop3A_531], %parallel_loop3A_526 {strides = array<i32>} : memref<16384xf32, #tpu.memory_space<vmem>>, vector<16xf32>,
        %parallel_loop3A_533 = arith.mulf %parallel_loop3A_169, %parallel_loop3A_525 : vector<16xf32>
        %parallel_loop3A_534 = arith.constant 256 : i32
        %parallel_loop3A_535 = arith.muli %parallel_loop3A_144, %parallel_loop3A_534 : i32
        %parallel_loop3A_536 = arith.constant 0 : i32
        %parallel_loop3A_537 = arith.addi %parallel_loop3A_535, %parallel_loop3A_536 : i32
        %parallel_loop3A_538 = arith.constant 16 : i32
        %parallel_loop3A_539 = arith.addi %parallel_loop3A_537, %parallel_loop3A_538 : i32
        %parallel_loop3A_540 = arith.index_cast %parallel_loop3A_539 : i32 to index
        %parallel_loop3A_541 = tpu.vector_load %arg6[%parallel_loop3A_540] {strides = array<i32>} : memref<16384xf32, #tpu.memory_space<vmem>>, vector<16xf32>,
        tpu.vector_store %arg6[%parallel_loop3A_540], %parallel_loop3A_533 {strides = array<i32>} : memref<16384xf32, #tpu.memory_space<vmem>>, vector<16xf32>,
        %parallel_loop3A_542 = arith.constant 1 : i32
        %parallel_loop3A_543 = vector.broadcast %parallel_loop3A_542 : i32 to vector<16xi32>
        %parallel_loop3A_544 = arith.constant 0 : i32
        %parallel_loop3A_545 = vector.broadcast %parallel_loop3A_544 : i32 to vector<16xi32>
        %parallel_loop3A_546 = arith.cmpi slt, %parallel_loop3A_543, %parallel_loop3A_545 : vector<16xi32>
        %parallel_loop3A_547 = arith.constant 16 : i32
        %parallel_loop3A_548 = vector.broadcast %parallel_loop3A_547 : i32 to vector<16xi32>
        %parallel_loop3A_549 = arith.addi %parallel_loop3A_543, %parallel_loop3A_548 : vector<16xi32>
        %parallel_loop3A_550 = arith.select %parallel_loop3A_546, %parallel_loop3A_549, %parallel_loop3A_543 : vector<16xi1>, vector<16xi32>
        %parallel_loop3A_551 = vector.shape_cast %parallel_loop3A_550 : vector<16xi32> to vector<16x1xi32>
        %parallel_loop3A_552 = vector.shape_cast %parallel_loop3A_551 : vector<16x1xi32> to vector<16xi32>
        %parallel_loop3A_553 = tpu.dynamic_gather %parallel_loop3A_513[%parallel_loop3A_552] in [0] : vector<16xf32>, vector<16xi32> -> vector<16xf32>
        %parallel_loop3A_554 = arith.mulf %parallel_loop3A_210, %parallel_loop3A_553 : vector<16xf32>
        %parallel_loop3A_555 = arith.constant 256 : i32
        %parallel_loop3A_556 = arith.muli %parallel_loop3A_144, %parallel_loop3A_555 : i32
        %parallel_loop3A_557 = arith.constant 32 : i32
        %parallel_loop3A_558 = arith.addi %parallel_loop3A_556, %parallel_loop3A_557 : i32
        %parallel_loop3A_559 = arith.index_cast %parallel_loop3A_558 : i32 to index
        %parallel_loop3A_560 = tpu.vector_load %arg6[%parallel_loop3A_559] {strides = array<i32>} : memref<16384xf32, #tpu.memory_space<vmem>>, vector<16xf32>,
        tpu.vector_store %arg6[%parallel_loop3A_559], %parallel_loop3A_554 {strides = array<i32>} : memref<16384xf32, #tpu.memory_space<vmem>>, vector<16xf32>,
        %parallel_loop3A_561 = arith.mulf %parallel_loop3A_211, %parallel_loop3A_553 : vector<16xf32>
        %parallel_loop3A_562 = arith.constant 256 : i32
        %parallel_loop3A_563 = arith.muli %parallel_loop3A_144, %parallel_loop3A_562 : i32
        %parallel_loop3A_564 = arith.constant 32 : i32
        %parallel_loop3A_565 = arith.addi %parallel_loop3A_563, %parallel_loop3A_564 : i32
        %parallel_loop3A_566 = arith.constant 16 : i32
        %parallel_loop3A_567 = arith.addi %parallel_loop3A_565, %parallel_loop3A_566 : i32
        %parallel_loop3A_568 = arith.index_cast %parallel_loop3A_567 : i32 to index
        %parallel_loop3A_569 = tpu.vector_load %arg6[%parallel_loop3A_568] {strides = array<i32>} : memref<16384xf32, #tpu.memory_space<vmem>>, vector<16xf32>,
        tpu.vector_store %arg6[%parallel_loop3A_568], %parallel_loop3A_561 {strides = array<i32>} : memref<16384xf32, #tpu.memory_space<vmem>>, vector<16xf32>,
        %parallel_loop3A_570 = arith.constant 2 : i32
        %parallel_loop3A_571 = vector.broadcast %parallel_loop3A_570 : i32 to vector<16xi32>
        %parallel_loop3A_572 = arith.constant 0 : i32
        %parallel_loop3A_573 = vector.broadcast %parallel_loop3A_572 : i32 to vector<16xi32>
        %parallel_loop3A_574 = arith.cmpi slt, %parallel_loop3A_571, %parallel_loop3A_573 : vector<16xi32>
        %parallel_loop3A_575 = arith.constant 16 : i32
        %parallel_loop3A_576 = vector.broadcast %parallel_loop3A_575 : i32 to vector<16xi32>
        %parallel_loop3A_577 = arith.addi %parallel_loop3A_571, %parallel_loop3A_576 : vector<16xi32>
        %parallel_loop3A_578 = arith.select %parallel_loop3A_574, %parallel_loop3A_577, %parallel_loop3A_571 : vector<16xi1>, vector<16xi32>
        %parallel_loop3A_579 = vector.shape_cast %parallel_loop3A_578 : vector<16xi32> to vector<16x1xi32>
        %parallel_loop3A_580 = vector.shape_cast %parallel_loop3A_579 : vector<16x1xi32> to vector<16xi32>
        %parallel_loop3A_581 = tpu.dynamic_gather %parallel_loop3A_513[%parallel_loop3A_580] in [0] : vector<16xf32>, vector<16xi32> -> vector<16xf32>
        %parallel_loop3A_582 = arith.mulf %parallel_loop3A_252, %parallel_loop3A_581 : vector<16xf32>
        %parallel_loop3A_583 = arith.constant 256 : i32
        %parallel_loop3A_584 = arith.muli %parallel_loop3A_144, %parallel_loop3A_583 : i32
        %parallel_loop3A_585 = arith.constant 64 : i32
        %parallel_loop3A_586 = arith.addi %parallel_loop3A_584, %parallel_loop3A_585 : i32
        %parallel_loop3A_587 = arith.index_cast %parallel_loop3A_586 : i32 to index
        %parallel_loop3A_588 = tpu.vector_load %arg6[%parallel_loop3A_587] {strides = array<i32>} : memref<16384xf32, #tpu.memory_space<vmem>>, vector<16xf32>,
        tpu.vector_store %arg6[%parallel_loop3A_587], %parallel_loop3A_582 {strides = array<i32>} : memref<16384xf32, #tpu.memory_space<vmem>>, vector<16xf32>,
        %parallel_loop3A_589 = arith.mulf %parallel_loop3A_253, %parallel_loop3A_581 : vector<16xf32>
        %parallel_loop3A_590 = arith.constant 256 : i32
        %parallel_loop3A_591 = arith.muli %parallel_loop3A_144, %parallel_loop3A_590 : i32
        %parallel_loop3A_592 = arith.constant 64 : i32
        %parallel_loop3A_593 = arith.addi %parallel_loop3A_591, %parallel_loop3A_592 : i32
        %parallel_loop3A_594 = arith.constant 16 : i32
        %parallel_loop3A_595 = arith.addi %parallel_loop3A_593, %parallel_loop3A_594 : i32
        %parallel_loop3A_596 = arith.index_cast %parallel_loop3A_595 : i32 to index
        %parallel_loop3A_597 = tpu.vector_load %arg6[%parallel_loop3A_596] {strides = array<i32>} : memref<16384xf32, #tpu.memory_space<vmem>>, vector<16xf32>,
        tpu.vector_store %arg6[%parallel_loop3A_596], %parallel_loop3A_589 {strides = array<i32>} : memref<16384xf32, #tpu.memory_space<vmem>>, vector<16xf32>,
        %parallel_loop3A_598 = arith.constant 3 : i32
        %parallel_loop3A_599 = vector.broadcast %parallel_loop3A_598 : i32 to vector<16xi32>
        %parallel_loop3A_600 = arith.constant 0 : i32
        %parallel_loop3A_601 = vector.broadcast %parallel_loop3A_600 : i32 to vector<16xi32>
        %parallel_loop3A_602 = arith.cmpi slt, %parallel_loop3A_599, %parallel_loop3A_601 : vector<16xi32>
        %parallel_loop3A_603 = arith.constant 16 : i32
        %parallel_loop3A_604 = vector.broadcast %parallel_loop3A_603 : i32 to vector<16xi32>
        %parallel_loop3A_605 = arith.addi %parallel_loop3A_599, %parallel_loop3A_604 : vector<16xi32>
        %parallel_loop3A_606 = arith.select %parallel_loop3A_602, %parallel_loop3A_605, %parallel_loop3A_599 : vector<16xi1>, vector<16xi32>
        %parallel_loop3A_607 = vector.shape_cast %parallel_loop3A_606 : vector<16xi32> to vector<16x1xi32>
        %parallel_loop3A_608 = vector.shape_cast %parallel_loop3A_607 : vector<16x1xi32> to vector<16xi32>
        %parallel_loop3A_609 = tpu.dynamic_gather %parallel_loop3A_513[%parallel_loop3A_608] in [0] : vector<16xf32>, vector<16xi32> -> vector<16xf32>
        %parallel_loop3A_610 = arith.mulf %parallel_loop3A_294, %parallel_loop3A_609 : vector<16xf32>
        %parallel_loop3A_611 = arith.constant 256 : i32
        %parallel_loop3A_612 = arith.muli %parallel_loop3A_144, %parallel_loop3A_611 : i32
        %parallel_loop3A_613 = arith.constant 96 : i32
        %parallel_loop3A_614 = arith.addi %parallel_loop3A_612, %parallel_loop3A_613 : i32
        %parallel_loop3A_615 = arith.index_cast %parallel_loop3A_614 : i32 to index
        %parallel_loop3A_616 = tpu.vector_load %arg6[%parallel_loop3A_615] {strides = array<i32>} : memref<16384xf32, #tpu.memory_space<vmem>>, vector<16xf32>,
        tpu.vector_store %arg6[%parallel_loop3A_615], %parallel_loop3A_610 {strides = array<i32>} : memref<16384xf32, #tpu.memory_space<vmem>>, vector<16xf32>,
        %parallel_loop3A_617 = arith.mulf %parallel_loop3A_295, %parallel_loop3A_609 : vector<16xf32>
        %parallel_loop3A_618 = arith.constant 256 : i32
        %parallel_loop3A_619 = arith.muli %parallel_loop3A_144, %parallel_loop3A_618 : i32
        %parallel_loop3A_620 = arith.constant 96 : i32
        %parallel_loop3A_621 = arith.addi %parallel_loop3A_619, %parallel_loop3A_620 : i32
        %parallel_loop3A_622 = arith.constant 16 : i32
        %parallel_loop3A_623 = arith.addi %parallel_loop3A_621, %parallel_loop3A_622 : i32
        %parallel_loop3A_624 = arith.index_cast %parallel_loop3A_623 : i32 to index
        %parallel_loop3A_625 = tpu.vector_load %arg6[%parallel_loop3A_624] {strides = array<i32>} : memref<16384xf32, #tpu.memory_space<vmem>>, vector<16xf32>,
        tpu.vector_store %arg6[%parallel_loop3A_624], %parallel_loop3A_617 {strides = array<i32>} : memref<16384xf32, #tpu.memory_space<vmem>>, vector<16xf32>,
        %parallel_loop3A_626 = arith.constant 4 : i32
        %parallel_loop3A_627 = vector.broadcast %parallel_loop3A_626 : i32 to vector<16xi32>
        %parallel_loop3A_628 = arith.constant 0 : i32
        %parallel_loop3A_629 = vector.broadcast %parallel_loop3A_628 : i32 to vector<16xi32>
        %parallel_loop3A_630 = arith.cmpi slt, %parallel_loop3A_627, %parallel_loop3A_629 : vector<16xi32>
        %parallel_loop3A_631 = arith.constant 16 : i32
        %parallel_loop3A_632 = vector.broadcast %parallel_loop3A_631 : i32 to vector<16xi32>
        %parallel_loop3A_633 = arith.addi %parallel_loop3A_627, %parallel_loop3A_632 : vector<16xi32>
        %parallel_loop3A_634 = arith.select %parallel_loop3A_630, %parallel_loop3A_633, %parallel_loop3A_627 : vector<16xi1>, vector<16xi32>
        %parallel_loop3A_635 = vector.shape_cast %parallel_loop3A_634 : vector<16xi32> to vector<16x1xi32>
        %parallel_loop3A_636 = vector.shape_cast %parallel_loop3A_635 : vector<16x1xi32> to vector<16xi32>
        %parallel_loop3A_637 = tpu.dynamic_gather %parallel_loop3A_513[%parallel_loop3A_636] in [0] : vector<16xf32>, vector<16xi32> -> vector<16xf32>
        %parallel_loop3A_638 = arith.mulf %parallel_loop3A_336, %parallel_loop3A_637 : vector<16xf32>
        %parallel_loop3A_639 = arith.constant 256 : i32
        %parallel_loop3A_640 = arith.muli %parallel_loop3A_144, %parallel_loop3A_639 : i32
        %parallel_loop3A_641 = arith.constant 128 : i32
        %parallel_loop3A_642 = arith.addi %parallel_loop3A_640, %parallel_loop3A_641 : i32
        %parallel_loop3A_643 = arith.index_cast %parallel_loop3A_642 : i32 to index
        %parallel_loop3A_644 = tpu.vector_load %arg6[%parallel_loop3A_643] {strides = array<i32>} : memref<16384xf32, #tpu.memory_space<vmem>>, vector<16xf32>,
        tpu.vector_store %arg6[%parallel_loop3A_643], %parallel_loop3A_638 {strides = array<i32>} : memref<16384xf32, #tpu.memory_space<vmem>>, vector<16xf32>,
        %parallel_loop3A_645 = arith.mulf %parallel_loop3A_337, %parallel_loop3A_637 : vector<16xf32>
        %parallel_loop3A_646 = arith.constant 256 : i32
        %parallel_loop3A_647 = arith.muli %parallel_loop3A_144, %parallel_loop3A_646 : i32
        %parallel_loop3A_648 = arith.constant 128 : i32
        %parallel_loop3A_649 = arith.addi %parallel_loop3A_647, %parallel_loop3A_648 : i32
        %parallel_loop3A_650 = arith.constant 16 : i32
        %parallel_loop3A_651 = arith.addi %parallel_loop3A_649, %parallel_loop3A_650 : i32
        %parallel_loop3A_652 = arith.index_cast %parallel_loop3A_651 : i32 to index
        %parallel_loop3A_653 = tpu.vector_load %arg6[%parallel_loop3A_652] {strides = array<i32>} : memref<16384xf32, #tpu.memory_space<vmem>>, vector<16xf32>,
        tpu.vector_store %arg6[%parallel_loop3A_652], %parallel_loop3A_645 {strides = array<i32>} : memref<16384xf32, #tpu.memory_space<vmem>>, vector<16xf32>,
        %parallel_loop3A_654 = arith.constant 5 : i32
        %parallel_loop3A_655 = vector.broadcast %parallel_loop3A_654 : i32 to vector<16xi32>
        %parallel_loop3A_656 = arith.constant 0 : i32
        %parallel_loop3A_657 = vector.broadcast %parallel_loop3A_656 : i32 to vector<16xi32>
        %parallel_loop3A_658 = arith.cmpi slt, %parallel_loop3A_655, %parallel_loop3A_657 : vector<16xi32>
        %parallel_loop3A_659 = arith.constant 16 : i32
        %parallel_loop3A_660 = vector.broadcast %parallel_loop3A_659 : i32 to vector<16xi32>
        %parallel_loop3A_661 = arith.addi %parallel_loop3A_655, %parallel_loop3A_660 : vector<16xi32>
        %parallel_loop3A_662 = arith.select %parallel_loop3A_658, %parallel_loop3A_661, %parallel_loop3A_655 : vector<16xi1>, vector<16xi32>
        %parallel_loop3A_663 = vector.shape_cast %parallel_loop3A_662 : vector<16xi32> to vector<16x1xi32>
        %parallel_loop3A_664 = vector.shape_cast %parallel_loop3A_663 : vector<16x1xi32> to vector<16xi32>
        %parallel_loop3A_665 = tpu.dynamic_gather %parallel_loop3A_513[%parallel_loop3A_664] in [0] : vector<16xf32>, vector<16xi32> -> vector<16xf32>
        %parallel_loop3A_666 = arith.mulf %parallel_loop3A_378, %parallel_loop3A_665 : vector<16xf32>
        %parallel_loop3A_667 = arith.constant 256 : i32
        %parallel_loop3A_668 = arith.muli %parallel_loop3A_144, %parallel_loop3A_667 : i32
        %parallel_loop3A_669 = arith.constant 160 : i32
        %parallel_loop3A_670 = arith.addi %parallel_loop3A_668, %parallel_loop3A_669 : i32
        %parallel_loop3A_671 = arith.index_cast %parallel_loop3A_670 : i32 to index
        %parallel_loop3A_672 = tpu.vector_load %arg6[%parallel_loop3A_671] {strides = array<i32>} : memref<16384xf32, #tpu.memory_space<vmem>>, vector<16xf32>,
        tpu.vector_store %arg6[%parallel_loop3A_671], %parallel_loop3A_666 {strides = array<i32>} : memref<16384xf32, #tpu.memory_space<vmem>>, vector<16xf32>,
        %parallel_loop3A_673 = arith.mulf %parallel_loop3A_379, %parallel_loop3A_665 : vector<16xf32>
        %parallel_loop3A_674 = arith.constant 256 : i32
        %parallel_loop3A_675 = arith.muli %parallel_loop3A_144, %parallel_loop3A_674 : i32
        %parallel_loop3A_676 = arith.constant 160 : i32
        %parallel_loop3A_677 = arith.addi %parallel_loop3A_675, %parallel_loop3A_676 : i32
        %parallel_loop3A_678 = arith.constant 16 : i32
        %parallel_loop3A_679 = arith.addi %parallel_loop3A_677, %parallel_loop3A_678 : i32
        %parallel_loop3A_680 = arith.index_cast %parallel_loop3A_679 : i32 to index
        %parallel_loop3A_681 = tpu.vector_load %arg6[%parallel_loop3A_680] {strides = array<i32>} : memref<16384xf32, #tpu.memory_space<vmem>>, vector<16xf32>,
        tpu.vector_store %arg6[%parallel_loop3A_680], %parallel_loop3A_673 {strides = array<i32>} : memref<16384xf32, #tpu.memory_space<vmem>>, vector<16xf32>,
        %parallel_loop3A_682 = arith.constant 6 : i32
        %parallel_loop3A_683 = vector.broadcast %parallel_loop3A_682 : i32 to vector<16xi32>
        %parallel_loop3A_684 = arith.constant 0 : i32
        %parallel_loop3A_685 = vector.broadcast %parallel_loop3A_684 : i32 to vector<16xi32>
        %parallel_loop3A_686 = arith.cmpi slt, %parallel_loop3A_683, %parallel_loop3A_685 : vector<16xi32>
        %parallel_loop3A_687 = arith.constant 16 : i32
        %parallel_loop3A_688 = vector.broadcast %parallel_loop3A_687 : i32 to vector<16xi32>
        %parallel_loop3A_689 = arith.addi %parallel_loop3A_683, %parallel_loop3A_688 : vector<16xi32>
        %parallel_loop3A_690 = arith.select %parallel_loop3A_686, %parallel_loop3A_689, %parallel_loop3A_683 : vector<16xi1>, vector<16xi32>
        %parallel_loop3A_691 = vector.shape_cast %parallel_loop3A_690 : vector<16xi32> to vector<16x1xi32>
        %parallel_loop3A_692 = vector.shape_cast %parallel_loop3A_691 : vector<16x1xi32> to vector<16xi32>
        %parallel_loop3A_693 = tpu.dynamic_gather %parallel_loop3A_513[%parallel_loop3A_692] in [0] : vector<16xf32>, vector<16xi32> -> vector<16xf32>
        %parallel_loop3A_694 = arith.mulf %parallel_loop3A_420, %parallel_loop3A_693 : vector<16xf32>
        %parallel_loop3A_695 = arith.constant 256 : i32
        %parallel_loop3A_696 = arith.muli %parallel_loop3A_144, %parallel_loop3A_695 : i32
        %parallel_loop3A_697 = arith.constant 192 : i32
        %parallel_loop3A_698 = arith.addi %parallel_loop3A_696, %parallel_loop3A_697 : i32
        %parallel_loop3A_699 = arith.index_cast %parallel_loop3A_698 : i32 to index
        %parallel_loop3A_700 = tpu.vector_load %arg6[%parallel_loop3A_699] {strides = array<i32>} : memref<16384xf32, #tpu.memory_space<vmem>>, vector<16xf32>,
        tpu.vector_store %arg6[%parallel_loop3A_699], %parallel_loop3A_694 {strides = array<i32>} : memref<16384xf32, #tpu.memory_space<vmem>>, vector<16xf32>,
        %parallel_loop3A_701 = arith.mulf %parallel_loop3A_421, %parallel_loop3A_693 : vector<16xf32>
        %parallel_loop3A_702 = arith.constant 256 : i32
        %parallel_loop3A_703 = arith.muli %parallel_loop3A_144, %parallel_loop3A_702 : i32
        %parallel_loop3A_704 = arith.constant 192 : i32
        %parallel_loop3A_705 = arith.addi %parallel_loop3A_703, %parallel_loop3A_704 : i32
        %parallel_loop3A_706 = arith.constant 16 : i32
        %parallel_loop3A_707 = arith.addi %parallel_loop3A_705, %parallel_loop3A_706 : i32
        %parallel_loop3A_708 = arith.index_cast %parallel_loop3A_707 : i32 to index
        %parallel_loop3A_709 = tpu.vector_load %arg6[%parallel_loop3A_708] {strides = array<i32>} : memref<16384xf32, #tpu.memory_space<vmem>>, vector<16xf32>,
        tpu.vector_store %arg6[%parallel_loop3A_708], %parallel_loop3A_701 {strides = array<i32>} : memref<16384xf32, #tpu.memory_space<vmem>>, vector<16xf32>,
        %parallel_loop3A_710 = arith.constant 7 : i32
        %parallel_loop3A_711 = vector.broadcast %parallel_loop3A_710 : i32 to vector<16xi32>
        %parallel_loop3A_712 = arith.constant 0 : i32
        %parallel_loop3A_713 = vector.broadcast %parallel_loop3A_712 : i32 to vector<16xi32>
        %parallel_loop3A_714 = arith.cmpi slt, %parallel_loop3A_711, %parallel_loop3A_713 : vector<16xi32>
        %parallel_loop3A_715 = arith.constant 16 : i32
        %parallel_loop3A_716 = vector.broadcast %parallel_loop3A_715 : i32 to vector<16xi32>
        %parallel_loop3A_717 = arith.addi %parallel_loop3A_711, %parallel_loop3A_716 : vector<16xi32>
        %parallel_loop3A_718 = arith.select %parallel_loop3A_714, %parallel_loop3A_717, %parallel_loop3A_711 : vector<16xi1>, vector<16xi32>
        %parallel_loop3A_719 = vector.shape_cast %parallel_loop3A_718 : vector<16xi32> to vector<16x1xi32>
        %parallel_loop3A_720 = vector.shape_cast %parallel_loop3A_719 : vector<16x1xi32> to vector<16xi32>
        %parallel_loop3A_721 = tpu.dynamic_gather %parallel_loop3A_513[%parallel_loop3A_720] in [0] : vector<16xf32>, vector<16xi32> -> vector<16xf32>
        %parallel_loop3A_722 = arith.mulf %parallel_loop3A_462, %parallel_loop3A_721 : vector<16xf32>
        %parallel_loop3A_723 = arith.constant 256 : i32
        %parallel_loop3A_724 = arith.muli %parallel_loop3A_144, %parallel_loop3A_723 : i32
        %parallel_loop3A_725 = arith.constant 224 : i32
        %parallel_loop3A_726 = arith.addi %parallel_loop3A_724, %parallel_loop3A_725 : i32
        %parallel_loop3A_727 = arith.index_cast %parallel_loop3A_726 : i32 to index
        %parallel_loop3A_728 = tpu.vector_load %arg6[%parallel_loop3A_727] {strides = array<i32>} : memref<16384xf32, #tpu.memory_space<vmem>>, vector<16xf32>,
        tpu.vector_store %arg6[%parallel_loop3A_727], %parallel_loop3A_722 {strides = array<i32>} : memref<16384xf32, #tpu.memory_space<vmem>>, vector<16xf32>,
        %parallel_loop3A_729 = arith.mulf %parallel_loop3A_463, %parallel_loop3A_721 : vector<16xf32>
        %parallel_loop3A_730 = arith.constant 256 : i32
        %parallel_loop3A_731 = arith.muli %parallel_loop3A_144, %parallel_loop3A_730 : i32
        %parallel_loop3A_732 = arith.constant 224 : i32
        %parallel_loop3A_733 = arith.addi %parallel_loop3A_731, %parallel_loop3A_732 : i32
        %parallel_loop3A_734 = arith.constant 16 : i32
        %parallel_loop3A_735 = arith.addi %parallel_loop3A_733, %parallel_loop3A_734 : i32
        %parallel_loop3A_736 = arith.index_cast %parallel_loop3A_735 : i32 to index
        %parallel_loop3A_737 = tpu.vector_load %arg6[%parallel_loop3A_736] {strides = array<i32>} : memref<16384xf32, #tpu.memory_space<vmem>>, vector<16xf32>,
        tpu.vector_store %arg6[%parallel_loop3A_736], %parallel_loop3A_729 {strides = array<i32>} : memref<16384xf32, #tpu.memory_space<vmem>>, vector<16xf32>,
      } {sc.loop_unroll_factor = 1 : i64, sc.parallel_access}
      %mul3A_74 = arith.constant 64 : i32
      %mul3A_75 = arith.muli %add3A_30, %mul3A_74 : i32
      %add3A_76 = arith.addi %mul3A_2, %mul3A_75 : i32
      %mul3A_77 = arith.constant 256 : i32
      %mul3A_78 = arith.muli %add3A_76, %mul3A_77 : i32
      %dma_start3A_79 = tpu.memref_slice %arg3[%mul3A_78] : memref<16777216xf32, #tpu.memory_space<hbm>> -> memref<16384xf32, #tpu.memory_space<hbm>>
      %dma_start3A_80 = tpu.memref_slice %arg3[%mul3A_78] : memref<16777216xf32, #tpu.memory_space<hbm>> -> memref<16384xf32, #tpu.memory_space<hbm>>
      tpu.enqueue_dma source(%arg6 : memref<16384xf32, #tpu.memory_space<vmem>>) target(%dma_start3A_80 : memref<16384xf32, #tpu.memory_space<hbm>>) target_semaphore(%arg10 : memref<!tpu.dma_semaphore, #tpu.memory_space<semaphore_mem>>)
      %mul3A_81 = arith.constant 2 : i32
      %mul3A_82 = arith.muli %scan3A_25, %mul3A_81 : i32
      %add3A_83 = arith.constant 1 : i32
      %add3A_84 = arith.addi %mul3A_82, %add3A_83 : i32
      %add3A_85 = arith.constant 1 : i32
      %add3A_86 = arith.addi %add3A_84, %add3A_85 : i32
      %lt3A_87 = arith.constant 32 : i32
      %lt3A_88 = arith.cmpi slt, %add3A_86, %lt3A_87 : i32
      %convert_element_type3A_89 = arith.extui %lt3A_88 : i1 to i32
      %cond3A_90 = arith.constant 0 : i32
      %cond3A_91 = arith.cmpi ne, %convert_element_type3A_89, %cond3A_90 : i32
      scf.if %cond3A_91 {
        %add3A_144 = arith.constant 1 : i32
        %add3A_145 = arith.addi %add3A_84, %add3A_144 : i32
        %mul3A_146 = arith.constant 64 : i32
        %mul3A_147 = arith.muli %add3A_145, %mul3A_146 : i32
        %add3A_148 = arith.addi %mul3A_2, %mul3A_147 : i32
        %dma_start3A_149 = arith.constant 0 : i32
        %dma_start3A_150 = tpu.memref_slice %arg2[%add3A_148, %dma_start3A_149] : memref<65536x256xf32, #tpu.memory_space<hbm>> -> memref<64x256xf32, #tpu.memory_space<hbm>>
        %dma_start3A_151 = arith.constant 0 : i32
        %dma_start3A_152 = tpu.memref_slice %arg2[%add3A_148, %dma_start3A_151] : memref<65536x256xf32, #tpu.memory_space<hbm>> -> memref<64x256xf32, #tpu.memory_space<hbm>>
        tpu.enqueue_dma source(%dma_start3A_152 : memref<64x256xf32, #tpu.memory_space<hbm>>) target(%arg4 : memref<64x256xf32, #tpu.memory_space<vmem>>) target_semaphore(%arg8 : memref<!tpu.dma_semaphore, #tpu.memory_space<semaphore_mem>>)
      } else {
      }
      %mul3A_92 = arith.constant 64 : i32
      %mul3A_93 = arith.muli %add3A_84, %mul3A_92 : i32
      %add3A_94 = arith.addi %mul3A_2, %mul3A_93 : i32
      %dma_wait3A_95 = arith.constant 0 : i32
      %dma_wait3A_96 = tpu.memref_slice %arg2[%add3A_94, %dma_wait3A_95] : memref<65536x256xf32, #tpu.memory_space<hbm>> -> memref<64x256xf32, #tpu.memory_space<hbm>>
      %dma_wait3A_97 = arith.constant 0 : i32
      %dma_wait3A_98 = tpu.memref_slice %arg2[%add3A_94, %dma_wait3A_97] : memref<65536x256xf32, #tpu.memory_space<hbm>> -> memref<64x256xf32, #tpu.memory_space<hbm>>
      tpu.wait_dma2 semaphore(%arg9 : memref<!tpu.dma_semaphore, #tpu.memory_space<semaphore_mem>>) src(%dma_wait3A_98 : memref<64x256xf32, #tpu.memory_space<hbm>>) dst(%arg5 : memref<64x256xf32, #tpu.memory_space<vmem>>)
      %ge3A_99 = arith.constant 2 : i32
      %ge3A_100 = arith.cmpi sge, %add3A_84, %ge3A_99 : i32
      %convert_element_type3A_101 = arith.extui %ge3A_100 : i1 to i32
      %cond3A_102 = arith.constant 0 : i32
      %cond3A_103 = arith.cmpi ne, %convert_element_type3A_101, %cond3A_102 : i32
      scf.if %cond3A_103 {
        %mul3A_144 = arith.constant 64 : i32
        %mul3A_145 = arith.muli %add3A_84, %mul3A_144 : i32
        %add3A_146 = arith.addi %mul3A_2, %mul3A_145 : i32
        %mul3A_147 = arith.constant 256 : i32
        %mul3A_148 = arith.muli %add3A_146, %mul3A_147 : i32
        %dma_wait3A_149 = tpu.memref_slice %arg3[%mul3A_148] : memref<16777216xf32, #tpu.memory_space<hbm>> -> memref<16384xf32, #tpu.memory_space<hbm>>
        %dma_wait3A_150 = tpu.memref_slice %arg3[%mul3A_148] : memref<16777216xf32, #tpu.memory_space<hbm>> -> memref<16384xf32, #tpu.memory_space<hbm>>
        tpu.wait_dma2 semaphore(%arg11 : memref<!tpu.dma_semaphore, #tpu.memory_space<semaphore_mem>>) src(%arg7 : memref<16384xf32, #tpu.memory_space<vmem>>) dst(%dma_wait3A_150 : memref<16384xf32, #tpu.memory_space<hbm>>)
      } else {
      }
      %iota3A_104 = tpu.iota {dimensions = array<i32: 0>} : vector<16xi32>
      %broadcast_in_dim3A_105 = arith.constant 15 : i32
      %broadcast_in_dim3A_106 = vector.broadcast %broadcast_in_dim3A_105 : i32 to vector<16xi32>
      %eq3A_107 = arith.constant 0 : i32
      %eq3A_108 = vector.broadcast %eq3A_107 : i32 to vector<16xi32>
      %eq3A_109 = arith.cmpi eq, %iota3A_104, %eq3A_108 : vector<16xi32>
      %eq3A_110 = arith.constant 1 : i32
      %eq3A_111 = vector.broadcast %eq3A_110 : i32 to vector<16xi32>
      %eq3A_112 = arith.cmpi eq, %iota3A_104, %eq3A_111 : vector<16xi32>
      %eq3A_113 = arith.constant 2 : i32
      %eq3A_114 = vector.broadcast %eq3A_113 : i32 to vector<16xi32>
      %eq3A_115 = arith.cmpi eq, %iota3A_104, %eq3A_114 : vector<16xi32>
      %eq3A_116 = arith.constant 3 : i32
      %eq3A_117 = vector.broadcast %eq3A_116 : i32 to vector<16xi32>
      %eq3A_118 = arith.cmpi eq, %iota3A_104, %eq3A_117 : vector<16xi32>
      %eq3A_119 = arith.constant 4 : i32
      %eq3A_120 = vector.broadcast %eq3A_119 : i32 to vector<16xi32>
      %eq3A_121 = arith.cmpi eq, %iota3A_104, %eq3A_120 : vector<16xi32>
      %eq3A_122 = arith.constant 5 : i32
      %eq3A_123 = vector.broadcast %eq3A_122 : i32 to vector<16xi32>
      %eq3A_124 = arith.cmpi eq, %iota3A_104, %eq3A_123 : vector<16xi32>
      %eq3A_125 = arith.constant 6 : i32
      %eq3A_126 = vector.broadcast %eq3A_125 : i32 to vector<16xi32>
      %eq3A_127 = arith.cmpi eq, %iota3A_104, %eq3A_126 : vector<16xi32>
      %eq3A_128 = arith.constant 7 : i32
      %eq3A_129 = vector.broadcast %eq3A_128 : i32 to vector<16xi32>
      %eq3A_130 = arith.cmpi eq, %iota3A_104, %eq3A_129 : vector<16xi32>
      %broadcast_in_dim3A_131 = arith.constant 0.000000e+00 : f32
      %broadcast_in_dim3A_132 = vector.broadcast %broadcast_in_dim3A_131 : f32 to vector<16xf32>
      %parallel_loop3A_133 = arith.constant 0 : i32
      %parallel_loop3A_134 = arith.constant 64 : i32
      %parallel_loop3A_135 = arith.constant 1 : i32
      scf.for %parallel_loop3A_144 = %parallel_loop3A_133 to %parallel_loop3A_134 step %parallel_loop3A_135  : i32 {
        %parallel_loop3A_145 = arith.index_cast %parallel_loop3A_144 : i32 to index
        %parallel_loop3A_146 = arith.constant 0 : index
        %parallel_loop3A_147 = tpu.vector_load %arg5[%parallel_loop3A_145, %parallel_loop3A_146] {strides = array<i32>} : memref<64x256xf32, #tpu.memory_space<vmem>>, vector<16xf32>,
        %parallel_loop3A_148 = arith.index_cast %parallel_loop3A_144 : i32 to index
        %parallel_loop3A_149 = arith.constant 16 : index
        %parallel_loop3A_150 = tpu.vector_load %arg5[%parallel_loop3A_148, %parallel_loop3A_149] {strides = array<i32>} : memref<64x256xf32, #tpu.memory_space<vmem>>, vector<16xf32>,
        %parallel_loop3A_151 = arith.addf %parallel_loop3A_147, %parallel_loop3A_150 : vector<16xf32>
        %parallel_loop3A_152 = arith.constant true
        %parallel_loop3A_153 = vector.broadcast %parallel_loop3A_152 : i1 to vector<16xi1>
        %parallel_loop3A_154 = tpu.scan <sum>, %parallel_loop3A_151 masked %parallel_loop3A_153 : vector<16xf32>, vector<16xi1> -> vector<16xf32>
        %parallel_loop3A_155 = arith.constant 0 : i32
        %parallel_loop3A_156 = vector.broadcast %parallel_loop3A_155 : i32 to vector<16xi32>
        %parallel_loop3A_157 = arith.cmpi slt, %broadcast_in_dim3A_106, %parallel_loop3A_156 : vector<16xi32>
        %parallel_loop3A_158 = arith.constant 16 : i32
        %parallel_loop3A_159 = vector.broadcast %parallel_loop3A_158 : i32 to vector<16xi32>
        %parallel_loop3A_160 = arith.addi %broadcast_in_dim3A_106, %parallel_loop3A_159 : vector<16xi32>
        %parallel_loop3A_161 = arith.select %parallel_loop3A_157, %parallel_loop3A_160, %broadcast_in_dim3A_106 : vector<16xi1>, vector<16xi32>
        %parallel_loop3A_162 = vector.shape_cast %parallel_loop3A_161 : vector<16xi32> to vector<16x1xi32>
        %parallel_loop3A_163 = vector.shape_cast %parallel_loop3A_162 : vector<16x1xi32> to vector<16xi32>
        %parallel_loop3A_164 = tpu.dynamic_gather %parallel_loop3A_154[%parallel_loop3A_163] in [0] : vector<16xf32>, vector<16xi32> -> vector<16xf32>
        %parallel_loop3A_165 = arith.constant 3.125000e-02 : f32
        %parallel_loop3A_166 = vector.broadcast %parallel_loop3A_165 : f32 to vector<16xf32>
        %parallel_loop3A_167 = arith.mulf %parallel_loop3A_164, %parallel_loop3A_166 : vector<16xf32>
        %parallel_loop3A_168 = arith.subf %parallel_loop3A_147, %parallel_loop3A_167 : vector<16xf32>
        %parallel_loop3A_169 = arith.subf %parallel_loop3A_150, %parallel_loop3A_167 : vector<16xf32>
        %parallel_loop3A_170 = arith.mulf %parallel_loop3A_168, %parallel_loop3A_168 : vector<16xf32>
        %parallel_loop3A_171 = arith.mulf %parallel_loop3A_169, %parallel_loop3A_169 : vector<16xf32>
        %parallel_loop3A_172 = arith.addf %parallel_loop3A_170, %parallel_loop3A_171 : vector<16xf32>
        %parallel_loop3A_173 = arith.constant true
        %parallel_loop3A_174 = vector.broadcast %parallel_loop3A_173 : i1 to vector<16xi1>
        %parallel_loop3A_175 = tpu.scan <sum>, %parallel_loop3A_172 masked %parallel_loop3A_174 : vector<16xf32>, vector<16xi1> -> vector<16xf32>
        %parallel_loop3A_176 = arith.constant 0 : i32
        %parallel_loop3A_177 = vector.broadcast %parallel_loop3A_176 : i32 to vector<16xi32>
        %parallel_loop3A_178 = arith.cmpi slt, %broadcast_in_dim3A_106, %parallel_loop3A_177 : vector<16xi32>
        %parallel_loop3A_179 = arith.constant 16 : i32
        %parallel_loop3A_180 = vector.broadcast %parallel_loop3A_179 : i32 to vector<16xi32>
        %parallel_loop3A_181 = arith.addi %broadcast_in_dim3A_106, %parallel_loop3A_180 : vector<16xi32>
        %parallel_loop3A_182 = arith.select %parallel_loop3A_178, %parallel_loop3A_181, %broadcast_in_dim3A_106 : vector<16xi1>, vector<16xi32>
        %parallel_loop3A_183 = vector.shape_cast %parallel_loop3A_182 : vector<16xi32> to vector<16x1xi32>
        %parallel_loop3A_184 = vector.shape_cast %parallel_loop3A_183 : vector<16x1xi32> to vector<16xi32>
        %parallel_loop3A_185 = tpu.dynamic_gather %parallel_loop3A_175[%parallel_loop3A_184] in [0] : vector<16xf32>, vector<16xi32> -> vector<16xf32>
        %parallel_loop3A_186 = arith.select %eq3A_109, %parallel_loop3A_185, %broadcast_in_dim3A_132 : vector<16xi1>, vector<16xf32>
        %parallel_loop3A_187 = arith.index_cast %parallel_loop3A_144 : i32 to index
        %parallel_loop3A_188 = arith.constant 32 : index
        %parallel_loop3A_189 = tpu.vector_load %arg5[%parallel_loop3A_187, %parallel_loop3A_188] {strides = array<i32>} : memref<64x256xf32, #tpu.memory_space<vmem>>, vector<16xf32>,
        %parallel_loop3A_190 = arith.index_cast %parallel_loop3A_144 : i32 to index
        %parallel_loop3A_191 = arith.constant 48 : index
        %parallel_loop3A_192 = tpu.vector_load %arg5[%parallel_loop3A_190, %parallel_loop3A_191] {strides = array<i32>} : memref<64x256xf32, #tpu.memory_space<vmem>>, vector<16xf32>,
        %parallel_loop3A_193 = arith.addf %parallel_loop3A_189, %parallel_loop3A_192 : vector<16xf32>
        %parallel_loop3A_194 = arith.constant true
        %parallel_loop3A_195 = vector.broadcast %parallel_loop3A_194 : i1 to vector<16xi1>
        %parallel_loop3A_196 = tpu.scan <sum>, %parallel_loop3A_193 masked %parallel_loop3A_195 : vector<16xf32>, vector<16xi1> -> vector<16xf32>
        %parallel_loop3A_197 = arith.constant 0 : i32
        %parallel_loop3A_198 = vector.broadcast %parallel_loop3A_197 : i32 to vector<16xi32>
        %parallel_loop3A_199 = arith.cmpi slt, %broadcast_in_dim3A_106, %parallel_loop3A_198 : vector<16xi32>
        %parallel_loop3A_200 = arith.constant 16 : i32
        %parallel_loop3A_201 = vector.broadcast %parallel_loop3A_200 : i32 to vector<16xi32>
        %parallel_loop3A_202 = arith.addi %broadcast_in_dim3A_106, %parallel_loop3A_201 : vector<16xi32>
        %parallel_loop3A_203 = arith.select %parallel_loop3A_199, %parallel_loop3A_202, %broadcast_in_dim3A_106 : vector<16xi1>, vector<16xi32>
        %parallel_loop3A_204 = vector.shape_cast %parallel_loop3A_203 : vector<16xi32> to vector<16x1xi32>
        %parallel_loop3A_205 = vector.shape_cast %parallel_loop3A_204 : vector<16x1xi32> to vector<16xi32>
        %parallel_loop3A_206 = tpu.dynamic_gather %parallel_loop3A_196[%parallel_loop3A_205] in [0] : vector<16xf32>, vector<16xi32> -> vector<16xf32>
        %parallel_loop3A_207 = arith.constant 3.125000e-02 : f32
        %parallel_loop3A_208 = vector.broadcast %parallel_loop3A_207 : f32 to vector<16xf32>
        %parallel_loop3A_209 = arith.mulf %parallel_loop3A_206, %parallel_loop3A_208 : vector<16xf32>
        %parallel_loop3A_210 = arith.subf %parallel_loop3A_189, %parallel_loop3A_209 : vector<16xf32>
        %parallel_loop3A_211 = arith.subf %parallel_loop3A_192, %parallel_loop3A_209 : vector<16xf32>
        %parallel_loop3A_212 = arith.mulf %parallel_loop3A_210, %parallel_loop3A_210 : vector<16xf32>
        %parallel_loop3A_213 = arith.mulf %parallel_loop3A_211, %parallel_loop3A_211 : vector<16xf32>
        %parallel_loop3A_214 = arith.addf %parallel_loop3A_212, %parallel_loop3A_213 : vector<16xf32>
        %parallel_loop3A_215 = arith.constant true
        %parallel_loop3A_216 = vector.broadcast %parallel_loop3A_215 : i1 to vector<16xi1>
        %parallel_loop3A_217 = tpu.scan <sum>, %parallel_loop3A_214 masked %parallel_loop3A_216 : vector<16xf32>, vector<16xi1> -> vector<16xf32>
        %parallel_loop3A_218 = arith.constant 0 : i32
        %parallel_loop3A_219 = vector.broadcast %parallel_loop3A_218 : i32 to vector<16xi32>
        %parallel_loop3A_220 = arith.cmpi slt, %broadcast_in_dim3A_106, %parallel_loop3A_219 : vector<16xi32>
        %parallel_loop3A_221 = arith.constant 16 : i32
        %parallel_loop3A_222 = vector.broadcast %parallel_loop3A_221 : i32 to vector<16xi32>
        %parallel_loop3A_223 = arith.addi %broadcast_in_dim3A_106, %parallel_loop3A_222 : vector<16xi32>
        %parallel_loop3A_224 = arith.select %parallel_loop3A_220, %parallel_loop3A_223, %broadcast_in_dim3A_106 : vector<16xi1>, vector<16xi32>
        %parallel_loop3A_225 = vector.shape_cast %parallel_loop3A_224 : vector<16xi32> to vector<16x1xi32>
        %parallel_loop3A_226 = vector.shape_cast %parallel_loop3A_225 : vector<16x1xi32> to vector<16xi32>
        %parallel_loop3A_227 = tpu.dynamic_gather %parallel_loop3A_217[%parallel_loop3A_226] in [0] : vector<16xf32>, vector<16xi32> -> vector<16xf32>
        %parallel_loop3A_228 = arith.select %eq3A_112, %parallel_loop3A_227, %parallel_loop3A_186 : vector<16xi1>, vector<16xf32>
        %parallel_loop3A_229 = arith.index_cast %parallel_loop3A_144 : i32 to index
        %parallel_loop3A_230 = arith.constant 64 : index
        %parallel_loop3A_231 = tpu.vector_load %arg5[%parallel_loop3A_229, %parallel_loop3A_230] {strides = array<i32>} : memref<64x256xf32, #tpu.memory_space<vmem>>, vector<16xf32>,
        %parallel_loop3A_232 = arith.index_cast %parallel_loop3A_144 : i32 to index
        %parallel_loop3A_233 = arith.constant 80 : index
        %parallel_loop3A_234 = tpu.vector_load %arg5[%parallel_loop3A_232, %parallel_loop3A_233] {strides = array<i32>} : memref<64x256xf32, #tpu.memory_space<vmem>>, vector<16xf32>,
        %parallel_loop3A_235 = arith.addf %parallel_loop3A_231, %parallel_loop3A_234 : vector<16xf32>
        %parallel_loop3A_236 = arith.constant true
        %parallel_loop3A_237 = vector.broadcast %parallel_loop3A_236 : i1 to vector<16xi1>
        %parallel_loop3A_238 = tpu.scan <sum>, %parallel_loop3A_235 masked %parallel_loop3A_237 : vector<16xf32>, vector<16xi1> -> vector<16xf32>
        %parallel_loop3A_239 = arith.constant 0 : i32
        %parallel_loop3A_240 = vector.broadcast %parallel_loop3A_239 : i32 to vector<16xi32>
        %parallel_loop3A_241 = arith.cmpi slt, %broadcast_in_dim3A_106, %parallel_loop3A_240 : vector<16xi32>
        %parallel_loop3A_242 = arith.constant 16 : i32
        %parallel_loop3A_243 = vector.broadcast %parallel_loop3A_242 : i32 to vector<16xi32>
        %parallel_loop3A_244 = arith.addi %broadcast_in_dim3A_106, %parallel_loop3A_243 : vector<16xi32>
        %parallel_loop3A_245 = arith.select %parallel_loop3A_241, %parallel_loop3A_244, %broadcast_in_dim3A_106 : vector<16xi1>, vector<16xi32>
        %parallel_loop3A_246 = vector.shape_cast %parallel_loop3A_245 : vector<16xi32> to vector<16x1xi32>
        %parallel_loop3A_247 = vector.shape_cast %parallel_loop3A_246 : vector<16x1xi32> to vector<16xi32>
        %parallel_loop3A_248 = tpu.dynamic_gather %parallel_loop3A_238[%parallel_loop3A_247] in [0] : vector<16xf32>, vector<16xi32> -> vector<16xf32>
        %parallel_loop3A_249 = arith.constant 3.125000e-02 : f32
        %parallel_loop3A_250 = vector.broadcast %parallel_loop3A_249 : f32 to vector<16xf32>
        %parallel_loop3A_251 = arith.mulf %parallel_loop3A_248, %parallel_loop3A_250 : vector<16xf32>
        %parallel_loop3A_252 = arith.subf %parallel_loop3A_231, %parallel_loop3A_251 : vector<16xf32>
        %parallel_loop3A_253 = arith.subf %parallel_loop3A_234, %parallel_loop3A_251 : vector<16xf32>
        %parallel_loop3A_254 = arith.mulf %parallel_loop3A_252, %parallel_loop3A_252 : vector<16xf32>
        %parallel_loop3A_255 = arith.mulf %parallel_loop3A_253, %parallel_loop3A_253 : vector<16xf32>
        %parallel_loop3A_256 = arith.addf %parallel_loop3A_254, %parallel_loop3A_255 : vector<16xf32>
        %parallel_loop3A_257 = arith.constant true
        %parallel_loop3A_258 = vector.broadcast %parallel_loop3A_257 : i1 to vector<16xi1>
        %parallel_loop3A_259 = tpu.scan <sum>, %parallel_loop3A_256 masked %parallel_loop3A_258 : vector<16xf32>, vector<16xi1> -> vector<16xf32>
        %parallel_loop3A_260 = arith.constant 0 : i32
        %parallel_loop3A_261 = vector.broadcast %parallel_loop3A_260 : i32 to vector<16xi32>
        %parallel_loop3A_262 = arith.cmpi slt, %broadcast_in_dim3A_106, %parallel_loop3A_261 : vector<16xi32>
        %parallel_loop3A_263 = arith.constant 16 : i32
        %parallel_loop3A_264 = vector.broadcast %parallel_loop3A_263 : i32 to vector<16xi32>
        %parallel_loop3A_265 = arith.addi %broadcast_in_dim3A_106, %parallel_loop3A_264 : vector<16xi32>
        %parallel_loop3A_266 = arith.select %parallel_loop3A_262, %parallel_loop3A_265, %broadcast_in_dim3A_106 : vector<16xi1>, vector<16xi32>
        %parallel_loop3A_267 = vector.shape_cast %parallel_loop3A_266 : vector<16xi32> to vector<16x1xi32>
        %parallel_loop3A_268 = vector.shape_cast %parallel_loop3A_267 : vector<16x1xi32> to vector<16xi32>
        %parallel_loop3A_269 = tpu.dynamic_gather %parallel_loop3A_259[%parallel_loop3A_268] in [0] : vector<16xf32>, vector<16xi32> -> vector<16xf32>
        %parallel_loop3A_270 = arith.select %eq3A_115, %parallel_loop3A_269, %parallel_loop3A_228 : vector<16xi1>, vector<16xf32>
        %parallel_loop3A_271 = arith.index_cast %parallel_loop3A_144 : i32 to index
        %parallel_loop3A_272 = arith.constant 96 : index
        %parallel_loop3A_273 = tpu.vector_load %arg5[%parallel_loop3A_271, %parallel_loop3A_272] {strides = array<i32>} : memref<64x256xf32, #tpu.memory_space<vmem>>, vector<16xf32>,
        %parallel_loop3A_274 = arith.index_cast %parallel_loop3A_144 : i32 to index
        %parallel_loop3A_275 = arith.constant 112 : index
        %parallel_loop3A_276 = tpu.vector_load %arg5[%parallel_loop3A_274, %parallel_loop3A_275] {strides = array<i32>} : memref<64x256xf32, #tpu.memory_space<vmem>>, vector<16xf32>,
        %parallel_loop3A_277 = arith.addf %parallel_loop3A_273, %parallel_loop3A_276 : vector<16xf32>
        %parallel_loop3A_278 = arith.constant true
        %parallel_loop3A_279 = vector.broadcast %parallel_loop3A_278 : i1 to vector<16xi1>
        %parallel_loop3A_280 = tpu.scan <sum>, %parallel_loop3A_277 masked %parallel_loop3A_279 : vector<16xf32>, vector<16xi1> -> vector<16xf32>
        %parallel_loop3A_281 = arith.constant 0 : i32
        %parallel_loop3A_282 = vector.broadcast %parallel_loop3A_281 : i32 to vector<16xi32>
        %parallel_loop3A_283 = arith.cmpi slt, %broadcast_in_dim3A_106, %parallel_loop3A_282 : vector<16xi32>
        %parallel_loop3A_284 = arith.constant 16 : i32
        %parallel_loop3A_285 = vector.broadcast %parallel_loop3A_284 : i32 to vector<16xi32>
        %parallel_loop3A_286 = arith.addi %broadcast_in_dim3A_106, %parallel_loop3A_285 : vector<16xi32>
        %parallel_loop3A_287 = arith.select %parallel_loop3A_283, %parallel_loop3A_286, %broadcast_in_dim3A_106 : vector<16xi1>, vector<16xi32>
        %parallel_loop3A_288 = vector.shape_cast %parallel_loop3A_287 : vector<16xi32> to vector<16x1xi32>
        %parallel_loop3A_289 = vector.shape_cast %parallel_loop3A_288 : vector<16x1xi32> to vector<16xi32>
        %parallel_loop3A_290 = tpu.dynamic_gather %parallel_loop3A_280[%parallel_loop3A_289] in [0] : vector<16xf32>, vector<16xi32> -> vector<16xf32>
        %parallel_loop3A_291 = arith.constant 3.125000e-02 : f32
        %parallel_loop3A_292 = vector.broadcast %parallel_loop3A_291 : f32 to vector<16xf32>
        %parallel_loop3A_293 = arith.mulf %parallel_loop3A_290, %parallel_loop3A_292 : vector<16xf32>
        %parallel_loop3A_294 = arith.subf %parallel_loop3A_273, %parallel_loop3A_293 : vector<16xf32>
        %parallel_loop3A_295 = arith.subf %parallel_loop3A_276, %parallel_loop3A_293 : vector<16xf32>
        %parallel_loop3A_296 = arith.mulf %parallel_loop3A_294, %parallel_loop3A_294 : vector<16xf32>
        %parallel_loop3A_297 = arith.mulf %parallel_loop3A_295, %parallel_loop3A_295 : vector<16xf32>
        %parallel_loop3A_298 = arith.addf %parallel_loop3A_296, %parallel_loop3A_297 : vector<16xf32>
        %parallel_loop3A_299 = arith.constant true
        %parallel_loop3A_300 = vector.broadcast %parallel_loop3A_299 : i1 to vector<16xi1>
        %parallel_loop3A_301 = tpu.scan <sum>, %parallel_loop3A_298 masked %parallel_loop3A_300 : vector<16xf32>, vector<16xi1> -> vector<16xf32>
        %parallel_loop3A_302 = arith.constant 0 : i32
        %parallel_loop3A_303 = vector.broadcast %parallel_loop3A_302 : i32 to vector<16xi32>
        %parallel_loop3A_304 = arith.cmpi slt, %broadcast_in_dim3A_106, %parallel_loop3A_303 : vector<16xi32>
        %parallel_loop3A_305 = arith.constant 16 : i32
        %parallel_loop3A_306 = vector.broadcast %parallel_loop3A_305 : i32 to vector<16xi32>
        %parallel_loop3A_307 = arith.addi %broadcast_in_dim3A_106, %parallel_loop3A_306 : vector<16xi32>
        %parallel_loop3A_308 = arith.select %parallel_loop3A_304, %parallel_loop3A_307, %broadcast_in_dim3A_106 : vector<16xi1>, vector<16xi32>
        %parallel_loop3A_309 = vector.shape_cast %parallel_loop3A_308 : vector<16xi32> to vector<16x1xi32>
        %parallel_loop3A_310 = vector.shape_cast %parallel_loop3A_309 : vector<16x1xi32> to vector<16xi32>
        %parallel_loop3A_311 = tpu.dynamic_gather %parallel_loop3A_301[%parallel_loop3A_310] in [0] : vector<16xf32>, vector<16xi32> -> vector<16xf32>
        %parallel_loop3A_312 = arith.select %eq3A_118, %parallel_loop3A_311, %parallel_loop3A_270 : vector<16xi1>, vector<16xf32>
        %parallel_loop3A_313 = arith.index_cast %parallel_loop3A_144 : i32 to index
        %parallel_loop3A_314 = arith.constant 128 : index
        %parallel_loop3A_315 = tpu.vector_load %arg5[%parallel_loop3A_313, %parallel_loop3A_314] {strides = array<i32>} : memref<64x256xf32, #tpu.memory_space<vmem>>, vector<16xf32>,
        %parallel_loop3A_316 = arith.index_cast %parallel_loop3A_144 : i32 to index
        %parallel_loop3A_317 = arith.constant 144 : index
        %parallel_loop3A_318 = tpu.vector_load %arg5[%parallel_loop3A_316, %parallel_loop3A_317] {strides = array<i32>} : memref<64x256xf32, #tpu.memory_space<vmem>>, vector<16xf32>,
        %parallel_loop3A_319 = arith.addf %parallel_loop3A_315, %parallel_loop3A_318 : vector<16xf32>
        %parallel_loop3A_320 = arith.constant true
        %parallel_loop3A_321 = vector.broadcast %parallel_loop3A_320 : i1 to vector<16xi1>
        %parallel_loop3A_322 = tpu.scan <sum>, %parallel_loop3A_319 masked %parallel_loop3A_321 : vector<16xf32>, vector<16xi1> -> vector<16xf32>
        %parallel_loop3A_323 = arith.constant 0 : i32
        %parallel_loop3A_324 = vector.broadcast %parallel_loop3A_323 : i32 to vector<16xi32>
        %parallel_loop3A_325 = arith.cmpi slt, %broadcast_in_dim3A_106, %parallel_loop3A_324 : vector<16xi32>
        %parallel_loop3A_326 = arith.constant 16 : i32
        %parallel_loop3A_327 = vector.broadcast %parallel_loop3A_326 : i32 to vector<16xi32>
        %parallel_loop3A_328 = arith.addi %broadcast_in_dim3A_106, %parallel_loop3A_327 : vector<16xi32>
        %parallel_loop3A_329 = arith.select %parallel_loop3A_325, %parallel_loop3A_328, %broadcast_in_dim3A_106 : vector<16xi1>, vector<16xi32>
        %parallel_loop3A_330 = vector.shape_cast %parallel_loop3A_329 : vector<16xi32> to vector<16x1xi32>
        %parallel_loop3A_331 = vector.shape_cast %parallel_loop3A_330 : vector<16x1xi32> to vector<16xi32>
        %parallel_loop3A_332 = tpu.dynamic_gather %parallel_loop3A_322[%parallel_loop3A_331] in [0] : vector<16xf32>, vector<16xi32> -> vector<16xf32>
        %parallel_loop3A_333 = arith.constant 3.125000e-02 : f32
        %parallel_loop3A_334 = vector.broadcast %parallel_loop3A_333 : f32 to vector<16xf32>
        %parallel_loop3A_335 = arith.mulf %parallel_loop3A_332, %parallel_loop3A_334 : vector<16xf32>
        %parallel_loop3A_336 = arith.subf %parallel_loop3A_315, %parallel_loop3A_335 : vector<16xf32>
        %parallel_loop3A_337 = arith.subf %parallel_loop3A_318, %parallel_loop3A_335 : vector<16xf32>
        %parallel_loop3A_338 = arith.mulf %parallel_loop3A_336, %parallel_loop3A_336 : vector<16xf32>
        %parallel_loop3A_339 = arith.mulf %parallel_loop3A_337, %parallel_loop3A_337 : vector<16xf32>
        %parallel_loop3A_340 = arith.addf %parallel_loop3A_338, %parallel_loop3A_339 : vector<16xf32>
        %parallel_loop3A_341 = arith.constant true
        %parallel_loop3A_342 = vector.broadcast %parallel_loop3A_341 : i1 to vector<16xi1>
        %parallel_loop3A_343 = tpu.scan <sum>, %parallel_loop3A_340 masked %parallel_loop3A_342 : vector<16xf32>, vector<16xi1> -> vector<16xf32>
        %parallel_loop3A_344 = arith.constant 0 : i32
        %parallel_loop3A_345 = vector.broadcast %parallel_loop3A_344 : i32 to vector<16xi32>
        %parallel_loop3A_346 = arith.cmpi slt, %broadcast_in_dim3A_106, %parallel_loop3A_345 : vector<16xi32>
        %parallel_loop3A_347 = arith.constant 16 : i32
        %parallel_loop3A_348 = vector.broadcast %parallel_loop3A_347 : i32 to vector<16xi32>
        %parallel_loop3A_349 = arith.addi %broadcast_in_dim3A_106, %parallel_loop3A_348 : vector<16xi32>
        %parallel_loop3A_350 = arith.select %parallel_loop3A_346, %parallel_loop3A_349, %broadcast_in_dim3A_106 : vector<16xi1>, vector<16xi32>
        %parallel_loop3A_351 = vector.shape_cast %parallel_loop3A_350 : vector<16xi32> to vector<16x1xi32>
        %parallel_loop3A_352 = vector.shape_cast %parallel_loop3A_351 : vector<16x1xi32> to vector<16xi32>
        %parallel_loop3A_353 = tpu.dynamic_gather %parallel_loop3A_343[%parallel_loop3A_352] in [0] : vector<16xf32>, vector<16xi32> -> vector<16xf32>
        %parallel_loop3A_354 = arith.select %eq3A_121, %parallel_loop3A_353, %parallel_loop3A_312 : vector<16xi1>, vector<16xf32>
        %parallel_loop3A_355 = arith.index_cast %parallel_loop3A_144 : i32 to index
        %parallel_loop3A_356 = arith.constant 160 : index
        %parallel_loop3A_357 = tpu.vector_load %arg5[%parallel_loop3A_355, %parallel_loop3A_356] {strides = array<i32>} : memref<64x256xf32, #tpu.memory_space<vmem>>, vector<16xf32>,
        %parallel_loop3A_358 = arith.index_cast %parallel_loop3A_144 : i32 to index
        %parallel_loop3A_359 = arith.constant 176 : index
        %parallel_loop3A_360 = tpu.vector_load %arg5[%parallel_loop3A_358, %parallel_loop3A_359] {strides = array<i32>} : memref<64x256xf32, #tpu.memory_space<vmem>>, vector<16xf32>,
        %parallel_loop3A_361 = arith.addf %parallel_loop3A_357, %parallel_loop3A_360 : vector<16xf32>
        %parallel_loop3A_362 = arith.constant true
        %parallel_loop3A_363 = vector.broadcast %parallel_loop3A_362 : i1 to vector<16xi1>
        %parallel_loop3A_364 = tpu.scan <sum>, %parallel_loop3A_361 masked %parallel_loop3A_363 : vector<16xf32>, vector<16xi1> -> vector<16xf32>
        %parallel_loop3A_365 = arith.constant 0 : i32
        %parallel_loop3A_366 = vector.broadcast %parallel_loop3A_365 : i32 to vector<16xi32>
        %parallel_loop3A_367 = arith.cmpi slt, %broadcast_in_dim3A_106, %parallel_loop3A_366 : vector<16xi32>
        %parallel_loop3A_368 = arith.constant 16 : i32
        %parallel_loop3A_369 = vector.broadcast %parallel_loop3A_368 : i32 to vector<16xi32>
        %parallel_loop3A_370 = arith.addi %broadcast_in_dim3A_106, %parallel_loop3A_369 : vector<16xi32>
        %parallel_loop3A_371 = arith.select %parallel_loop3A_367, %parallel_loop3A_370, %broadcast_in_dim3A_106 : vector<16xi1>, vector<16xi32>
        %parallel_loop3A_372 = vector.shape_cast %parallel_loop3A_371 : vector<16xi32> to vector<16x1xi32>
        %parallel_loop3A_373 = vector.shape_cast %parallel_loop3A_372 : vector<16x1xi32> to vector<16xi32>
        %parallel_loop3A_374 = tpu.dynamic_gather %parallel_loop3A_364[%parallel_loop3A_373] in [0] : vector<16xf32>, vector<16xi32> -> vector<16xf32>
        %parallel_loop3A_375 = arith.constant 3.125000e-02 : f32
        %parallel_loop3A_376 = vector.broadcast %parallel_loop3A_375 : f32 to vector<16xf32>
        %parallel_loop3A_377 = arith.mulf %parallel_loop3A_374, %parallel_loop3A_376 : vector<16xf32>
        %parallel_loop3A_378 = arith.subf %parallel_loop3A_357, %parallel_loop3A_377 : vector<16xf32>
        %parallel_loop3A_379 = arith.subf %parallel_loop3A_360, %parallel_loop3A_377 : vector<16xf32>
        %parallel_loop3A_380 = arith.mulf %parallel_loop3A_378, %parallel_loop3A_378 : vector<16xf32>
        %parallel_loop3A_381 = arith.mulf %parallel_loop3A_379, %parallel_loop3A_379 : vector<16xf32>
        %parallel_loop3A_382 = arith.addf %parallel_loop3A_380, %parallel_loop3A_381 : vector<16xf32>
        %parallel_loop3A_383 = arith.constant true
        %parallel_loop3A_384 = vector.broadcast %parallel_loop3A_383 : i1 to vector<16xi1>
        %parallel_loop3A_385 = tpu.scan <sum>, %parallel_loop3A_382 masked %parallel_loop3A_384 : vector<16xf32>, vector<16xi1> -> vector<16xf32>
        %parallel_loop3A_386 = arith.constant 0 : i32
        %parallel_loop3A_387 = vector.broadcast %parallel_loop3A_386 : i32 to vector<16xi32>
        %parallel_loop3A_388 = arith.cmpi slt, %broadcast_in_dim3A_106, %parallel_loop3A_387 : vector<16xi32>
        %parallel_loop3A_389 = arith.constant 16 : i32
        %parallel_loop3A_390 = vector.broadcast %parallel_loop3A_389 : i32 to vector<16xi32>
        %parallel_loop3A_391 = arith.addi %broadcast_in_dim3A_106, %parallel_loop3A_390 : vector<16xi32>
        %parallel_loop3A_392 = arith.select %parallel_loop3A_388, %parallel_loop3A_391, %broadcast_in_dim3A_106 : vector<16xi1>, vector<16xi32>
        %parallel_loop3A_393 = vector.shape_cast %parallel_loop3A_392 : vector<16xi32> to vector<16x1xi32>
        %parallel_loop3A_394 = vector.shape_cast %parallel_loop3A_393 : vector<16x1xi32> to vector<16xi32>
        %parallel_loop3A_395 = tpu.dynamic_gather %parallel_loop3A_385[%parallel_loop3A_394] in [0] : vector<16xf32>, vector<16xi32> -> vector<16xf32>
        %parallel_loop3A_396 = arith.select %eq3A_124, %parallel_loop3A_395, %parallel_loop3A_354 : vector<16xi1>, vector<16xf32>
        %parallel_loop3A_397 = arith.index_cast %parallel_loop3A_144 : i32 to index
        %parallel_loop3A_398 = arith.constant 192 : index
        %parallel_loop3A_399 = tpu.vector_load %arg5[%parallel_loop3A_397, %parallel_loop3A_398] {strides = array<i32>} : memref<64x256xf32, #tpu.memory_space<vmem>>, vector<16xf32>,
        %parallel_loop3A_400 = arith.index_cast %parallel_loop3A_144 : i32 to index
        %parallel_loop3A_401 = arith.constant 208 : index
        %parallel_loop3A_402 = tpu.vector_load %arg5[%parallel_loop3A_400, %parallel_loop3A_401] {strides = array<i32>} : memref<64x256xf32, #tpu.memory_space<vmem>>, vector<16xf32>,
        %parallel_loop3A_403 = arith.addf %parallel_loop3A_399, %parallel_loop3A_402 : vector<16xf32>
        %parallel_loop3A_404 = arith.constant true
        %parallel_loop3A_405 = vector.broadcast %parallel_loop3A_404 : i1 to vector<16xi1>
        %parallel_loop3A_406 = tpu.scan <sum>, %parallel_loop3A_403 masked %parallel_loop3A_405 : vector<16xf32>, vector<16xi1> -> vector<16xf32>
        %parallel_loop3A_407 = arith.constant 0 : i32
        %parallel_loop3A_408 = vector.broadcast %parallel_loop3A_407 : i32 to vector<16xi32>
        %parallel_loop3A_409 = arith.cmpi slt, %broadcast_in_dim3A_106, %parallel_loop3A_408 : vector<16xi32>
        %parallel_loop3A_410 = arith.constant 16 : i32
        %parallel_loop3A_411 = vector.broadcast %parallel_loop3A_410 : i32 to vector<16xi32>
        %parallel_loop3A_412 = arith.addi %broadcast_in_dim3A_106, %parallel_loop3A_411 : vector<16xi32>
        %parallel_loop3A_413 = arith.select %parallel_loop3A_409, %parallel_loop3A_412, %broadcast_in_dim3A_106 : vector<16xi1>, vector<16xi32>
        %parallel_loop3A_414 = vector.shape_cast %parallel_loop3A_413 : vector<16xi32> to vector<16x1xi32>
        %parallel_loop3A_415 = vector.shape_cast %parallel_loop3A_414 : vector<16x1xi32> to vector<16xi32>
        %parallel_loop3A_416 = tpu.dynamic_gather %parallel_loop3A_406[%parallel_loop3A_415] in [0] : vector<16xf32>, vector<16xi32> -> vector<16xf32>
        %parallel_loop3A_417 = arith.constant 3.125000e-02 : f32
        %parallel_loop3A_418 = vector.broadcast %parallel_loop3A_417 : f32 to vector<16xf32>
        %parallel_loop3A_419 = arith.mulf %parallel_loop3A_416, %parallel_loop3A_418 : vector<16xf32>
        %parallel_loop3A_420 = arith.subf %parallel_loop3A_399, %parallel_loop3A_419 : vector<16xf32>
        %parallel_loop3A_421 = arith.subf %parallel_loop3A_402, %parallel_loop3A_419 : vector<16xf32>
        %parallel_loop3A_422 = arith.mulf %parallel_loop3A_420, %parallel_loop3A_420 : vector<16xf32>
        %parallel_loop3A_423 = arith.mulf %parallel_loop3A_421, %parallel_loop3A_421 : vector<16xf32>
        %parallel_loop3A_424 = arith.addf %parallel_loop3A_422, %parallel_loop3A_423 : vector<16xf32>
        %parallel_loop3A_425 = arith.constant true
        %parallel_loop3A_426 = vector.broadcast %parallel_loop3A_425 : i1 to vector<16xi1>
        %parallel_loop3A_427 = tpu.scan <sum>, %parallel_loop3A_424 masked %parallel_loop3A_426 : vector<16xf32>, vector<16xi1> -> vector<16xf32>
        %parallel_loop3A_428 = arith.constant 0 : i32
        %parallel_loop3A_429 = vector.broadcast %parallel_loop3A_428 : i32 to vector<16xi32>
        %parallel_loop3A_430 = arith.cmpi slt, %broadcast_in_dim3A_106, %parallel_loop3A_429 : vector<16xi32>
        %parallel_loop3A_431 = arith.constant 16 : i32
        %parallel_loop3A_432 = vector.broadcast %parallel_loop3A_431 : i32 to vector<16xi32>
        %parallel_loop3A_433 = arith.addi %broadcast_in_dim3A_106, %parallel_loop3A_432 : vector<16xi32>
        %parallel_loop3A_434 = arith.select %parallel_loop3A_430, %parallel_loop3A_433, %broadcast_in_dim3A_106 : vector<16xi1>, vector<16xi32>
        %parallel_loop3A_435 = vector.shape_cast %parallel_loop3A_434 : vector<16xi32> to vector<16x1xi32>
        %parallel_loop3A_436 = vector.shape_cast %parallel_loop3A_435 : vector<16x1xi32> to vector<16xi32>
        %parallel_loop3A_437 = tpu.dynamic_gather %parallel_loop3A_427[%parallel_loop3A_436] in [0] : vector<16xf32>, vector<16xi32> -> vector<16xf32>
        %parallel_loop3A_438 = arith.select %eq3A_127, %parallel_loop3A_437, %parallel_loop3A_396 : vector<16xi1>, vector<16xf32>
        %parallel_loop3A_439 = arith.index_cast %parallel_loop3A_144 : i32 to index
        %parallel_loop3A_440 = arith.constant 224 : index
        %parallel_loop3A_441 = tpu.vector_load %arg5[%parallel_loop3A_439, %parallel_loop3A_440] {strides = array<i32>} : memref<64x256xf32, #tpu.memory_space<vmem>>, vector<16xf32>,
        %parallel_loop3A_442 = arith.index_cast %parallel_loop3A_144 : i32 to index
        %parallel_loop3A_443 = arith.constant 240 : index
        %parallel_loop3A_444 = tpu.vector_load %arg5[%parallel_loop3A_442, %parallel_loop3A_443] {strides = array<i32>} : memref<64x256xf32, #tpu.memory_space<vmem>>, vector<16xf32>,
        %parallel_loop3A_445 = arith.addf %parallel_loop3A_441, %parallel_loop3A_444 : vector<16xf32>
        %parallel_loop3A_446 = arith.constant true
        %parallel_loop3A_447 = vector.broadcast %parallel_loop3A_446 : i1 to vector<16xi1>
        %parallel_loop3A_448 = tpu.scan <sum>, %parallel_loop3A_445 masked %parallel_loop3A_447 : vector<16xf32>, vector<16xi1> -> vector<16xf32>
        %parallel_loop3A_449 = arith.constant 0 : i32
        %parallel_loop3A_450 = vector.broadcast %parallel_loop3A_449 : i32 to vector<16xi32>
        %parallel_loop3A_451 = arith.cmpi slt, %broadcast_in_dim3A_106, %parallel_loop3A_450 : vector<16xi32>
        %parallel_loop3A_452 = arith.constant 16 : i32
        %parallel_loop3A_453 = vector.broadcast %parallel_loop3A_452 : i32 to vector<16xi32>
        %parallel_loop3A_454 = arith.addi %broadcast_in_dim3A_106, %parallel_loop3A_453 : vector<16xi32>
        %parallel_loop3A_455 = arith.select %parallel_loop3A_451, %parallel_loop3A_454, %broadcast_in_dim3A_106 : vector<16xi1>, vector<16xi32>
        %parallel_loop3A_456 = vector.shape_cast %parallel_loop3A_455 : vector<16xi32> to vector<16x1xi32>
        %parallel_loop3A_457 = vector.shape_cast %parallel_loop3A_456 : vector<16x1xi32> to vector<16xi32>
        %parallel_loop3A_458 = tpu.dynamic_gather %parallel_loop3A_448[%parallel_loop3A_457] in [0] : vector<16xf32>, vector<16xi32> -> vector<16xf32>
        %parallel_loop3A_459 = arith.constant 3.125000e-02 : f32
        %parallel_loop3A_460 = vector.broadcast %parallel_loop3A_459 : f32 to vector<16xf32>
        %parallel_loop3A_461 = arith.mulf %parallel_loop3A_458, %parallel_loop3A_460 : vector<16xf32>
        %parallel_loop3A_462 = arith.subf %parallel_loop3A_441, %parallel_loop3A_461 : vector<16xf32>
        %parallel_loop3A_463 = arith.subf %parallel_loop3A_444, %parallel_loop3A_461 : vector<16xf32>
        %parallel_loop3A_464 = arith.mulf %parallel_loop3A_462, %parallel_loop3A_462 : vector<16xf32>
        %parallel_loop3A_465 = arith.mulf %parallel_loop3A_463, %parallel_loop3A_463 : vector<16xf32>
        %parallel_loop3A_466 = arith.addf %parallel_loop3A_464, %parallel_loop3A_465 : vector<16xf32>
        %parallel_loop3A_467 = arith.constant true
        %parallel_loop3A_468 = vector.broadcast %parallel_loop3A_467 : i1 to vector<16xi1>
        %parallel_loop3A_469 = tpu.scan <sum>, %parallel_loop3A_466 masked %parallel_loop3A_468 : vector<16xf32>, vector<16xi1> -> vector<16xf32>
        %parallel_loop3A_470 = arith.constant 0 : i32
        %parallel_loop3A_471 = vector.broadcast %parallel_loop3A_470 : i32 to vector<16xi32>
        %parallel_loop3A_472 = arith.cmpi slt, %broadcast_in_dim3A_106, %parallel_loop3A_471 : vector<16xi32>
        %parallel_loop3A_473 = arith.constant 16 : i32
        %parallel_loop3A_474 = vector.broadcast %parallel_loop3A_473 : i32 to vector<16xi32>
        %parallel_loop3A_475 = arith.addi %broadcast_in_dim3A_106, %parallel_loop3A_474 : vector<16xi32>
        %parallel_loop3A_476 = arith.select %parallel_loop3A_472, %parallel_loop3A_475, %broadcast_in_dim3A_106 : vector<16xi1>, vector<16xi32>
        %parallel_loop3A_477 = vector.shape_cast %parallel_loop3A_476 : vector<16xi32> to vector<16x1xi32>
        %parallel_loop3A_478 = vector.shape_cast %parallel_loop3A_477 : vector<16x1xi32> to vector<16xi32>
        %parallel_loop3A_479 = tpu.dynamic_gather %parallel_loop3A_469[%parallel_loop3A_478] in [0] : vector<16xf32>, vector<16xi32> -> vector<16xf32>
        %parallel_loop3A_480 = arith.select %eq3A_130, %parallel_loop3A_479, %parallel_loop3A_438 : vector<16xi1>, vector<16xf32>
        %parallel_loop3A_481 = arith.constant 0.0322580636 : f32
        %parallel_loop3A_482 = vector.broadcast %parallel_loop3A_481 : f32 to vector<16xf32>
        %parallel_loop3A_483 = arith.mulf %parallel_loop3A_480, %parallel_loop3A_482 : vector<16xf32>
        %parallel_loop3A_484 = tpu.bitcast %parallel_loop3A_483 : vector<16xf32> -> vector<16xi32>
        %parallel_loop3A_485 = arith.constant 1 : i32
        %parallel_loop3A_486 = vector.broadcast %parallel_loop3A_485 : i32 to vector<16xi32>
        %parallel_loop3A_487 = arith.shrui %parallel_loop3A_484, %parallel_loop3A_486 : vector<16xi32>
        %parallel_loop3A_488 = arith.constant 1597463007 : i32
        %parallel_loop3A_489 = vector.broadcast %parallel_loop3A_488 : i32 to vector<16xi32>
        %parallel_loop3A_490 = arith.subi %parallel_loop3A_489, %parallel_loop3A_487 : vector<16xi32>
        %parallel_loop3A_491 = tpu.bitcast %parallel_loop3A_490 : vector<16xi32> -> vector<16xf32>
        %parallel_loop3A_492 = arith.constant 5.000000e-01 : f32
        %parallel_loop3A_493 = vector.broadcast %parallel_loop3A_492 : f32 to vector<16xf32>
        %parallel_loop3A_494 = arith.mulf %parallel_loop3A_493, %parallel_loop3A_483 : vector<16xf32>
        %parallel_loop3A_495 = arith.mulf %parallel_loop3A_494, %parallel_loop3A_491 : vector<16xf32>
        %parallel_loop3A_496 = arith.mulf %parallel_loop3A_495, %parallel_loop3A_491 : vector<16xf32>
        %parallel_loop3A_497 = arith.constant 1.500000e+00 : f32
        %parallel_loop3A_498 = vector.broadcast %parallel_loop3A_497 : f32 to vector<16xf32>
        %parallel_loop3A_499 = arith.subf %parallel_loop3A_498, %parallel_loop3A_496 : vector<16xf32>
        %parallel_loop3A_500 = arith.mulf %parallel_loop3A_491, %parallel_loop3A_499 : vector<16xf32>
        %parallel_loop3A_501 = arith.mulf %parallel_loop3A_494, %parallel_loop3A_500 : vector<16xf32>
        %parallel_loop3A_502 = arith.mulf %parallel_loop3A_501, %parallel_loop3A_500 : vector<16xf32>
        %parallel_loop3A_503 = arith.constant 1.500000e+00 : f32
        %parallel_loop3A_504 = vector.broadcast %parallel_loop3A_503 : f32 to vector<16xf32>
        %parallel_loop3A_505 = arith.subf %parallel_loop3A_504, %parallel_loop3A_502 : vector<16xf32>
        %parallel_loop3A_506 = arith.mulf %parallel_loop3A_500, %parallel_loop3A_505 : vector<16xf32>
        %parallel_loop3A_507 = arith.mulf %parallel_loop3A_483, %parallel_loop3A_506 : vector<16xf32>
        %parallel_loop3A_508 = arith.constant 1.000000e+00 : f32
        %parallel_loop3A_509 = vector.broadcast %parallel_loop3A_508 : f32 to vector<16xf32>
        %parallel_loop3A_510 = arith.constant 9.99999974E-6 : f32
        %parallel_loop3A_511 = vector.broadcast %parallel_loop3A_510 : f32 to vector<16xf32>
        %parallel_loop3A_512 = arith.addf %parallel_loop3A_507, %parallel_loop3A_511 : vector<16xf32>
        %parallel_loop3A_513 = arith.divf %parallel_loop3A_509, %parallel_loop3A_512 : vector<16xf32>
        %parallel_loop3A_514 = arith.constant 0 : i32
        %parallel_loop3A_515 = vector.broadcast %parallel_loop3A_514 : i32 to vector<16xi32>
        %parallel_loop3A_516 = arith.constant 0 : i32
        %parallel_loop3A_517 = vector.broadcast %parallel_loop3A_516 : i32 to vector<16xi32>
        %parallel_loop3A_518 = arith.cmpi slt, %parallel_loop3A_515, %parallel_loop3A_517 : vector<16xi32>
        %parallel_loop3A_519 = arith.constant 16 : i32
        %parallel_loop3A_520 = vector.broadcast %parallel_loop3A_519 : i32 to vector<16xi32>
        %parallel_loop3A_521 = arith.addi %parallel_loop3A_515, %parallel_loop3A_520 : vector<16xi32>
        %parallel_loop3A_522 = arith.select %parallel_loop3A_518, %parallel_loop3A_521, %parallel_loop3A_515 : vector<16xi1>, vector<16xi32>
        %parallel_loop3A_523 = vector.shape_cast %parallel_loop3A_522 : vector<16xi32> to vector<16x1xi32>
        %parallel_loop3A_524 = vector.shape_cast %parallel_loop3A_523 : vector<16x1xi32> to vector<16xi32>
        %parallel_loop3A_525 = tpu.dynamic_gather %parallel_loop3A_513[%parallel_loop3A_524] in [0] : vector<16xf32>, vector<16xi32> -> vector<16xf32>
        %parallel_loop3A_526 = arith.mulf %parallel_loop3A_168, %parallel_loop3A_525 : vector<16xf32>
        %parallel_loop3A_527 = arith.constant 256 : i32
        %parallel_loop3A_528 = arith.muli %parallel_loop3A_144, %parallel_loop3A_527 : i32
        %parallel_loop3A_529 = arith.constant 0 : i32
        %parallel_loop3A_530 = arith.addi %parallel_loop3A_528, %parallel_loop3A_529 : i32
        %parallel_loop3A_531 = arith.index_cast %parallel_loop3A_530 : i32 to index
        %parallel_loop3A_532 = tpu.vector_load %arg7[%parallel_loop3A_531] {strides = array<i32>} : memref<16384xf32, #tpu.memory_space<vmem>>, vector<16xf32>,
        tpu.vector_store %arg7[%parallel_loop3A_531], %parallel_loop3A_526 {strides = array<i32>} : memref<16384xf32, #tpu.memory_space<vmem>>, vector<16xf32>,
        %parallel_loop3A_533 = arith.mulf %parallel_loop3A_169, %parallel_loop3A_525 : vector<16xf32>
        %parallel_loop3A_534 = arith.constant 256 : i32
        %parallel_loop3A_535 = arith.muli %parallel_loop3A_144, %parallel_loop3A_534 : i32
        %parallel_loop3A_536 = arith.constant 0 : i32
        %parallel_loop3A_537 = arith.addi %parallel_loop3A_535, %parallel_loop3A_536 : i32
        %parallel_loop3A_538 = arith.constant 16 : i32
        %parallel_loop3A_539 = arith.addi %parallel_loop3A_537, %parallel_loop3A_538 : i32
        %parallel_loop3A_540 = arith.index_cast %parallel_loop3A_539 : i32 to index
        %parallel_loop3A_541 = tpu.vector_load %arg7[%parallel_loop3A_540] {strides = array<i32>} : memref<16384xf32, #tpu.memory_space<vmem>>, vector<16xf32>,
        tpu.vector_store %arg7[%parallel_loop3A_540], %parallel_loop3A_533 {strides = array<i32>} : memref<16384xf32, #tpu.memory_space<vmem>>, vector<16xf32>,
        %parallel_loop3A_542 = arith.constant 1 : i32
        %parallel_loop3A_543 = vector.broadcast %parallel_loop3A_542 : i32 to vector<16xi32>
        %parallel_loop3A_544 = arith.constant 0 : i32
        %parallel_loop3A_545 = vector.broadcast %parallel_loop3A_544 : i32 to vector<16xi32>
        %parallel_loop3A_546 = arith.cmpi slt, %parallel_loop3A_543, %parallel_loop3A_545 : vector<16xi32>
        %parallel_loop3A_547 = arith.constant 16 : i32
        %parallel_loop3A_548 = vector.broadcast %parallel_loop3A_547 : i32 to vector<16xi32>
        %parallel_loop3A_549 = arith.addi %parallel_loop3A_543, %parallel_loop3A_548 : vector<16xi32>
        %parallel_loop3A_550 = arith.select %parallel_loop3A_546, %parallel_loop3A_549, %parallel_loop3A_543 : vector<16xi1>, vector<16xi32>
        %parallel_loop3A_551 = vector.shape_cast %parallel_loop3A_550 : vector<16xi32> to vector<16x1xi32>
        %parallel_loop3A_552 = vector.shape_cast %parallel_loop3A_551 : vector<16x1xi32> to vector<16xi32>
        %parallel_loop3A_553 = tpu.dynamic_gather %parallel_loop3A_513[%parallel_loop3A_552] in [0] : vector<16xf32>, vector<16xi32> -> vector<16xf32>
        %parallel_loop3A_554 = arith.mulf %parallel_loop3A_210, %parallel_loop3A_553 : vector<16xf32>
        %parallel_loop3A_555 = arith.constant 256 : i32
        %parallel_loop3A_556 = arith.muli %parallel_loop3A_144, %parallel_loop3A_555 : i32
        %parallel_loop3A_557 = arith.constant 32 : i32
        %parallel_loop3A_558 = arith.addi %parallel_loop3A_556, %parallel_loop3A_557 : i32
        %parallel_loop3A_559 = arith.index_cast %parallel_loop3A_558 : i32 to index
        %parallel_loop3A_560 = tpu.vector_load %arg7[%parallel_loop3A_559] {strides = array<i32>} : memref<16384xf32, #tpu.memory_space<vmem>>, vector<16xf32>,
        tpu.vector_store %arg7[%parallel_loop3A_559], %parallel_loop3A_554 {strides = array<i32>} : memref<16384xf32, #tpu.memory_space<vmem>>, vector<16xf32>,
        %parallel_loop3A_561 = arith.mulf %parallel_loop3A_211, %parallel_loop3A_553 : vector<16xf32>
        %parallel_loop3A_562 = arith.constant 256 : i32
        %parallel_loop3A_563 = arith.muli %parallel_loop3A_144, %parallel_loop3A_562 : i32
        %parallel_loop3A_564 = arith.constant 32 : i32
        %parallel_loop3A_565 = arith.addi %parallel_loop3A_563, %parallel_loop3A_564 : i32
        %parallel_loop3A_566 = arith.constant 16 : i32
        %parallel_loop3A_567 = arith.addi %parallel_loop3A_565, %parallel_loop3A_566 : i32
        %parallel_loop3A_568 = arith.index_cast %parallel_loop3A_567 : i32 to index
        %parallel_loop3A_569 = tpu.vector_load %arg7[%parallel_loop3A_568] {strides = array<i32>} : memref<16384xf32, #tpu.memory_space<vmem>>, vector<16xf32>,
        tpu.vector_store %arg7[%parallel_loop3A_568], %parallel_loop3A_561 {strides = array<i32>} : memref<16384xf32, #tpu.memory_space<vmem>>, vector<16xf32>,
        %parallel_loop3A_570 = arith.constant 2 : i32
        %parallel_loop3A_571 = vector.broadcast %parallel_loop3A_570 : i32 to vector<16xi32>
        %parallel_loop3A_572 = arith.constant 0 : i32
        %parallel_loop3A_573 = vector.broadcast %parallel_loop3A_572 : i32 to vector<16xi32>
        %parallel_loop3A_574 = arith.cmpi slt, %parallel_loop3A_571, %parallel_loop3A_573 : vector<16xi32>
        %parallel_loop3A_575 = arith.constant 16 : i32
        %parallel_loop3A_576 = vector.broadcast %parallel_loop3A_575 : i32 to vector<16xi32>
        %parallel_loop3A_577 = arith.addi %parallel_loop3A_571, %parallel_loop3A_576 : vector<16xi32>
        %parallel_loop3A_578 = arith.select %parallel_loop3A_574, %parallel_loop3A_577, %parallel_loop3A_571 : vector<16xi1>, vector<16xi32>
        %parallel_loop3A_579 = vector.shape_cast %parallel_loop3A_578 : vector<16xi32> to vector<16x1xi32>
        %parallel_loop3A_580 = vector.shape_cast %parallel_loop3A_579 : vector<16x1xi32> to vector<16xi32>
        %parallel_loop3A_581 = tpu.dynamic_gather %parallel_loop3A_513[%parallel_loop3A_580] in [0] : vector<16xf32>, vector<16xi32> -> vector<16xf32>
        %parallel_loop3A_582 = arith.mulf %parallel_loop3A_252, %parallel_loop3A_581 : vector<16xf32>
        %parallel_loop3A_583 = arith.constant 256 : i32
        %parallel_loop3A_584 = arith.muli %parallel_loop3A_144, %parallel_loop3A_583 : i32
        %parallel_loop3A_585 = arith.constant 64 : i32
        %parallel_loop3A_586 = arith.addi %parallel_loop3A_584, %parallel_loop3A_585 : i32
        %parallel_loop3A_587 = arith.index_cast %parallel_loop3A_586 : i32 to index
        %parallel_loop3A_588 = tpu.vector_load %arg7[%parallel_loop3A_587] {strides = array<i32>} : memref<16384xf32, #tpu.memory_space<vmem>>, vector<16xf32>,
        tpu.vector_store %arg7[%parallel_loop3A_587], %parallel_loop3A_582 {strides = array<i32>} : memref<16384xf32, #tpu.memory_space<vmem>>, vector<16xf32>,
        %parallel_loop3A_589 = arith.mulf %parallel_loop3A_253, %parallel_loop3A_581 : vector<16xf32>
        %parallel_loop3A_590 = arith.constant 256 : i32
        %parallel_loop3A_591 = arith.muli %parallel_loop3A_144, %parallel_loop3A_590 : i32
        %parallel_loop3A_592 = arith.constant 64 : i32
        %parallel_loop3A_593 = arith.addi %parallel_loop3A_591, %parallel_loop3A_592 : i32
        %parallel_loop3A_594 = arith.constant 16 : i32
        %parallel_loop3A_595 = arith.addi %parallel_loop3A_593, %parallel_loop3A_594 : i32
        %parallel_loop3A_596 = arith.index_cast %parallel_loop3A_595 : i32 to index
        %parallel_loop3A_597 = tpu.vector_load %arg7[%parallel_loop3A_596] {strides = array<i32>} : memref<16384xf32, #tpu.memory_space<vmem>>, vector<16xf32>,
        tpu.vector_store %arg7[%parallel_loop3A_596], %parallel_loop3A_589 {strides = array<i32>} : memref<16384xf32, #tpu.memory_space<vmem>>, vector<16xf32>,
        %parallel_loop3A_598 = arith.constant 3 : i32
        %parallel_loop3A_599 = vector.broadcast %parallel_loop3A_598 : i32 to vector<16xi32>
        %parallel_loop3A_600 = arith.constant 0 : i32
        %parallel_loop3A_601 = vector.broadcast %parallel_loop3A_600 : i32 to vector<16xi32>
        %parallel_loop3A_602 = arith.cmpi slt, %parallel_loop3A_599, %parallel_loop3A_601 : vector<16xi32>
        %parallel_loop3A_603 = arith.constant 16 : i32
        %parallel_loop3A_604 = vector.broadcast %parallel_loop3A_603 : i32 to vector<16xi32>
        %parallel_loop3A_605 = arith.addi %parallel_loop3A_599, %parallel_loop3A_604 : vector<16xi32>
        %parallel_loop3A_606 = arith.select %parallel_loop3A_602, %parallel_loop3A_605, %parallel_loop3A_599 : vector<16xi1>, vector<16xi32>
        %parallel_loop3A_607 = vector.shape_cast %parallel_loop3A_606 : vector<16xi32> to vector<16x1xi32>
        %parallel_loop3A_608 = vector.shape_cast %parallel_loop3A_607 : vector<16x1xi32> to vector<16xi32>
        %parallel_loop3A_609 = tpu.dynamic_gather %parallel_loop3A_513[%parallel_loop3A_608] in [0] : vector<16xf32>, vector<16xi32> -> vector<16xf32>
        %parallel_loop3A_610 = arith.mulf %parallel_loop3A_294, %parallel_loop3A_609 : vector<16xf32>
        %parallel_loop3A_611 = arith.constant 256 : i32
        %parallel_loop3A_612 = arith.muli %parallel_loop3A_144, %parallel_loop3A_611 : i32
        %parallel_loop3A_613 = arith.constant 96 : i32
        %parallel_loop3A_614 = arith.addi %parallel_loop3A_612, %parallel_loop3A_613 : i32
        %parallel_loop3A_615 = arith.index_cast %parallel_loop3A_614 : i32 to index
        %parallel_loop3A_616 = tpu.vector_load %arg7[%parallel_loop3A_615] {strides = array<i32>} : memref<16384xf32, #tpu.memory_space<vmem>>, vector<16xf32>,
        tpu.vector_store %arg7[%parallel_loop3A_615], %parallel_loop3A_610 {strides = array<i32>} : memref<16384xf32, #tpu.memory_space<vmem>>, vector<16xf32>,
        %parallel_loop3A_617 = arith.mulf %parallel_loop3A_295, %parallel_loop3A_609 : vector<16xf32>
        %parallel_loop3A_618 = arith.constant 256 : i32
        %parallel_loop3A_619 = arith.muli %parallel_loop3A_144, %parallel_loop3A_618 : i32
        %parallel_loop3A_620 = arith.constant 96 : i32
        %parallel_loop3A_621 = arith.addi %parallel_loop3A_619, %parallel_loop3A_620 : i32
        %parallel_loop3A_622 = arith.constant 16 : i32
        %parallel_loop3A_623 = arith.addi %parallel_loop3A_621, %parallel_loop3A_622 : i32
        %parallel_loop3A_624 = arith.index_cast %parallel_loop3A_623 : i32 to index
        %parallel_loop3A_625 = tpu.vector_load %arg7[%parallel_loop3A_624] {strides = array<i32>} : memref<16384xf32, #tpu.memory_space<vmem>>, vector<16xf32>,
        tpu.vector_store %arg7[%parallel_loop3A_624], %parallel_loop3A_617 {strides = array<i32>} : memref<16384xf32, #tpu.memory_space<vmem>>, vector<16xf32>,
        %parallel_loop3A_626 = arith.constant 4 : i32
        %parallel_loop3A_627 = vector.broadcast %parallel_loop3A_626 : i32 to vector<16xi32>
        %parallel_loop3A_628 = arith.constant 0 : i32
        %parallel_loop3A_629 = vector.broadcast %parallel_loop3A_628 : i32 to vector<16xi32>
        %parallel_loop3A_630 = arith.cmpi slt, %parallel_loop3A_627, %parallel_loop3A_629 : vector<16xi32>
        %parallel_loop3A_631 = arith.constant 16 : i32
        %parallel_loop3A_632 = vector.broadcast %parallel_loop3A_631 : i32 to vector<16xi32>
        %parallel_loop3A_633 = arith.addi %parallel_loop3A_627, %parallel_loop3A_632 : vector<16xi32>
        %parallel_loop3A_634 = arith.select %parallel_loop3A_630, %parallel_loop3A_633, %parallel_loop3A_627 : vector<16xi1>, vector<16xi32>
        %parallel_loop3A_635 = vector.shape_cast %parallel_loop3A_634 : vector<16xi32> to vector<16x1xi32>
        %parallel_loop3A_636 = vector.shape_cast %parallel_loop3A_635 : vector<16x1xi32> to vector<16xi32>
        %parallel_loop3A_637 = tpu.dynamic_gather %parallel_loop3A_513[%parallel_loop3A_636] in [0] : vector<16xf32>, vector<16xi32> -> vector<16xf32>
        %parallel_loop3A_638 = arith.mulf %parallel_loop3A_336, %parallel_loop3A_637 : vector<16xf32>
        %parallel_loop3A_639 = arith.constant 256 : i32
        %parallel_loop3A_640 = arith.muli %parallel_loop3A_144, %parallel_loop3A_639 : i32
        %parallel_loop3A_641 = arith.constant 128 : i32
        %parallel_loop3A_642 = arith.addi %parallel_loop3A_640, %parallel_loop3A_641 : i32
        %parallel_loop3A_643 = arith.index_cast %parallel_loop3A_642 : i32 to index
        %parallel_loop3A_644 = tpu.vector_load %arg7[%parallel_loop3A_643] {strides = array<i32>} : memref<16384xf32, #tpu.memory_space<vmem>>, vector<16xf32>,
        tpu.vector_store %arg7[%parallel_loop3A_643], %parallel_loop3A_638 {strides = array<i32>} : memref<16384xf32, #tpu.memory_space<vmem>>, vector<16xf32>,
        %parallel_loop3A_645 = arith.mulf %parallel_loop3A_337, %parallel_loop3A_637 : vector<16xf32>
        %parallel_loop3A_646 = arith.constant 256 : i32
        %parallel_loop3A_647 = arith.muli %parallel_loop3A_144, %parallel_loop3A_646 : i32
        %parallel_loop3A_648 = arith.constant 128 : i32
        %parallel_loop3A_649 = arith.addi %parallel_loop3A_647, %parallel_loop3A_648 : i32
        %parallel_loop3A_650 = arith.constant 16 : i32
        %parallel_loop3A_651 = arith.addi %parallel_loop3A_649, %parallel_loop3A_650 : i32
        %parallel_loop3A_652 = arith.index_cast %parallel_loop3A_651 : i32 to index
        %parallel_loop3A_653 = tpu.vector_load %arg7[%parallel_loop3A_652] {strides = array<i32>} : memref<16384xf32, #tpu.memory_space<vmem>>, vector<16xf32>,
        tpu.vector_store %arg7[%parallel_loop3A_652], %parallel_loop3A_645 {strides = array<i32>} : memref<16384xf32, #tpu.memory_space<vmem>>, vector<16xf32>,
        %parallel_loop3A_654 = arith.constant 5 : i32
        %parallel_loop3A_655 = vector.broadcast %parallel_loop3A_654 : i32 to vector<16xi32>
        %parallel_loop3A_656 = arith.constant 0 : i32
        %parallel_loop3A_657 = vector.broadcast %parallel_loop3A_656 : i32 to vector<16xi32>
        %parallel_loop3A_658 = arith.cmpi slt, %parallel_loop3A_655, %parallel_loop3A_657 : vector<16xi32>
        %parallel_loop3A_659 = arith.constant 16 : i32
        %parallel_loop3A_660 = vector.broadcast %parallel_loop3A_659 : i32 to vector<16xi32>
        %parallel_loop3A_661 = arith.addi %parallel_loop3A_655, %parallel_loop3A_660 : vector<16xi32>
        %parallel_loop3A_662 = arith.select %parallel_loop3A_658, %parallel_loop3A_661, %parallel_loop3A_655 : vector<16xi1>, vector<16xi32>
        %parallel_loop3A_663 = vector.shape_cast %parallel_loop3A_662 : vector<16xi32> to vector<16x1xi32>
        %parallel_loop3A_664 = vector.shape_cast %parallel_loop3A_663 : vector<16x1xi32> to vector<16xi32>
        %parallel_loop3A_665 = tpu.dynamic_gather %parallel_loop3A_513[%parallel_loop3A_664] in [0] : vector<16xf32>, vector<16xi32> -> vector<16xf32>
        %parallel_loop3A_666 = arith.mulf %parallel_loop3A_378, %parallel_loop3A_665 : vector<16xf32>
        %parallel_loop3A_667 = arith.constant 256 : i32
        %parallel_loop3A_668 = arith.muli %parallel_loop3A_144, %parallel_loop3A_667 : i32
        %parallel_loop3A_669 = arith.constant 160 : i32
        %parallel_loop3A_670 = arith.addi %parallel_loop3A_668, %parallel_loop3A_669 : i32
        %parallel_loop3A_671 = arith.index_cast %parallel_loop3A_670 : i32 to index
        %parallel_loop3A_672 = tpu.vector_load %arg7[%parallel_loop3A_671] {strides = array<i32>} : memref<16384xf32, #tpu.memory_space<vmem>>, vector<16xf32>,
        tpu.vector_store %arg7[%parallel_loop3A_671], %parallel_loop3A_666 {strides = array<i32>} : memref<16384xf32, #tpu.memory_space<vmem>>, vector<16xf32>,
        %parallel_loop3A_673 = arith.mulf %parallel_loop3A_379, %parallel_loop3A_665 : vector<16xf32>
        %parallel_loop3A_674 = arith.constant 256 : i32
        %parallel_loop3A_675 = arith.muli %parallel_loop3A_144, %parallel_loop3A_674 : i32
        %parallel_loop3A_676 = arith.constant 160 : i32
        %parallel_loop3A_677 = arith.addi %parallel_loop3A_675, %parallel_loop3A_676 : i32
        %parallel_loop3A_678 = arith.constant 16 : i32
        %parallel_loop3A_679 = arith.addi %parallel_loop3A_677, %parallel_loop3A_678 : i32
        %parallel_loop3A_680 = arith.index_cast %parallel_loop3A_679 : i32 to index
        %parallel_loop3A_681 = tpu.vector_load %arg7[%parallel_loop3A_680] {strides = array<i32>} : memref<16384xf32, #tpu.memory_space<vmem>>, vector<16xf32>,
        tpu.vector_store %arg7[%parallel_loop3A_680], %parallel_loop3A_673 {strides = array<i32>} : memref<16384xf32, #tpu.memory_space<vmem>>, vector<16xf32>,
        %parallel_loop3A_682 = arith.constant 6 : i32
        %parallel_loop3A_683 = vector.broadcast %parallel_loop3A_682 : i32 to vector<16xi32>
        %parallel_loop3A_684 = arith.constant 0 : i32
        %parallel_loop3A_685 = vector.broadcast %parallel_loop3A_684 : i32 to vector<16xi32>
        %parallel_loop3A_686 = arith.cmpi slt, %parallel_loop3A_683, %parallel_loop3A_685 : vector<16xi32>
        %parallel_loop3A_687 = arith.constant 16 : i32
        %parallel_loop3A_688 = vector.broadcast %parallel_loop3A_687 : i32 to vector<16xi32>
        %parallel_loop3A_689 = arith.addi %parallel_loop3A_683, %parallel_loop3A_688 : vector<16xi32>
        %parallel_loop3A_690 = arith.select %parallel_loop3A_686, %parallel_loop3A_689, %parallel_loop3A_683 : vector<16xi1>, vector<16xi32>
        %parallel_loop3A_691 = vector.shape_cast %parallel_loop3A_690 : vector<16xi32> to vector<16x1xi32>
        %parallel_loop3A_692 = vector.shape_cast %parallel_loop3A_691 : vector<16x1xi32> to vector<16xi32>
        %parallel_loop3A_693 = tpu.dynamic_gather %parallel_loop3A_513[%parallel_loop3A_692] in [0] : vector<16xf32>, vector<16xi32> -> vector<16xf32>
        %parallel_loop3A_694 = arith.mulf %parallel_loop3A_420, %parallel_loop3A_693 : vector<16xf32>
        %parallel_loop3A_695 = arith.constant 256 : i32
        %parallel_loop3A_696 = arith.muli %parallel_loop3A_144, %parallel_loop3A_695 : i32
        %parallel_loop3A_697 = arith.constant 192 : i32
        %parallel_loop3A_698 = arith.addi %parallel_loop3A_696, %parallel_loop3A_697 : i32
        %parallel_loop3A_699 = arith.index_cast %parallel_loop3A_698 : i32 to index
        %parallel_loop3A_700 = tpu.vector_load %arg7[%parallel_loop3A_699] {strides = array<i32>} : memref<16384xf32, #tpu.memory_space<vmem>>, vector<16xf32>,
        tpu.vector_store %arg7[%parallel_loop3A_699], %parallel_loop3A_694 {strides = array<i32>} : memref<16384xf32, #tpu.memory_space<vmem>>, vector<16xf32>,
        %parallel_loop3A_701 = arith.mulf %parallel_loop3A_421, %parallel_loop3A_693 : vector<16xf32>
        %parallel_loop3A_702 = arith.constant 256 : i32
        %parallel_loop3A_703 = arith.muli %parallel_loop3A_144, %parallel_loop3A_702 : i32
        %parallel_loop3A_704 = arith.constant 192 : i32
        %parallel_loop3A_705 = arith.addi %parallel_loop3A_703, %parallel_loop3A_704 : i32
        %parallel_loop3A_706 = arith.constant 16 : i32
        %parallel_loop3A_707 = arith.addi %parallel_loop3A_705, %parallel_loop3A_706 : i32
        %parallel_loop3A_708 = arith.index_cast %parallel_loop3A_707 : i32 to index
        %parallel_loop3A_709 = tpu.vector_load %arg7[%parallel_loop3A_708] {strides = array<i32>} : memref<16384xf32, #tpu.memory_space<vmem>>, vector<16xf32>,
        tpu.vector_store %arg7[%parallel_loop3A_708], %parallel_loop3A_701 {strides = array<i32>} : memref<16384xf32, #tpu.memory_space<vmem>>, vector<16xf32>,
        %parallel_loop3A_710 = arith.constant 7 : i32
        %parallel_loop3A_711 = vector.broadcast %parallel_loop3A_710 : i32 to vector<16xi32>
        %parallel_loop3A_712 = arith.constant 0 : i32
        %parallel_loop3A_713 = vector.broadcast %parallel_loop3A_712 : i32 to vector<16xi32>
        %parallel_loop3A_714 = arith.cmpi slt, %parallel_loop3A_711, %parallel_loop3A_713 : vector<16xi32>
        %parallel_loop3A_715 = arith.constant 16 : i32
        %parallel_loop3A_716 = vector.broadcast %parallel_loop3A_715 : i32 to vector<16xi32>
        %parallel_loop3A_717 = arith.addi %parallel_loop3A_711, %parallel_loop3A_716 : vector<16xi32>
        %parallel_loop3A_718 = arith.select %parallel_loop3A_714, %parallel_loop3A_717, %parallel_loop3A_711 : vector<16xi1>, vector<16xi32>
        %parallel_loop3A_719 = vector.shape_cast %parallel_loop3A_718 : vector<16xi32> to vector<16x1xi32>
        %parallel_loop3A_720 = vector.shape_cast %parallel_loop3A_719 : vector<16x1xi32> to vector<16xi32>
        %parallel_loop3A_721 = tpu.dynamic_gather %parallel_loop3A_513[%parallel_loop3A_720] in [0] : vector<16xf32>, vector<16xi32> -> vector<16xf32>
        %parallel_loop3A_722 = arith.mulf %parallel_loop3A_462, %parallel_loop3A_721 : vector<16xf32>
        %parallel_loop3A_723 = arith.constant 256 : i32
        %parallel_loop3A_724 = arith.muli %parallel_loop3A_144, %parallel_loop3A_723 : i32
        %parallel_loop3A_725 = arith.constant 224 : i32
        %parallel_loop3A_726 = arith.addi %parallel_loop3A_724, %parallel_loop3A_725 : i32
        %parallel_loop3A_727 = arith.index_cast %parallel_loop3A_726 : i32 to index
        %parallel_loop3A_728 = tpu.vector_load %arg7[%parallel_loop3A_727] {strides = array<i32>} : memref<16384xf32, #tpu.memory_space<vmem>>, vector<16xf32>,
        tpu.vector_store %arg7[%parallel_loop3A_727], %parallel_loop3A_722 {strides = array<i32>} : memref<16384xf32, #tpu.memory_space<vmem>>, vector<16xf32>,
        %parallel_loop3A_729 = arith.mulf %parallel_loop3A_463, %parallel_loop3A_721 : vector<16xf32>
        %parallel_loop3A_730 = arith.constant 256 : i32
        %parallel_loop3A_731 = arith.muli %parallel_loop3A_144, %parallel_loop3A_730 : i32
        %parallel_loop3A_732 = arith.constant 224 : i32
        %parallel_loop3A_733 = arith.addi %parallel_loop3A_731, %parallel_loop3A_732 : i32
        %parallel_loop3A_734 = arith.constant 16 : i32
        %parallel_loop3A_735 = arith.addi %parallel_loop3A_733, %parallel_loop3A_734 : i32
        %parallel_loop3A_736 = arith.index_cast %parallel_loop3A_735 : i32 to index
        %parallel_loop3A_737 = tpu.vector_load %arg7[%parallel_loop3A_736] {strides = array<i32>} : memref<16384xf32, #tpu.memory_space<vmem>>, vector<16xf32>,
        tpu.vector_store %arg7[%parallel_loop3A_736], %parallel_loop3A_729 {strides = array<i32>} : memref<16384xf32, #tpu.memory_space<vmem>>, vector<16xf32>,
      } {sc.loop_unroll_factor = 1 : i64, sc.parallel_access}
      %mul3A_136 = arith.constant 64 : i32
      %mul3A_137 = arith.muli %add3A_84, %mul3A_136 : i32
      %add3A_138 = arith.addi %mul3A_2, %mul3A_137 : i32
      %mul3A_139 = arith.constant 256 : i32
      %mul3A_140 = arith.muli %add3A_138, %mul3A_139 : i32
      %dma_start3A_141 = tpu.memref_slice %arg3[%mul3A_140] : memref<16777216xf32, #tpu.memory_space<hbm>> -> memref<16384xf32, #tpu.memory_space<hbm>>
      %dma_start3A_142 = tpu.memref_slice %arg3[%mul3A_140] : memref<16777216xf32, #tpu.memory_space<hbm>> -> memref<16384xf32, #tpu.memory_space<hbm>>
      tpu.enqueue_dma source(%arg7 : memref<16384xf32, #tpu.memory_space<vmem>>) target(%dma_start3A_142 : memref<16384xf32, #tpu.memory_space<hbm>>) target_semaphore(%arg11 : memref<!tpu.dma_semaphore, #tpu.memory_space<semaphore_mem>>)
      %scan3A_143 = arith.constant 0 : i32
      scf.yield %scan3A_143 : i32
    }
    %scan3A_13 = arith.constant 16 : i32
    %add3A_14 = arith.constant 1920 : i32
    %add3A_15 = arith.addi %mul3A_2, %add3A_14 : i32
    %mul3A_16 = arith.constant 256 : i32
    %mul3A_17 = arith.muli %add3A_15, %mul3A_16 : i32
    %dma_wait3A = tpu.memref_slice %arg3[%mul3A_17] : memref<16777216xf32, #tpu.memory_space<hbm>> -> memref<16384xf32, #tpu.memory_space<hbm>>
    %dma_wait3A_18 = tpu.memref_slice %arg3[%mul3A_17] : memref<16777216xf32, #tpu.memory_space<hbm>> -> memref<16384xf32, #tpu.memory_space<hbm>>
    tpu.wait_dma2 semaphore(%arg10 : memref<!tpu.dma_semaphore, #tpu.memory_space<semaphore_mem>>) src(%arg6 : memref<16384xf32, #tpu.memory_space<vmem>>) dst(%dma_wait3A_18 : memref<16384xf32, #tpu.memory_space<hbm>>)
    %add3A_19 = arith.constant 1984 : i32
    %add3A_20 = arith.addi %mul3A_2, %add3A_19 : i32
    %mul3A_21 = arith.constant 256 : i32
    %mul3A_22 = arith.muli %add3A_20, %mul3A_21 : i32
    %dma_wait3A_23 = tpu.memref_slice %arg3[%mul3A_22] : memref<16777216xf32, #tpu.memory_space<hbm>> -> memref<16384xf32, #tpu.memory_space<hbm>>
    %dma_wait3A_24 = tpu.memref_slice %arg3[%mul3A_22] : memref<16777216xf32, #tpu.memory_space<hbm>> -> memref<16384xf32, #tpu.memory_space<hbm>>
    tpu.wait_dma2 semaphore(%arg11 : memref<!tpu.dma_semaphore, #tpu.memory_space<semaphore_mem>>) src(%arg7 : memref<16384xf32, #tpu.memory_space<vmem>>) dst(%dma_wait3A_24 : memref<16384xf32, #tpu.memory_space<hbm>>)
    return
  }
}

</mosaic_0001>

<sc_bundles>
// kernel: _run.3.cloned.1.call-start
scs
__scs_entry_jumppad:
0x0: {  	(pc) =	sbr.rel $0x88, $3  }
0x1: {  	(tag) =	ssettag $0x0;
	lr =	simm.s32 $0x1  }
0x2: {  	[smem:$0x3FA0] =	sst lr;
	_ =	strace $0xD0000000  }
0x3: {  	_ = 	snop  }
0x4: {  	_ = 	snop  }
0x5: {  	_ = 	snop  }
0x6: {  	_ = 	snop  }
0x7: {  	_ = 	snop  }
__scs_overlays_trampoline_lowered:
0x8: {  	[smem:$0x3FAF] =	sst s0  }
0x9: {  	[smem:$0x3FB0] =	sst s1  }
0xa: {  	[smem:$0x3FB1] =	sst s2  }
0xb: {  	[smem:$0x3FB2] =	sst s3  }
0xc: {  	[smem:$0x3FB3] =	sst s4  }
0xd: {  	[smem:$0x3FB4] =	sst s5  }
0xe: {  	[smem:$0x3FB5] =	sst s6  }
0xf: {  	[smem:$0x3FB6] =	sst s7  }
0x10: {  	[smem:$0x3FB7] =	sst s8  }
0x11: {  	[smem:$0x3FB8] =	sst s9;
	s0 =	simm.s32 @!p0 $0x0  }
0x12: {  	s1 =	sld [smem:$0x3F9E];
	s0 =	simm.s32 @p0 $0x1  }
0x13: {  	[smem:$0x3FB9] =	sst s0;
	s0 =	simm.s32 @!p1 $0x0  }
0x14: {  	s2 =	sld [smem:$0x3F9D];
	s0 =	simm.s32 @p1 $0x1  }
0x15: {  	[smem:$0x3FBA] =	sst s0;
	s0 =	simm.s32 @!p2 $0x0  }
0x16: {  	s3 =	sld [smem:$0x3FDB];
	s0 =	simm.s32 @p2 $0x1  }
0x17: {  	s4 =	simm.s32 $0x1BF5;
	[smem:$0x3FBC] =	sst s0  }
0x18: {  	s0 =	sld [smem:$0x3F9F];
	_ =	swait.ge [sflag:s4], $0x0  }
0x19: {  	s7 =	sld [smem:$0x3FA0]  }
0x1a: {  	s8 =	sadd.s32 $0xFFFFE003, lr  }
0x1b: {  	s9 =	sadd.s32 $0xFFFFFEF7, lr;
	s5 =	simm.s32 $0xFFFFFFFF;
	p2 =	slt.u32 s8, $0xFFFFF086  }
0x1c: {  	p1 =	slt.u32 s9, $0xF7A;
	s5 =	simm.s32 @!p2 $0x0  }
0x1d: {  	s5 =	simm.s32 @p1 $0x1;
	p0 =	seq.s32 s7, s2  }
0x1e: {  	s7 =	smul.u32 @!p0 $0xF7A, s2;
	p2 =	seq.s32 @!p0 s5, $0x0  }
0x1f: {  	s9 =	smul.u32 $0xF7A, s1;
	s8 =	simm.s32 @!p0 $0x1BF5;
	p2 =	por !p2, p0  }
0x20: {  	[sflag:s8] =	ssyncset.s32 @!p0 $0xFFFFF086;
	s6 =	sadd.s32 @!p0 s3, s7;
	s7 =	simm.s32 @!p0 $0x108  }
0x21: {  	s3 =	sadd.s32 s3, s9;
	s6 =	sadd.s32 @!p0 $0x88, s6;
	s7 =	simm.s32 @p2 $0x1082  }
0x22: {  	[simem:s7], [sflag:s8] =	dma.local @!p0 [hbm:s6], $0xF7A  }
0x23: {  	s9 =	sor.u32 $0xD0000000, s2;
	s6 =	simm.s32 $0x108;
	_ =	swait.ge @!p0 [sflag:s8], $0x0  }
0x24: {  	s3 =	sadd.s32 $0x88, s3;
	s6 =	simm.s32 @!p1 $0x1082;
	[sflag:s4] =	ssyncset.s32 $0xFFFFF086  }
0x25: {  	[simem:s6], [sflag:s4] =	dma.local [hbm:s3], $0xF7A  }
0x26: {  	[smem:$0x3FA0] =	sst s1;
	(tag) =	ssettag s2;
	_ =	strace s9  }
0x27: {  	s1 =	sld [smem:$0x3FB0]  }
0x28: {  	s2 =	sld [smem:$0x3FB1]  }
0x29: {  	s4 =	sld [smem:$0x3FB3]  }
0x2a: {  	p0 =	seq.s32 s5, $0x0;
	s5 =	sld [smem:$0x3FB4]  }
0x2b: {  	s6 =	sld [smem:$0x3FB5]  }
0x2c: {  	s7 =	sld [smem:$0x3FB6]  }
0x2d: {  	s3 =	simm.s32 $0x108;
	s8 =	sld [smem:$0x3FB7]  }
0x2e: {  	s3 =	simm.s32 @!p0 $0x1082;
	s9 =	sld [smem:$0x3FB8]  }
0x2f: {  	lr =	sadd.s32 s0, s3;
	s0 =	sld [smem:$0x3FAF]  }
0x30: {  	s3 =	sld [smem:$0x3FB2]  }
0x31: {  	[smem:$0x3FBB] =	sst s10  }
0x32: {  	s10 =	sld [smem:$0x3FB9];
	_ =	sdelay $0x3  }
0x33: {  	p0 =	seq.s32 s10, $0x1;
	s10 =	sld [smem:$0x3FBB];
	_ =	sdelay $0x3  }
0x34: {  	[smem:$0x3FBB] =	sst s10  }
0x35: {  	s10 =	sld [smem:$0x3FBA];
	_ =	sdelay $0x3  }
0x36: {  	p1 =	seq.s32 s10, $0x1;
	s10 =	sld [smem:$0x3FBB];
	_ =	sdelay $0x3  }
0x37: {  	[smem:$0x3FBB] =	sst s10  }
0x38: {  	s10 =	sld [smem:$0x3FBC]  }
0x39: {  	_ = 	snop;
	(pc) =	sbr.ind lr, $3  }
0x3a: {  	_ = 	snop  }
0x3b: {  	_ = 	snop  }
0x3c: {  	p2 =	seq.s32 s10, $0x1;
	s10 =	sld [smem:$0x3FBB]  }
0x3d: {  	_ =	shalt  }
0x3e: {  	_ =	shalt  }
0x3f: {  	_ =	shalt  }
0x40: {  	_ =	shalt  }
0x41: {  	_ =	shalt  }
0x42: {  	_ =	shalt  }
0x43: {  	_ =	shalt  }
0x44: {  	_ =	shalt  }
0x45: {  	_ =	shalt  }
0x46: {  	_ =	shalt  }
0x47: {  	_ =	shalt  }
0x48: {  	_ =	shalt  }
0x49: {  	_ =	shalt  }
0x4a: {  	_ =	shalt  }
0x4b: {  	_ =	shalt  }
0x4c: {  	_ =	shalt  }
0x4d: {  	_ =	shalt  }
0x4e: {  	_ =	shalt  }
0x4f: {  	_ =	shalt  }
0x50: {  	_ =	shalt  }
0x51: {  	_ =	shalt  }
0x52: {  	_ =	shalt  }
0x53: {  	_ =	shalt  }
0x54: {  	_ =	shalt  }
0x55: {  	_ =	shalt  }
0x56: {  	_ =	shalt  }
0x57: {  	_ =	shalt  }
0x58: {  	_ =	shalt  }
0x59: {  	_ =	shalt  }
0x5a: {  	_ =	shalt  }
0x5b: {  	_ =	shalt  }
0x5c: {  	_ =	shalt  }
0x5d: {  	_ =	shalt  }
0x5e: {  	_ =	shalt  }
0x5f: {  	_ =	shalt  }
0x60: {  	_ =	shalt  }
0x61: {  	_ =	shalt  }
0x62: {  	_ =	shalt  }
0x63: {  	_ =	shalt  }
0x64: {  	_ =	shalt  }
0x65: {  	_ =	shalt  }
0x66: {  	_ =	shalt  }
0x67: {  	_ =	shalt  }
0x68: {  	_ =	shalt  }
0x69: {  	_ =	shalt  }
0x6a: {  	_ =	shalt  }
0x6b: {  	_ =	shalt  }
0x6c: {  	_ =	shalt  }
0x6d: {  	_ =	shalt  }
0x6e: {  	_ =	shalt  }
0x6f: {  	_ =	shalt  }
0x70: {  	_ =	shalt  }
0x71: {  	_ =	shalt  }
0x72: {  	_ =	shalt  }
0x73: {  	_ =	shalt  }
0x74: {  	_ =	shalt  }
0x75: {  	_ =	shalt  }
0x76: {  	_ =	shalt  }
0x77: {  	_ =	shalt  }
0x78: {  	_ =	shalt  }
0x79: {  	_ =	shalt  }
0x7a: {  	_ =	shalt  }
0x7b: {  	_ =	shalt  }
0x7c: {  	_ =	shalt  }
0x7d: {  	_ =	shalt  }
0x7e: {  	_ =	shalt  }
0x7f: {  	_ =	shalt  }
0x80: {  	_ =	shalt  }
0x81: {  	_ =	shalt  }
0x82: {  	_ =	shalt  }
0x83: {  	_ =	shalt  }
0x84: {  	_ =	shalt  }
0x85: {  	_ =	shalt  }
0x86: {  	_ =	shalt  }
0x87: {  	_ =	shalt  }
.Lfunc_end0:
.L_simem_size_0:
called_computation_lowered:
.L_overlay_start_0:
0x88: {  	s2 =	sld [smem:$0x3FD9]  }
0x89: {  	s3 =	sld [smem:$0x3FFE];
	_ =	sdelay $0x1  }
0x8a: {  	s1 =	srdreg.scid  }
0x8b: {  	s0 =	sand.u32 $0x1, s1  }
0x8c: {  	s18 =	sshll.u32 s0, $0xA;
	s2 =	sadd.s32 s3, s2  }
0x8d: {  	s2 =	sadd.s32 s2, s18  }
0x8e: {  	[smem:$0x3FC7] =	sst s2  }
0x8f: {  	_ = 	snop  }
0x90: {  	s2 =	sld [smem:$0x3FC9]  }
0x91: {  	s19 =	sld [smem:$0x3FD0];
	(tm) =	ssettm $0x1  }
0x92: {  	s4 =	sld [smem:$0x3FFB];
	_ =	sdelay $0x3  }
0x93: {  	_ =	strace s4  }
0x94: {  	s4 =	sld [smem:$0x3FFC];
	_ =	sdelay $0x3  }
0x95: {  	_ =	strace s4  }
0x96: {  	s4 =	sld [smem:$0x3FFD];
	_ =	sdelay $0x3  }
0x97: {  	_ =	strace s4  }
0x98: {  	_ =	strace $0x8FFFFFFF  }
0x99: {  	s20 =	sld [smem:$0x3FDB];
	_ =	sdelay $0x1  }
0x9a: {  	s5 =	simm.s32 $_scs_section_size  }
0x9b: {  	s6 =	simm.s32 $_size__tile_overlayer_lowered;
	s7 =	simm.s32 $_tile_overlayer_lowered  }
0x9c: {  	s23 =	simm.s32 $0x1BFF;
	s22 =	sshll.u32 s7, $0x1;
	s4 =	sadd.s32 s5, s20  }
0x9d: {  	s8 =	simm.s32 $0x0;
	s21 =	sshll.u32 s6, $0x1;
	s6 =	sadd.s32 s22, s4  }
0x9e: {  	[timem:s8], [sflag:s23] =	dma.local [hbm:s6], s21  }
0x9f: {  	_ =	swait.ge [sflag:s23], s21  }
0xa0: {  	s5 =	ssub.s32 $0x0, s21;
	[sflag:s23] =	ssyncset.done $0x0  }
0xa1: {  	[sflag:s23] =	ssyncadd.s32 s5;
	_ =	sdelay $0x1  }
0xa2: {  	s24 =	simm.s32 $0x1B8B  }
0xa3: {  	_ =	swait.ge [sflag:s24], $0x1  }
0xa4: {  	[sflag:s24] =	ssyncset.done $0x0  }
0xa5: {  	s25 =	simm.s32 $0x1B8E;
	[sflag:s24] =	ssyncadd.s32 $0xFFFFFFFF  }
0xa6: {  	s26 =	simm.s32 $execute0_lowered;
	[smem:$0x3FD2] =	sst s25  }
0xa7: {  	s5 =	sshll.u32 s26, $0x1;
	_ =	strace $0x80000046;
	[dreg:$0x1] =	wrdreg $0xFFFFFFFF  }
0xa8: {  	s28 =	simm.s32 $_size_execute0_lowered;
	s4 =	sadd.s32 s4, s5;
	[dreg:$0x0] =	wrdreg $0x0  }
0xa9: {  	s5 =	sshll.u32 s28, $0x1;
	[dreg:$0x2] =	wrdreg s4  }
0xaa: {  	[dreg:$0x3] =	wrdreg s5  }
0xab: {  	[dreg:$0x4] =	wrdreg $0xC0  }
0xac: {  	_ =	task [dreg:s8], $0x5FFFF  }
0xad: {  	[dreg:$0x1] =	wrdreg $0xFFFFFFFF  }
0xae: {  	[dreg:$0x0] =	wrdreg $0x60  }
0xaf: {  	[dreg:$0x2] =	wrdreg s2  }
0xb0: {  	[dreg:$0x3] =	wrdreg s19  }
0xb1: {  	[dreg:$0x4] =	wrdreg $0x9  }
0xb2: {  	_ =	task.clear_ibuf [dreg:s8], $0x5FFFF;
	_ =	strace $0x90000046  }
0xb3: {  	s29 =	simm.s32 $0x9;
	_ =	strace $0x80000048  }
0xb4: {  	_ =	swait.ge [sflag:s29], $0x1  }
0xb5: {  	[sflag:s29] =	ssyncadd.s32 $0xFFFFFFFF  }
0xb6: {  	_ =	strace $0x90000048  }
0xb7: {  	_ =	sfence  }
0xb8: {  	s30 =	sld [smem:$0x0];
	_ =	sdelay $0x2  }
0xb9: {  	s31 =	sshll.u32 s1, $0xD;
	s1 =	sshrl.u32 s1, $0x2  }
0xba: {  	s3 =	sand.u32 $0x4000, s31;
	s1 =	sadd.s32 s1, s30  }
0xbb: {  	s0 =	sor.u32 s3, s0;
	s1 =	sshll.u32 s1, $0x11  }
0xbc: {  	s0 =	sor.u32 s1, s0  }
0xbd: {  	s0 =	sadd.s32 $0x8F2B, s0  }
0xbe: {  	[sflag:s0] =	ssyncadd.remote.s32 $0x1  }
0xbf: {  	_ =	sfence.sel $0xFFFF  }
0xc0: {  	[dreg:$0x0] =	wrdreg $0xFFFFFFFF;
	(pc) =	sbr.abs _section_cstart, $3  }
0xc1: {  	[dreg:$0x1] =	wrdreg $0xFFFFFFFF  }
0xc2: {  	_ =	task.clear_ibuf [dreg:s8], $0x2FFFF;
	_ =	strace $0x9FFFFFFF  }
0xc3: {  	(tm) =	ssettm $0x7FFFFFFF  }
tec
execute0_lowered:
.L_overlay_start_1:
0x0: {  	(tag) =	ssettag $0x1  }
0x1: {  	s1 =	rddreg [dreg:$0x0]  }
0x2: {  	s3 =	rddreg [dreg:$0x1]  }
0x3: {  	s0 =	rddreg [dreg:$0x2];
	s5 =	srdreg.scid  }
0x4: {  	s4 =	simm.s32 $0x0;
	s2 =	stileid.u32;
	s10 =	simm.s32 $0x4000  }
0x5: {  	s11 =	simm.s32 $0x1;
	s12 =	simm.s32 $0x8000;
	s13 =	simm.s32 $0x2  }
0x6: {  	v0 =	vimm.s32 $0xF;
	vm0 =	vmmov $0x1;
	s14 =	simm.s32 $0x4;
	s15 =	simm.s32 $0xC000;
	s16 =	simm.s32 $0x3  }
0x7: {  	vm1 =	vcmask $0x320;
	vm2 =	vcmask $0x720;
	vm3 =	vcmask $0xB20;
	s17 =	simm.s32 $0x0;
	s5 =	sand.u32 $0x1, s5;
	s7 =	sshll.u32 s2, $0x11  }
0x8: {  	vm4 =	vcmask $0xF20;
	vm5 =	vcmask $0x1320;
	vm6 =	vcmask $0x1720;
	[smem:$0x7FF] =	sst s4;
	s6 =	ssub.s32 $0x2, s5;
	s5 =	sshll.u32 s5, $0x10  }
0x9: {  	vm7 =	vcmask $0x1B20;
	v1 =	vimm.s32 $0x1;
	v2 =	vimm.s32 $0x0;
	_ =	strace $0x80000047;
	s8 =	sshrl.u32 s6, $0x1;
	s7 =	sor.u32 s5, s7  }
0xa: {  	v3 =	vimm.s32 $0x2;
	v4 =	vimm.s32 $0x3;
	v5 =	vimm.s32 $0x4;
	s9 =	ssub.s32 s6, s8;
	s5 =	sadd.s32 s1, s7;
	s6 =	sor.u32 $0x800, s7  }
0xb: {  	v6 =	vimm.s32 $0x5;
	v7 =	vimm.s32 $0x6;
	v8 =	vimm.s32 $0x7;
	s7 =	sadd.s32 s3, s7;
	s8 =	sadd.s32 $0x1000, s5;
	s9 =	smax.u32 s9, $0x1  }
.LBB2_1:
0xc: {  	[tilespmem:s4], [sflag:$0x1] =	stream.linear.gather [hbm4b:s5+s4], $0x4000, $0x38;
	[tilespmem:$0x10000] =	vst v63  }
0xd: {  	s18 =	simm.s32 $0x0  }
.LBB2_2:
0xe: {  	s20 =	sshll.u32 s18, $0xC  }
0xf: {  	s19 =	sadd.s32 s6, s20  }
0x10: {  	s21 =	sadd.s32 s1, s19  }
0x11: {  	[tilespmem:s10], [sflag:$0x2] =	stream.linear.gather [hbm4b:s21+s4], $0x4000, $0x38;
	[tilespmem:$0x10000] =	vst v63  }
0x12: {  	_ =	swait.ge [sflag:s11], $0x4000  }
0x13: {  	p0 =	seq.s32 s18, $0x0;
	[sflag:s11] =	ssyncset.done $0x0  }
0x14: {  	s21 =	simm.s32 @!p0 $0x3;
	[sflag:s11] =	ssyncadd.s32 $0xFFFFC000  }
0x15: {  	s22 =	simm.s32 $0x0;
	_ =	swait.ge @!p0 [sflag:s21], $0x4000  }
0x16: {  	s23 =	sand.u32 $0x3800, s22;
	s22 =	sand.u32 $0x380, s22;
	[sflag:s21] =	ssyncset.done @!p0 $0x0  }
0x17: {  	s26 =	sor.u32 s22, s23;
	[sflag:s21] =	ssyncadd.s32 @!p0 $0xFFFFC000  }
0x18: {  	v9 =	vld [tilespmem:s26+$0x460]  }
0x19: {  	v10 =	vld [tilespmem:s26+$0x470]  }
0x1a: {  	v11 =	vld [tilespmem:s26+$0x440]  }
0x1b: {  	v12 =	vld [tilespmem:s26+$0x450]  }
0x1c: {  	v13 =	vld [tilespmem:s26+$0x420]  }
0x1d: {  	v14 =	vld [tilespmem:s26+$0x430];
	_ =	sdelay $0x1  }
0x1e: {  	v16 =	vld [tilespmem:s26+$0x400];
	v15 =	vadd.f32 v10, v9  }
0x1f: {  	v18 =	vld [tilespmem:s26+$0x410];
	v17 =	vadd.f32 v12, v11  }
0x20: {  	(xrf2) =	vadd.scan.msk.f32 $0xffff, v15;
	v15 =	vld [tilespmem:s26+$0x40]  }
0x21: {  	v19 =	vadd.f32 v14, v13;
	(xrf2) =	vadd.scan.msk.f32 $0xffff, v17;
	v17 =	vld [tilespmem:s26+$0x50]  }
0x22: {  	v20 =	vld [tilespmem:s26+$0x30]  }
0x23: {  	(xrf2) =	vadd.scan.msk.f32 $0xffff, v19;
	v19 =	vld [tilespmem:s26+$0x20]  }
0x24: {  	v21 =	vadd.f32 v18, v16;
	_ =	sdelay $0x1  }
0x25: {  	v22 =	vld [tilespmem:s26+$0x0];
	(xrf2) =	vadd.scan.msk.f32 $0xffff, v21;
	v21 =	vadd.f32 v17, v15  }
0x26: {  	v23 =	vld [tilespmem:s26+$0x10]  }
0x27: {  	(xrf2) =	vadd.scan.msk.f32 $0xffff, v21;
	v21 =	vadd.f32 v20, v19  }
0x28: {  	v24 =	vld [tilespmem:s26+$0x60]  }
0x29: {  	v25 =	vld [tilespmem:s26+$0x70]  }
0x2a: {  	v26, _, _ =	vpop (xrf2);
	(xrf2) =	vadd.scan.msk.f32 $0xffff, v21  }
0x2b: {  	v27 =	vadd.f32 v23, v22;
	v21, _, _ =	vpop (xrf2)  }
0x2c: {  	v26 =	vperm.xlane v26, v0;
	v28, _, _ =	vpop (xrf2)  }
0x2d: {  	(xrf2) =	vadd.scan.msk.f32 $0xffff, v27;
	v28 =	vperm.xlane v28, v0  }
0x2e: {  	v29 =	vadd.f32 v25, v24;
	v26 =	vmul.f32 $3.125000000e-02, v26;
	_ =	sdelay $0x1  }
0x2f: {  	(xrf2) =	vadd.scan.msk.f32 $0xffff, v29;
	v27 =	vsub.f32 v9, v26;
	v30 =	vmul.f32 $3.125000000e-02, v28  }
0x30: {  	v36 =	vsub.f32 v10, v26;
	v28, _, _ =	vpop (xrf2)  }
0x31: {  	v10 =	vmul.f32 v27, v27;
	v29 =	vsub.f32 v14, v30;
	v9 =	vperm.xlane v28, v0;
	v26, _, _ =	vpop (xrf2)  }
0x32: {  	v28 =	vsub.f32 v13, v30;
	v13 =	vmul.f32 v36, v36;
	v14 =	vperm.xlane v26, v0  }
0x33: {  	v31, _, _ =	vpop (xrf2);
	v9 =	vmul.f32 $3.125000000e-02, v9  }
0x34: {  	v10 =	vadd.f32 v13, v10;
	v13 =	vmul.f32 $3.125000000e-02, v14;
	v14 =	vperm.xlane v31, v0  }
0x35: {  	v30 =	vmul.f32 v29, v29;
	v26 =	vmul.f32 v28, v28;
	v33 =	vsub.f32 v16, v9  }
0x36: {  	v32 =	vsub.f32 v18, v9;
	v37 =	vsub.f32 v15, v13;
	v15, _, _ =	vpop (xrf2);
	v14 =	vmul.f32 $3.125000000e-02, v14  }
0x37: {  	v38 =	vsub.f32 v17, v13;
	v16 =	vmul.f32 v33, v33;
	v15 =	vperm.xlane v15, v0  }
0x38: {  	v13 =	vmul.f32 v32, v32;
	v17 =	vmul.f32 v37, v37  }
0x39: {  	v42 =	vsub.f32 v19, v14;
	v18 =	vmul.f32 v38, v38;
	v19, _, _ =	vpop (xrf2);
	v41 =	vsub.f32 v20, v14  }
0x3a: {  	v9 =	vadd.f32 v30, v26;
	v14 =	vmul.f32 $3.125000000e-02, v15;
	v15 =	vperm.xlane v19, v0  }
0x3b: {  	v13 =	vadd.f32 v13, v16;
	v16 =	vmul.f32 v42, v42;
	v19 =	vmul.f32 v41, v41  }
0x3c: {  	(xrf2) =	vadd.scan.msk.f32 $0xffff, v10;
	v39 =	vsub.f32 v22, v14;
	v44 =	vsub.f32 v23, v14;
	v14 =	vmul.f32 $3.125000000e-02, v15  }
0x3d: {  	(xrf2) =	vadd.scan.msk.f32 $0xffff, v9;
	v10 =	vadd.f32 v18, v17;
	v15 =	vperm.xlane v21, v0;
	v9 =	vadd.f32 v19, v16  }
0x3e: {  	(xrf2) =	vadd.scan.msk.f32 $0xffff, v13;
	v16 =	vmul.f32 v39, v39;
	v17 =	vmul.f32 v44, v44;
	v43 =	vsub.f32 v24, v14  }
0x3f: {  	(xrf2) =	vadd.scan.msk.f32 $0xffff, v10;
	v40 =	vsub.f32 v25, v14;
	v13 =	vmul.f32 $3.125000000e-02, v15  }
0x40: {  	(xrf2) =	vadd.scan.msk.f32 $0xffff, v9;
	v10 =	vadd.f32 v17, v16;
	v9 =	vmul.f32 v43, v43  }
0x41: {  	v14 =	vmul.f32 v40, v40;
	v35 =	vsub.f32 v11, v13;
	v34 =	vsub.f32 v12, v13  }
0x42: {  	(xrf2) =	vadd.scan.msk.f32 $0xffff, v10  }
0x43: {  	v9 =	vadd.f32 v14, v9;
	v10 =	vmul.f32 v35, v35;
	v11 =	vmul.f32 v34, v34;
	_ =	sdelay $0x1  }
0x44: {  	(xrf2) =	vadd.scan.msk.f32 $0xffff, v9;
	v9 =	vadd.f32 v11, v10  }
0x45: {  	s28 =	simm.s32 $0x100;
	s29 =	simm.s32 $0x80  }
0x46: {  	s22 =	sand.u32 $0x380, s29;
	s21 =	sand.u32 $0x3800, s28;
	v10, _, _ =	vpop (xrf2)  }
0x47: {  	s21 =	sor.u32 s22, s21;
	v11, _, _ =	vpop (xrf2)  }
0x48: {  	v18 =	vld [tilespmem:s21+$0x430];
	(xrf2) =	vadd.scan.msk.f32 $0xffff, v9;
	v9, _, _ =	vpop (xrf2)  }
0x49: {  	v23 =	vld [tilespmem:s21+$0x440];
	v14, _, _ =	vpop (xrf2)  }
0x4a: {  	v12 =	vld [tilespmem:s21+$0x460];
	v15, _, _ =	vpop (xrf2)  }
0x4b: {  	v13 =	vld [tilespmem:s21+$0x470];
	v17, _, _ =	vpop (xrf2)  }
0x4c: {  	v25 =	vld [tilespmem:s21+$0x450];
	v17 =	vperm.xlane v17, v0  }
0x4d: {  	v16 =	vld [tilespmem:s21+$0x420];
	v15 =	vperm.xlane v15, v0  }
0x4e: {  	v20, _, _ =	vpop (xrf2);
	v17 =	vnsel vm0, $0x0, v17  }
0x4f: {  	v22 =	vld [tilespmem:s21+$0x410];
	v15 =	vsel vm1, v17, v15;
	v17 =	vperm.xlane v20, v0  }
0x50: {  	v19 =	vld [tilespmem:s21+$0x400];
	v21 =	vadd.f32 v13, v12;
	v14 =	vperm.xlane v14, v0  }
0x51: {  	v20 =	vadd.f32 v25, v23  }
0x52: {  	(xrf2) =	vadd.scan.msk.f32 $0xffff, v21;
	v21 =	vadd.f32 v18, v16;
	v9 =	vperm.xlane v9, v0;
	v14 =	vsel vm2, v15, v14  }
0x53: {  	v11 =	vperm.xlane v11, v0;
	v14 =	vsel vm3, v14, v17;
	(xrf2) =	vadd.scan.msk.f32 $0xffff, v20;
	v17, _, _ =	vpop (xrf2)  }
0x54: {  	v15 =	vld [tilespmem:s21+$0x40];
	v9 =	vsel vm4, v14, v9;
	(xrf2) =	vadd.scan.msk.f32 $0xffff, v21;
	v14 =	vperm.xlane v17, v0  }
0x55: {  	v10 =	vperm.xlane v10, v0;
	v20 =	vld [tilespmem:s21+$0x50];
	v9 =	vsel vm5, v9, v11;
	v11 =	vadd.f32 v22, v19  }
0x56: {  	v21 =	vld [tilespmem:s21+$0x30];
	v9 =	vsel vm6, v9, v14  }
0x57: {  	v17 =	vld [tilespmem:s21+$0x20];
	(xrf2) =	vadd.scan.msk.f32 $0xffff, v11;
	v9 =	vsel vm7, v9, v10  }
0x58: {  	v26 =	vmul.f32 $3.225806360e-02, v9  }
0x59: {  	v30 =	vld [tilespmem:s21+$0x10]  }
0x5a: {  	v24 =	vld [tilespmem:s21+$0x0];
	v9 =	vadd.f32 v20, v15;
	v10 =	vshrl.u32 v26, $0x1;
	v11 =	vmul.f32 $5.000000000e-01, v26  }
0x5b: {  	v45 =	vld [tilespmem:s21+$0x70];
	v10 =	vsub.s32 $0x5F3759DF, v10  }
0x5c: {  	v31 =	vld [tilespmem:s21+$0x60];
	v46, _, _ =	vpop (xrf2);
	(xrf2) =	vadd.scan.msk.f32 $0xffff, v9;
	v9 =	vadd.f32 v21, v17;
	v14 =	vmul.f32 v10, v11  }
0x5d: {  	v46 =	vperm.xlane v46, v0;
	v47, _, _ =	vpop (xrf2)  }
0x5e: {  	(xrf2) =	vadd.scan.msk.f32 $0xffff, v9;
	v48, _, _ =	vpop (xrf2);
	v14 =	vmul.f32 v10, v14  }
0x5f: {  	v46 =	vmul.f32 $3.125000000e-02, v46;
	v9 =	vadd.f32 v30, v24;
	v48 =	vperm.xlane v48, v0  }
0x60: {  	v14 =	vsub.f32 $1.500000000e+00, v14  }
0x61: {  	v49 =	vadd.f32 v45, v31;
	(xrf2) =	vadd.scan.msk.f32 $0xffff, v9;
	v9 =	vsub.f32 v12, v46;
	v50, _, _ =	vpop (xrf2);
	v48 =	vmul.f32 $3.125000000e-02, v48  }
0x62: {  	v12 =	vsub.f32 v13, v46;
	v13 =	vperm.xlane v50, v0;
	v51 =	vmul.f32 v10, v14  }
0x63: {  	(xrf2) =	vadd.scan.msk.f32 $0xffff, v49  }
0x64: {  	v10 =	vsub.f32 v16, v48;
	v13 =	vmul.f32 $3.125000000e-02, v13;
	v16 =	vmul.f32 v51, v11  }
0x65: {  	v46 =	vmul.f32 v12, v12;
	v14 =	vmul.f32 v9, v9  }
0x66: {  	v55, _, _ =	vpop (xrf2);
	v11 =	vsub.f32 v18, v48;
	v18 =	vsub.f32 v19, v13;
	v16 =	vmul.f32 v16, v51  }
0x67: {  	v57 =	vmul.f32 v10, v10;
	v19 =	vsub.f32 v22, v13;
	v56 =	vperm.xlane v55, v0  }
0x68: {  	v58 =	vmul.f32 v11, v11;
	v52, _, _ =	vpop (xrf2);
	v59 =	vmul.f32 v18, v18;
	v13 =	vsub.f32 $1.500000000e+00, v16  }
0x69: {  	v48 =	vmul.f32 $3.125000000e-02, v56;
	v16 =	vperm.xlane v52, v0  }
0x6a: {  	v22 =	vadd.f32 v46, v14;
	v60 =	vmul.f32 v19, v19;
	v51 =	vmul.f32 v13, v51  }
0x6b: {  	v14 =	vsub.f32 v15, v48;
	v15, _, _ =	vpop (xrf2);
	v13 =	vsub.f32 v20, v48;
	v16 =	vmul.f32 $3.125000000e-02, v16  }
0x6c: {  	v53 =	vperm.xlane v15, v0;
	v26 =	vmul.f32 v51, v26  }
0x6d: {  	v56, _, _ =	vpop (xrf2);
	v62 =	vmul.f32 v14, v14;
	v63 =	vmul.f32 v13, v13;
	v15 =	vsub.f32 v17, v16  }
0x6e: {  	v20 =	vsub.f32 v21, v16;
	v21 =	vperm.xlane v56, v0;
	v26 =	vadd.f32 $9.999999740e-06, v26  }
0x6f: {  	v61 =	vadd.f32 v58, v57;
	v16 =	vmul.f32 $3.125000000e-02, v53;
	v57 =	vmul.f32 v15, v15  }
0x70: {  	v46 =	vadd.f32 v60, v59;
	v58 =	vmul.f32 v20, v20;
	(erf) = vrcp.f32 v26  }
0x71: {  	(xrf2) =	vadd.scan.msk.f32 $0xffff, v22;
	v17 =	vsub.f32 v24, v16;
	v16 =	vsub.f32 v30, v16;
	v21 =	vmul.f32 $3.125000000e-02, v21  }
0x72: {  	(xrf2) =	vadd.scan.msk.f32 $0xffff, v61;
	v24 =	vadd.f32 v63, v62;
	v26 =	vperm.xlane v47, v0;
	v30 =	vadd.f32 v58, v57  }
0x73: {  	(xrf2) =	vadd.scan.msk.f32 $0xffff, v46;
	v59 =	vmul.f32 v17, v17;
	v60 =	vmul.f32 v16, v16;
	v22 =	vsub.f32 v31, v21  }
0x74: {  	v21 =	vsub.f32 v45, v21;
	(xrf2) =	vadd.scan.msk.f32 $0xffff, v24;
	v26 =	vmul.f32 $3.125000000e-02, v26  }
0x75: {  	v31 =	vadd.f32 v60, v59;
	(xrf2) =	vadd.scan.msk.f32 $0xffff, v30;
	v30 =	vmul.f32 v22, v22  }
0x76: {  	s30 =	simm.s32 $0x200;
	s22 =	simm.s32 $0x100;
	v45 =	vmul.f32 v21, v21;
	v24 =	vsub.f32 v23, v26;
	v23 =	vsub.f32 v25, v26  }
0x77: {  	s31 =	sand.u32 $0x380, s22;
	s21 =	sand.u32 $0x3800, s30;
	(xrf2) =	vadd.scan.msk.f32 $0xffff, v31  }
0x78: {  	s24 =	sor.u32 s31, s21;
	v25 =	vadd.f32 v45, v30;
	v26 =	vmul.f32 v24, v24;
	v61 =	vmul.f32 v23, v23  }
0x79: {  	v30 =	vld [tilespmem:s24+$0x460];
	v46 =	vpop (erf)  }
0x7a: {  	v31 =	vld [tilespmem:s24+$0x470];
	(xrf2) =	vadd.scan.msk.f32 $0xffff, v25;
	v45 =	vadd.f32 v61, v26;
	v47 =	vperm.xlane v46, v2;
	v50 =	vperm.xlane v46, v8  }
0x7b: {  	v48, _, _ =	vpop (xrf2);
	v49 =	vperm.xlane v46, v1;
	v52 =	vperm.xlane v46, v3  }
0x7c: {  	v51, _, _ =	vpop (xrf2);
	v25 =	vld [tilespmem:s24+$0x440];
	(xrf2) =	vadd.scan.msk.f32 $0xffff, v45;
	v45 =	vperm.xlane v46, v4;
	v55 =	vperm.xlane v46, v5  }
0x7d: {  	v26 =	vld [tilespmem:s24+$0x450];
	v57 =	vperm.xlane v46, v6;
	v61 =	vperm.xlane v46, v7  }
0x7e: {  	v53, _, _ =	vpop (xrf2);
	v54 =	vmul.f32 v50, v36;
	v59 =	vmul.f32 v47, v39  }
0x7f: {  	v58 =	vadd.f32 v31, v30;
	v56, _, _ =	vpop (xrf2);
	v36 =	vld [tilespmem:s24+$0x420];
	v44 =	vmul.f32 v47, v44;
	v42 =	vmul.f32 v49, v42  }
0x80: {  	v60, _, _ =	vpop (xrf2);
	v39 =	vld [tilespmem:s24+$0x430];
	v41 =	vmul.f32 v49, v41;
	v47 =	vmul.f32 v52, v37  }
0x81: {  	s21 =	simm.s32 $0x8080;
	(xrf2) =	vadd.scan.msk.f32 $0xffff, v58;
	v33 =	vmul.f32 v55, v33;
	v32 =	vmul.f32 v55, v32;
	v62, _, _ =	vpop (xrf2)  }
0x82: {  	v37 =	vld [tilespmem:s24+$0x400];
	v63 =	vadd.f32 v26, v25;
	v58 =	vperm.xlane v60, v0;
	[tilespmem:s21+$0xFFFFFF80] =	vst v59;
	v46 =	vperm.xlane v62, v0  }
0x83: {  	v60 =	vperm.xlane v56, v0;
	[tilespmem:s21+$0xFFFFFF90] =	vst v44;
	v44 =	vmul.f32 v52, v38;
	v38 =	vld [tilespmem:s24+$0x410]  }
0x84: {  	[tilespmem:s21+$0xFFFFFFA0] =	vst v42;
	v42 =	vmul.f32 v45, v43;
	(xrf2) =	vadd.scan.msk.f32 $0xffff, v63;
	v62, _, _ =	vpop (xrf2);
	v59 =	vnsel vm0, $0x0, v46  }
0x85: {  	[tilespmem:s21+$0xFFFFFFB0] =	vst v41;
	v41 =	vld [tilespmem:s24+$0x40];
	v63 =	vadd.f32 v39, v36;
	v49 =	vperm.xlane v62, v0;
	v43 =	vsel vm1, v59, v58  }
0x86: {  	v56 =	vperm.xlane v53, v0;
	[tilespmem:s21+$0x70] =	vst v54;
	v52 =	vmul.f32 v45, v40;
	v40 =	vld [tilespmem:s24+$0x50];
	v43 =	vsel vm2, v43, v60  }
0x87: {  	[tilespmem:s21+$0xFFFFFFC0] =	vst v47;
	v58 =	vperm.xlane v51, v0;
	(xrf2) =	vadd.scan.msk.f32 $0xffff, v63;
	v43 =	vsel vm3, v43, v49;
	v59, _, _ =	vpop (xrf2)  }
0x88: {  	[tilespmem:s21+$0x0] =	vst v33;
	v60 =	vadd.f32 v38, v37;
	v45 =	vsel vm4, v43, v56;
	v47 =	vperm.xlane v59, v0;
	v43 =	vld [tilespmem:s24+$0x20]  }
0x89: {  	v50 =	vmul.f32 v50, v27;
	[tilespmem:s21+$0xFFFFFFD0] =	vst v44;
	v63 =	vperm.xlane v48, v0;
	v62 =	vsel vm5, v45, v58;
	v45 =	vld [tilespmem:s24+$0x30]  }
0x8a: {  	v44 =	vmul.f32 v61, v35;
	v48 =	vmul.f32 v57, v28;
	(xrf2) =	vadd.scan.msk.f32 $0xffff, v60;
	v28 =	vsel vm6, v62, v47  }
0x8b: {  	[tilespmem:s21+$0xFFFFFFF0] =	vst v52;
	v52 =	vld [tilespmem:s24+$0x10];
	v49 =	vmul.f32 v57, v29;
	v29 =	vadd.f32 v40, v41;
	v28 =	vsel vm7, v28, v63  }
0x8c: {  	s23 =	simm.s32 $0x300;
	[tilespmem:s21+$0xFFFFFFE0] =	vst v42;
	v46 =	vld [tilespmem:s24+$0x0];
	v53, _, _ =	vpop (xrf2);
	v47 =	vmul.f32 v61, v34;
	v28 =	vmul.f32 $3.225806360e-02, v28  }
.LBB2_3:
0x8d: {  	p1 =	sne.s32 s23, $0x3F00;
	(xrf2) =	vadd.scan.msk.f32 $0xffff, v29;
	[tilespmem:s21+$0x10] =	vst v32;
	v33 =	vmovc v18;
	v32 =	vmov v19;
	v51 =	vmov v20  }
0x8e: {  	v18 =	vadd.f32 v45, v43;
	v54 =	vld [tilespmem:s24+$0x60];
	v55, _, _ =	vpop (xrf2);
	v19 =	vshrl.u32 v28, $0x1;
	v20 =	vmul.f32 $5.000000000e-01, v28;
	[tilespmem:s21+$0x20] =	vst v48  }
0x8f: {  	v29 =	vmovc v24;
	v27 =	vmovc v23;
	v48 =	vmov v21;
	v56 =	vld [tilespmem:s24+$0x70];
	v19 =	vsub.s32 $0x5F3759DF, v19;
	[tilespmem:s21+$0x30] =	vst v49;
	v49 =	vmov v22  }
0x90: {  	(xrf2) =	vadd.scan.msk.f32 $0xffff, v18;
	v18 =	vmul.f32 v19, v20;
	[tilespmem:s21+$0x40] =	vst v44  }
0x91: {  	v22 =	vperm.xlane v53, v0;
	v21 =	vadd.f32 v52, v46;
	v23, _, _ =	vpop (xrf2);
	[tilespmem:s21+$0x50] =	vst v47  }
0x92: {  	v18 =	vmul.f32 v19, v18;
	[tilespmem:s21+$0x60] =	vst v50  }
0x93: {  	v22 =	vmul.f32 $3.125000000e-02, v22;
	v23 =	vperm.xlane v23, v0;
	(xrf2) =	vadd.scan.msk.f32 $0xffff, v21  }
0x94: {  	v21 =	vadd.f32 v56, v54;
	v24, _, _ =	vpop (xrf2);
	v18 =	vsub.f32 $1.500000000e+00, v18  }
0x95: {  	v34 =	vsub.f32 v30, v22;
	v44 =	vsub.f32 v31, v22;
	v23 =	vmul.f32 $3.125000000e-02, v23  }
0x96: {  	v22 =	vperm.xlane v24, v0;
	(xrf2) =	vadd.scan.msk.f32 $0xffff, v21;
	v21 =	vmul.f32 v19, v18  }
0x97: {  	v35 =	vsub.f32 v36, v23;
	v18 =	vmul.f32 v34, v34;
	v19 =	vmul.f32 v44, v44;
	v24, _, _ =	vpop (xrf2)  }
0x98: {  	v42 =	vsub.f32 v39, v23;
	v24 =	vperm.xlane v24, v0;
	v20 =	vmul.f32 v21, v20  }
0x99: {  	v22 =	vmul.f32 $3.125000000e-02, v22;
	v23 =	vmul.f32 v35, v35;
	v30 =	vadd.f32 v19, v18  }
0x9a: {  	v31 =	vmul.f32 v42, v42;
	v36, _, _ =	vpop (xrf2);
	v20 =	vmul.f32 v20, v21  }
0x9b: {  	v18 =	vsub.f32 v37, v22;
	v19 =	vsub.f32 v38, v22;
	v24 =	vmul.f32 $3.125000000e-02, v24;
	(xrf2) =	vadd.scan.msk.f32 $0xffff, v30  }
0x9c: {  	v23 =	vadd.f32 v31, v23;
	v22 =	vperm.xlane v36, v0;
	v20 =	vsub.f32 $1.500000000e+00, v20  }
0x9d: {  	v37 =	vmul.f32 v18, v18;
	v31 =	vmul.f32 v19, v19;
	v41 =	vsub.f32 v41, v24;
	v36, _, _ =	vpop (xrf2)  }
0x9e: {  	v40 =	vsub.f32 v40, v24;
	v36 =	vperm.xlane v36, v0;
	(xrf2) =	vadd.scan.msk.f32 $0xffff, v23;
	v20 =	vmul.f32 v20, v21  }
0x9f: {  	v21 =	vmul.f32 $3.125000000e-02, v22;
	v22 =	vmul.f32 v41, v41;
	v23 =	vadd.f32 v31, v37  }
0xa0: {  	v24 =	vmul.f32 v40, v40;
	v30, _, _ =	vpop (xrf2);
	v28 =	vmul.f32 v20, v28  }
0xa1: {  	v37 =	vsub.f32 v43, v21;
	v20 =	vsub.f32 v45, v21;
	v21 =	vperm.xlane v30, v0;
	(xrf2) =	vadd.scan.msk.f32 $0xffff, v23  }
0xa2: {  	v22 =	vadd.f32 v24, v22;
	v23 =	vmul.f32 $3.125000000e-02, v36;
	v24 =	vadd.f32 $9.999999740e-06, v28  }
0xa3: {  	v31 =	vmul.f32 v37, v37;
	v30 =	vmul.f32 v20, v20  }
0xa4: {  	v38 =	vsub.f32 v46, v23;
	v43 =	vsub.f32 v52, v23;
	(xrf2) =	vadd.scan.msk.f32 $0xffff, v22;
	(erf) = vrcp.f32 v24  }
0xa5: {  	v21 =	vmul.f32 $3.125000000e-02, v21;
	v23 =	vadd.f32 v30, v31;
	v24 =	vperm.xlane v55, v0;
	v28, _, _ =	vpop (xrf2)  }
0xa6: {  	v30 =	vmul.f32 v38, v38;
	v31 =	vmul.f32 v43, v43  }
0xa7: {  	v22 =	vsub.f32 v54, v21;
	v21 =	vsub.f32 v56, v21;
	(xrf2) =	vadd.scan.msk.f32 $0xffff, v23  }
0xa8: {  	v30 =	vadd.f32 v31, v30;
	v23 =	vmul.f32 $3.125000000e-02, v24;
	v45, _, _ =	vpop (xrf2)  }
0xa9: {  	s22 =	sadd.s32 $0x80, s22;
	v31 =	vmul.f32 v22, v22;
	v36 =	vmul.f32 v21, v21  }
0xaa: {  	s25 =	sand.u32 $0x380, s22;
	s24 =	sand.u32 $0x3800, s23;
	v24 =	vsub.f32 v25, v23;
	v23 =	vsub.f32 v26, v23;
	(xrf2) =	vadd.scan.msk.f32 $0xffff, v30  }
0xab: {  	s24 =	sor.u32 s25, s24;
	v25 =	vadd.f32 v36, v31;
	v46, _, _ =	vpop (xrf2)  }
0xac: {  	v26 =	vmul.f32 v24, v24;
	v36 =	vmul.f32 v23, v23;
	v30 =	vld [tilespmem:s24+$0x460]  }
0xad: {  	v31 =	vld [tilespmem:s24+$0x470];
	(xrf2) =	vadd.scan.msk.f32 $0xffff, v25;
	v39 =	vpop (erf)  }
0xae: {  	v36 =	vadd.f32 v36, v26;
	v47, _, _ =	vpop (xrf2);
	v50 =	vperm.xlane v39, v2;
	v54 =	vperm.xlane v39, v8  }
0xaf: {  	v52 =	vperm.xlane v39, v1;
	v53 =	vperm.xlane v39, v3;
	v25 =	vld [tilespmem:s24+$0x440]  }
0xb0: {  	v55 =	vperm.xlane v39, v4;
	v26 =	vld [tilespmem:s24+$0x450];
	(xrf2) =	vadd.scan.msk.f32 $0xffff, v36;
	v56 =	vmul.f32 v54, v12;
	v12 =	vmov v44  }
0xb1: {  	s21 =	sadd.s32 $0x100, s21;
	v57 =	vperm.xlane v39, v5;
	v58 =	vperm.xlane v39, v6;
	v44, _, _ =	vpop (xrf2)  }
0xb2: {  	v61 =	vperm.xlane v39, v7;
	v60 =	vmul.f32 v50, v17;
	v36 =	vld [tilespmem:s24+$0x420];
	v59 =	vadd.f32 v31, v30;
	[tilespmem:s21+$0x70] =	vst v56  }
0xb3: {  	v50 =	vmul.f32 v50, v16;
	v17 =	vmovc v38;
	v16 =	vmovc v43;
	v56 =	vmul.f32 v52, v15;
	v15 =	vmov v37;
	v39 =	vld [tilespmem:s24+$0x430]  }
0xb4: {  	v43 =	vmul.f32 v52, v51;
	v51 =	vmul.f32 v53, v14;
	(xrf2) =	vadd.scan.msk.f32 $0xffff, v59;
	v38, _, _ =	vpop (xrf2);
	[tilespmem:s21+$0xFFFFFF80] =	vst v60  }
0xb5: {  	v37 =	vld [tilespmem:s24+$0x400];
	v60 =	vadd.f32 v26, v25;
	v59 =	vperm.xlane v38, v0;
	[tilespmem:s21+$0xFFFFFF90] =	vst v50;
	v50 =	vmul.f32 v53, v13  }
0xb6: {  	v49 =	vmul.f32 v55, v49;
	v14 =	vmovc v41;
	v44 =	vperm.xlane v44, v0;
	v13 =	vmov v40;
	v38 =	vld [tilespmem:s24+$0x410];
	[tilespmem:s21+$0xFFFFFFA0] =	vst v56  }
0xb7: {  	v47 =	vperm.xlane v47, v0;
	v55 =	vmul.f32 v55, v48;
	(xrf2) =	vadd.scan.msk.f32 $0xffff, v60;
	v40 =	vnsel vm0, $0x0, v59;
	v52, _, _ =	vpop (xrf2)  }
0xb8: {  	v41 =	vld [tilespmem:s24+$0x40];
	v48 =	vadd.f32 v39, v36;
	v44 =	vsel vm1, v40, v44;
	v52 =	vperm.xlane v52, v0;
	[tilespmem:s21+$0xFFFFFFB0] =	vst v43  }
0xb9: {  	v33 =	vmul.f32 v57, v33;
	v40 =	vld [tilespmem:s24+$0x50];
	v43 =	vsel vm2, v44, v47;
	v44 =	vperm.xlane v46, v0;
	[tilespmem:s21+$0xFFFFFFC0] =	vst v51  }
0xba: {  	v32 =	vmul.f32 v57, v32;
	v47 =	vperm.xlane v45, v0;
	(xrf2) =	vadd.scan.msk.f32 $0xffff, v48;
	v46 =	vsel vm3, v43, v52;
	v45, _, _ =	vpop (xrf2)  }
.Ltmp0:
0xbb: {  	v43 =	vld [tilespmem:s24+$0x20];
	v51 =	vadd.f32 v38, v37;
	v44 =	vsel vm4, v46, v44;
	v46 =	vperm.xlane v45, v0;
	[tilespmem:s21+$0xFFFFFFD0] =	vst v50;
	(pc) =	sbr.rel @p1 .LBB2_3-.Ltmp0, $4  }
0xbc: {  	v28 =	vperm.xlane v28, v0;
	v48 =	vmul.f32 v58, v10;
	v45 =	vld [tilespmem:s24+$0x30];
	v44 =	vsel vm5, v44, v47;
	[tilespmem:s21+$0xFFFFFFE0] =	vst v49  }
0xbd: {  	v49 =	vmul.f32 v58, v11;
	(xrf2) =	vadd.scan.msk.f32 $0xffff, v51;
	v51 =	vsel vm6, v44, v46;
	v44 =	vmul.f32 v61, v29  }
0xbe: {  	v47 =	vmul.f32 v61, v27;
	v46 =	vld [tilespmem:s24+$0x0];
	v29 =	vadd.f32 v40, v41;
	v53, _, _ =	vpop (xrf2);
	v51 =	vsel vm7, v51, v28;
	[tilespmem:s21+$0xFFFFFFF0] =	vst v55  }
0xbf: {  	s23 =	sadd.s32 $0x100, s23;
	v10 =	vmovc v35;
	v50 =	vmul.f32 v54, v9;
	v9 =	vmovc v34;
	v11 =	vmov v42;
	v52 =	vld [tilespmem:s24+$0x10];
	v28 =	vmul.f32 $3.225806360e-02, v51;
	[tilespmem:s21+$0x0] =	vst v33  }
0xc0: {  	_ = 	snop  }
0xc1: {  	(xrf2) =	vadd.scan.msk.f32 $0xffff, v29;
	v51 =	vld [tilespmem:s24+$0x60];
	v27 =	vadd.f32 v45, v43  }
0xc2: {  	v54 =	vld [tilespmem:s24+$0x70]  }
0xc3: {  	(xrf2) =	vadd.scan.msk.f32 $0xffff, v27  }
0xc4: {  	v53 =	vperm.xlane v53, v0;
	v55, _, _ =	vpop (xrf2);
	v42 =	vadd.f32 v52, v46  }
0xc5: {  	v33, _, _ =	vpop (xrf2)  }
0xc6: {  	v29 =	vmul.f32 $3.125000000e-02, v53;
	v33 =	vperm.xlane v33, v0;
	(xrf2) =	vadd.scan.msk.f32 $0xffff, v42  }
0xc7: {  	v35 =	vadd.f32 v54, v51  }
0xc8: {  	v27 =	vsub.f32 v30, v29;
	v33 =	vmul.f32 $3.125000000e-02, v33  }
0xc9: {  	v34 =	vsub.f32 v31, v29;
	(xrf2) =	vadd.scan.msk.f32 $0xffff, v35  }
0xca: {  	v57 =	vmul.f32 v27, v27;
	v42, _, _ =	vpop (xrf2);
	v29 =	vsub.f32 v36, v33  }
0xcb: {  	v58 =	vmul.f32 v34, v34;
	v56 =	vperm.xlane v42, v0;
	v30 =	vsub.f32 v39, v33;
	v59, _, _ =	vpop (xrf2)  }
0xcc: {  	v60 =	vperm.xlane v59, v0;
	v61 =	vmul.f32 v29, v29  }
0xcd: {  	v31 =	vmul.f32 $3.125000000e-02, v56;
	v62 =	vmul.f32 v30, v30;
	v63, _, _ =	vpop (xrf2)  }
0xce: {  	v56 =	vadd.f32 v58, v57;
	v60 =	vmul.f32 $3.125000000e-02, v60;
	v53 =	vperm.xlane v63, v0  }
0xcf: {  	v33 =	vsub.f32 v37, v31;
	v31 =	vsub.f32 v38, v31  }
0xd0: {  	v39 =	vadd.f32 v62, v61;
	v35 =	vsub.f32 v41, v60;
	v61, _, _ =	vpop (xrf2);
	v38 =	vmul.f32 $3.125000000e-02, v53  }
0xd1: {  	v41 =	vmul.f32 v33, v33;
	v36 =	vsub.f32 v40, v60;
	v62 =	vperm.xlane v61, v0  }
0xd2: {  	v63 =	vmul.f32 v31, v31;
	v60 =	vmul.f32 v35, v35;
	v37 =	vsub.f32 v43, v38  }
0xd3: {  	v57 =	vmul.f32 v36, v36;
	v61, _, _ =	vpop (xrf2);
	v38 =	vsub.f32 v45, v38;
	v42 =	vmul.f32 $3.125000000e-02, v62  }
0xd4: {  	v40 =	vadd.f32 v63, v41;
	v62 =	vperm.xlane v61, v0;
	v63 =	vmul.f32 v37, v37  }
0xd5: {  	v58 =	vmul.f32 v38, v38;
	v43 =	vsub.f32 v46, v42;
	v42 =	vsub.f32 v52, v42  }
0xd6: {  	(xrf2) =	vadd.scan.msk.f32 $0xffff, v56;
	v57 =	vadd.f32 v57, v60;
	v60 =	vperm.xlane v55, v0;
	v59 =	vmul.f32 $3.125000000e-02, v62  }
0xd7: {  	(xrf2) =	vadd.scan.msk.f32 $0xffff, v39;
	v61 =	vadd.f32 v58, v63;
	v62 =	vmul.f32 v43, v43;
	v63 =	vmul.f32 v42, v42  }
0xd8: {  	(xrf2) =	vadd.scan.msk.f32 $0xffff, v40;
	v41 =	vsub.f32 v51, v59;
	v40 =	vsub.f32 v54, v59  }
0xd9: {  	(xrf2) =	vadd.scan.msk.f32 $0xffff, v57;
	v57 =	vmul.f32 $3.125000000e-02, v60;
	v45 =	vadd.f32 v63, v62  }
0xda: {  	(xrf2) =	vadd.scan.msk.f32 $0xffff, v61;
	v51 =	vmul.f32 v41, v41;
	v52 =	vmul.f32 v40, v40  }
0xdb: {  	v39 =	vsub.f32 v25, v57;
	v25 =	vsub.f32 v26, v57;
	(xrf2) =	vadd.scan.msk.f32 $0xffff, v45  }
0xdc: {  	v58 =	vadd.f32 v52, v51  }
0xdd: {  	v59 =	vmul.f32 v39, v39;
	v46 =	vmul.f32 v25, v25  }
0xde: {  	(xrf2) =	vadd.scan.msk.f32 $0xffff, v58  }
0xdf: {  	v60 =	vadd.f32 v46, v59  }
0xe0: {  	v45, _, _ =	vpop (xrf2)  }
0xe1: {  	v46, _, _ =	vpop (xrf2);
	(xrf2) =	vadd.scan.msk.f32 $0xffff, v60  }
0xe2: {  	v61 =	vshrl.u32 v28, $0x1;
	v52 =	vmul.f32 $5.000000000e-01, v28;
	v26, _, _ =	vpop (xrf2)  }
0xe3: {  	v51 =	vsub.s32 $0x5F3759DF, v61;
	v62, _, _ =	vpop (xrf2)  }
0xe4: {  	v63 =	vmul.f32 v51, v52;
	v60, _, _ =	vpop (xrf2)  }
0xe5: {  	v61, _, _ =	vpop (xrf2)  }
0xe6: {  	v54 =	vmul.f32 v51, v63;
	v56 =	vperm.xlane v61, v0  }
0xe7: {  	v55 =	vperm.xlane v60, v0  }
0xe8: {  	v54 =	vsub.f32 $1.500000000e+00, v54;
	v53 =	vperm.xlane v62, v0;
	v62, _, _ =	vpop (xrf2);
	v56 =	vnsel vm0, $0x0, v56  }
0xe9: {  	v63 =	vperm.xlane v62, v0;
	v55 =	vsel vm1, v56, v55  }
0xea: {  	v26 =	vperm.xlane v26, v0;
	v51 =	vmul.f32 v51, v54;
	v53 =	vsel vm2, v55, v53  }
0xeb: {  	v46 =	vperm.xlane v46, v0;
	v58, _, _ =	vpop (xrf2);
	v53 =	vsel vm3, v53, v63  }
0xec: {  	v52 =	vmul.f32 v51, v52;
	v59 =	vperm.xlane v58, v0;
	v26 =	vsel vm4, v53, v26  }
0xed: {  	v45 =	vperm.xlane v45, v0;
	v26 =	vsel vm5, v26, v46  }
0xee: {  	v60 =	vmul.f32 v52, v51;
	v26 =	vsel vm6, v26, v59  }
0xef: {  	v26 =	vsel vm7, v26, v45  }
0xf0: {  	v61 =	vsub.f32 $1.500000000e+00, v60;
	v26 =	vmul.f32 $3.225806360e-02, v26;
	_ =	sdelay $0x1  }
0xf1: {  	v45 =	vmul.f32 v61, v51;
	v62 =	vshrl.u32 v26, $0x1;
	v63 =	vmul.f32 $5.000000000e-01, v26  }
0xf2: {  	v46 =	vsub.s32 $0x5F3759DF, v62  }
0xf3: {  	v52 =	vmul.f32 v45, v28;
	v53 =	vmul.f32 v46, v63;
	_ =	sdelay $0x1  }
0xf4: {  	v28 =	vadd.f32 $9.999999740e-06, v52;
	v45 =	vmul.f32 v46, v53;
	_ =	sdelay $0x1  }
0xf5: {  	(erf) = vrcp.f32 v28;
	v54 =	vsub.f32 $1.500000000e+00, v45;
	_ =	sdelay $0x1  }
0xf6: {  	v28 =	vmul.f32 v46, v54;
	_ =	sdelay $0x1  }
0xf7: {  	v55 =	vmul.f32 v28, v63;
	_ =	sdelay $0x1  }
0xf8: {  	v45 =	vmul.f32 v55, v28;
	_ =	sdelay $0x1  }
0xf9: {  	[tilespmem:s21+$0x10] =	vst v32;
	v56 =	vsub.f32 $1.500000000e+00, v45  }
0xfa: {  	[tilespmem:s21+$0x20] =	vst v48;
	v57 =	vpop (erf)  }
0xfb: {  	[tilespmem:s21+$0x30] =	vst v49;
	v58 =	vperm.xlane v57, v8;
	v28 =	vmul.f32 v56, v28  }
0xfc: {  	[tilespmem:s21+$0x40] =	vst v44;
	v59 =	vperm.xlane v57, v2  }
0xfd: {  	[tilespmem:s21+$0x50] =	vst v47;
	v12 =	vmul.f32 v58, v12;
	v26 =	vmul.f32 v28, v26  }
0xfe: {  	s30 =	sadd.s32 $0x100, s21;
	[tilespmem:s21+$0x60] =	vst v50;
	v60 =	vperm.xlane v57, v1;
	v17 =	vmul.f32 v59, v17  }
0xff: {  	v63 =	vperm.xlane v57, v3;
	v61 =	vmul.f32 v59, v16;
	[tilespmem:s30+$0x70] =	vst v12;
	v62 =	vadd.f32 $9.999999740e-06, v26  }
0x100: {  	v32 =	vperm.xlane v57, v4;
	v15 =	vmul.f32 v60, v15;
	[tilespmem:s30+$0xFFFFFF80] =	vst v17  }
0x101: {  	v14 =	vmul.f32 v63, v14;
	[tilespmem:s30+$0xFFFFFF90] =	vst v61;
	(erf) = vrcp.f32 v62  }
0x102: {  	v44 =	vperm.xlane v57, v5;
	v13 =	vmul.f32 v63, v13;
	[tilespmem:s30+$0xFFFFFFA0] =	vst v15  }
0x103: {  	v48 =	vperm.xlane v57, v6;
	v47 =	vmul.f32 v32, v22;
	[tilespmem:s30+$0xFFFFFFC0] =	vst v14  }
0x104: {  	v49 =	vmul.f32 v44, v18;
	[tilespmem:s30+$0xFFFFFFD0] =	vst v13  }
0x105: {  	v50 =	vperm.xlane v57, v7;
	v10 =	vmul.f32 v48, v10;
	[tilespmem:s30+$0xFFFFFFE0] =	vst v47  }
0x106: {  	v11 =	vmul.f32 v48, v11;
	[tilespmem:s30+$0x0] =	vst v49  }
0x107: {  	v51 =	vmul.f32 v50, v24;
	[tilespmem:s30+$0x20] =	vst v10  }
0x108: {  	v9 =	vmul.f32 v58, v9;
	[tilespmem:s30+$0x30] =	vst v11  }
0x109: {  	v12 =	vmul.f32 v32, v21;
	[tilespmem:s30+$0x40] =	vst v51  }
0x10a: {  	v15 =	vmul.f32 v44, v19;
	[tilespmem:s30+$0x60] =	vst v9;
	v10 =	vpop (erf)  }
0x10b: {  	v28 =	vmul.f32 v60, v20;
	[tilespmem:s30+$0xFFFFFFF0] =	vst v12;
	v11 =	vperm.xlane v10, v8  }
0x10c: {  	[tilespmem:s30+$0x10] =	vst v15;
	v12 =	vmul.f32 v50, v23;
	v52 =	vperm.xlane v10, v2  }
0x10d: {  	[tilespmem:s30+$0xFFFFFFB0] =	vst v28;
	v53 =	vmul.f32 v11, v34  }
0x10e: {  	s21 =	sadd.s32 $0x100, s30;
	[tilespmem:s30+$0x50] =	vst v12;
	v9 =	vperm.xlane v10, v1;
	v54 =	vmul.f32 v52, v43  }
0x10f: {  	v55 =	vmul.f32 v52, v42;
	[tilespmem:s21+$0x70] =	vst v53  }
0x110: {  	v56 =	vperm.xlane v10, v3;
	v57 =	vmul.f32 v9, v37;
	[tilespmem:s21+$0xFFFFFF80] =	vst v54  }
0x111: {  	v9 =	vmul.f32 v9, v38;
	[tilespmem:s21+$0xFFFFFF90] =	vst v55  }
0x112: {  	v58 =	vperm.xlane v10, v4;
	v59 =	vmul.f32 v56, v35;
	[tilespmem:s21+$0xFFFFFFA0] =	vst v57  }
0x113: {  	v13 =	vmul.f32 v56, v36;
	[tilespmem:s21+$0xFFFFFFB0] =	vst v9  }
0x114: {  	v61 =	vperm.xlane v10, v6;
	v60 =	vmul.f32 v58, v41;
	[tilespmem:s21+$0xFFFFFFC0] =	vst v59  }
0x115: {  	v12 =	vmul.f32 v58, v40;
	[tilespmem:s21+$0xFFFFFFD0] =	vst v13  }
0x116: {  	v63 =	vmul.f32 v61, v29;
	[tilespmem:s21+$0xFFFFFFE0] =	vst v60  }
0x117: {  	v11 =	vmul.f32 v11, v27;
	v9 =	vperm.xlane v10, v5;
	[tilespmem:s21+$0xFFFFFFF0] =	vst v12  }
0x118: {  	v10 =	vperm.xlane v10, v7;
	v13 =	vmul.f32 v61, v30;
	[tilespmem:s21+$0x20] =	vst v63  }
0x119: {  	[tilespmem:s21+$0x60] =	vst v11;
	v62 =	vmul.f32 v9, v33;
	v9 =	vmul.f32 v9, v31  }
0x11a: {  	p1 =	sne.s32 s18, $0xF;
	[tilespmem:s21+$0x30] =	vst v13  }
.Ltmp1:
0x11b: {  	[tilespmem:s21+$0x10] =	vst v9;
	v9 =	vmul.f32 v10, v39;
	(pc) =	sbr.rel @p1 .LBB2_6-.Ltmp1, $4  }
0x11c: {  	[tilespmem:s21+$0x0] =	vst v62;
	v10 =	vmul.f32 v10, v25  }
0x11d: {  	[tilespmem:s21+$0x40] =	vst v9  }
0x11e: {  	s31 =	sadd.s32 s20, s7;
	[tilespmem:s21+$0x50] =	vst v10  }
0x11f: {  	[hbm4b:s31+s4] =	stream.linear.scatter [tilespmem:s12], [sflag:$0x3], $0x4000, $0x38;
	[tilespmem:$0x10000] =	vst v63  }
.Ltmp2:
0x120: {  	(pc) =	sbr.rel .LBB2_7-.Ltmp2, $4  }
0x121: {  	_ = 	snop  }
0x122: {  	_ =	swait.ge [sflag:s13], $0x4000  }
0x123: {  	[sflag:s13] =	ssyncset.done $0x0  }
0x124: {  	[sflag:s13] =	ssyncadd.s32 $0xFFFFC000  }
.LBB2_6:
.Ltmp3:
0x125: {  	s20 =	sadd.s32 s20, s8;
	(pc) =	sbr.rel @p0 .LBB2_8-.Ltmp3, $4  }
0x126: {  	[tilespmem:s4], [sflag:$0x1] =	stream.linear.gather [hbm4b:s20+s4], $0x4000, $0x38;
	[tilespmem:$0x10000] =	vst v63  }
0x127: {  	_ =	swait.ge [sflag:s13], $0x4000  }
0x128: {  	[sflag:s13] =	ssyncset.done $0x0  }
0x129: {  	[sflag:s13] =	ssyncadd.s32 $0xFFFFC000  }
.LBB2_7:
0x12a: {  	_ =	swait.ge [sflag:s14], $0x4000  }
0x12b: {  	[sflag:s14] =	ssyncset.done $0x0  }
0x12c: {  	[sflag:s14] =	ssyncadd.s32 $0xFFFFC000  }
.LBB2_8:
0x12d: {  	s20 =	simm.s32 $0x0  }
0x12e: {  	s21 =	sand.u32 $0x3800, s20;
	s20 =	sand.u32 $0x380, s20  }
0x12f: {  	s20 =	sor.u32 s20, s21  }
0x130: {  	v9 =	vld [tilespmem:s20+$0x4460]  }
0x131: {  	v10 =	vld [tilespmem:s20+$0x4470]  }
0x132: {  	v11 =	vld [tilespmem:s20+$0x4440]  }
0x133: {  	v12 =	vld [tilespmem:s20+$0x4450]  }
0x134: {  	v13 =	vld [tilespmem:s20+$0x4420]  }
0x135: {  	v14 =	vld [tilespmem:s20+$0x4430];
	_ =	sdelay $0x1  }
0x136: {  	v16 =	vld [tilespmem:s20+$0x4400];
	v15 =	vadd.f32 v10, v9  }
0x137: {  	v18 =	vld [tilespmem:s20+$0x4410];
	v17 =	vadd.f32 v12, v11  }
0x138: {  	(xrf2) =	vadd.scan.msk.f32 $0xffff, v15;
	v15 =	vld [tilespmem:s20+$0x4040]  }
0x139: {  	v19 =	vadd.f32 v14, v13;
	(xrf2) =	vadd.scan.msk.f32 $0xffff, v17;
	v17 =	vld [tilespmem:s20+$0x4050]  }
0x13a: {  	v20 =	vld [tilespmem:s20+$0x4030]  }
0x13b: {  	(xrf2) =	vadd.scan.msk.f32 $0xffff, v19;
	v19 =	vld [tilespmem:s20+$0x4020]  }
0x13c: {  	v21 =	vadd.f32 v18, v16;
	_ =	sdelay $0x1  }
0x13d: {  	v22 =	vld [tilespmem:s20+$0x4000];
	(xrf2) =	vadd.scan.msk.f32 $0xffff, v21;
	v21 =	vadd.f32 v17, v15  }
0x13e: {  	v23 =	vld [tilespmem:s20+$0x4010]  }
0x13f: {  	(xrf2) =	vadd.scan.msk.f32 $0xffff, v21;
	v21 =	vadd.f32 v20, v19  }
0x140: {  	v24 =	vld [tilespmem:s20+$0x4060]  }
0x141: {  	v25 =	vld [tilespmem:s20+$0x4070]  }
0x142: {  	v26, _, _ =	vpop (xrf2);
	(xrf2) =	vadd.scan.msk.f32 $0xffff, v21  }
0x143: {  	v27 =	vadd.f32 v23, v22;
	v21, _, _ =	vpop (xrf2)  }
0x144: {  	v26 =	vperm.xlane v26, v0;
	v28, _, _ =	vpop (xrf2)  }
0x145: {  	(xrf2) =	vadd.scan.msk.f32 $0xffff, v27;
	v28 =	vperm.xlane v28, v0  }
0x146: {  	v29 =	vadd.f32 v25, v24;
	v26 =	vmul.f32 $3.125000000e-02, v26;
	_ =	sdelay $0x1  }
0x147: {  	(xrf2) =	vadd.scan.msk.f32 $0xffff, v29;
	v27 =	vsub.f32 v9, v26;
	v30 =	vmul.f32 $3.125000000e-02, v28  }
0x148: {  	v36 =	vsub.f32 v10, v26;
	v28, _, _ =	vpop (xrf2)  }
0x149: {  	v10 =	vmul.f32 v27, v27;
	v29 =	vsub.f32 v14, v30;
	v9 =	vperm.xlane v28, v0;
	v26, _, _ =	vpop (xrf2)  }
0x14a: {  	v28 =	vsub.f32 v13, v30;
	v13 =	vmul.f32 v36, v36;
	v14 =	vperm.xlane v26, v0  }
0x14b: {  	v31, _, _ =	vpop (xrf2);
	v9 =	vmul.f32 $3.125000000e-02, v9  }
0x14c: {  	v10 =	vadd.f32 v13, v10;
	v13 =	vmul.f32 $3.125000000e-02, v14;
	v14 =	vperm.xlane v31, v0  }
0x14d: {  	v30 =	vmul.f32 v29, v29;
	v26 =	vmul.f32 v28, v28;
	v33 =	vsub.f32 v16, v9  }
0x14e: {  	v32 =	vsub.f32 v18, v9;
	v37 =	vsub.f32 v15, v13;
	v15, _, _ =	vpop (xrf2);
	v14 =	vmul.f32 $3.125000000e-02, v14  }
0x14f: {  	v38 =	vsub.f32 v17, v13;
	v16 =	vmul.f32 v33, v33;
	v15 =	vperm.xlane v15, v0  }
0x150: {  	v13 =	vmul.f32 v32, v32;
	v17 =	vmul.f32 v37, v37  }
0x151: {  	v42 =	vsub.f32 v19, v14;
	v18 =	vmul.f32 v38, v38;
	v19, _, _ =	vpop (xrf2);
	v41 =	vsub.f32 v20, v14  }
0x152: {  	v9 =	vadd.f32 v30, v26;
	v14 =	vmul.f32 $3.125000000e-02, v15;
	v15 =	vperm.xlane v19, v0  }
0x153: {  	v13 =	vadd.f32 v13, v16;
	v16 =	vmul.f32 v42, v42;
	v19 =	vmul.f32 v41, v41  }
0x154: {  	(xrf2) =	vadd.scan.msk.f32 $0xffff, v10;
	v39 =	vsub.f32 v22, v14;
	v44 =	vsub.f32 v23, v14;
	v14 =	vmul.f32 $3.125000000e-02, v15  }
0x155: {  	(xrf2) =	vadd.scan.msk.f32 $0xffff, v9;
	v10 =	vadd.f32 v18, v17;
	v15 =	vperm.xlane v21, v0;
	v9 =	vadd.f32 v19, v16  }
0x156: {  	(xrf2) =	vadd.scan.msk.f32 $0xffff, v13;
	v16 =	vmul.f32 v39, v39;
	v17 =	vmul.f32 v44, v44;
	v43 =	vsub.f32 v24, v14  }
0x157: {  	(xrf2) =	vadd.scan.msk.f32 $0xffff, v10;
	v40 =	vsub.f32 v25, v14;
	v13 =	vmul.f32 $3.125000000e-02, v15  }
0x158: {  	(xrf2) =	vadd.scan.msk.f32 $0xffff, v9;
	v10 =	vadd.f32 v17, v16;
	v9 =	vmul.f32 v43, v43  }
0x159: {  	v14 =	vmul.f32 v40, v40;
	v35 =	vsub.f32 v11, v13;
	v34 =	vsub.f32 v12, v13  }
0x15a: {  	(xrf2) =	vadd.scan.msk.f32 $0xffff, v10  }
0x15b: {  	v9 =	vadd.f32 v14, v9;
	v10 =	vmul.f32 v35, v35;
	v11 =	vmul.f32 v34, v34;
	_ =	sdelay $0x1  }
0x15c: {  	(xrf2) =	vadd.scan.msk.f32 $0xffff, v9;
	v9 =	vadd.f32 v11, v10  }
0x15d: {  	s29 =	simm.s32 $0x100;
	s30 =	simm.s32 $0x80  }
0x15e: {  	s21 =	sand.u32 $0x380, s30;
	s20 =	sand.u32 $0x3800, s29;
	v10, _, _ =	vpop (xrf2)  }
0x15f: {  	s20 =	sor.u32 s21, s20;
	v11, _, _ =	vpop (xrf2)  }
0x160: {  	v18 =	vld [tilespmem:s20+$0x4430];
	(xrf2) =	vadd.scan.msk.f32 $0xffff, v9;
	v9, _, _ =	vpop (xrf2)  }
0x161: {  	v23 =	vld [tilespmem:s20+$0x4440];
	v14, _, _ =	vpop (xrf2)  }
0x162: {  	v12 =	vld [tilespmem:s20+$0x4460];
	v15, _, _ =	vpop (xrf2)  }
0x163: {  	v13 =	vld [tilespmem:s20+$0x4470];
	v17, _, _ =	vpop (xrf2)  }
0x164: {  	v25 =	vld [tilespmem:s20+$0x4450];
	v17 =	vperm.xlane v17, v0  }
0x165: {  	v16 =	vld [tilespmem:s20+$0x4420];
	v15 =	vperm.xlane v15, v0  }
0x166: {  	v20, _, _ =	vpop (xrf2);
	v17 =	vnsel vm0, $0x0, v17  }
0x167: {  	v22 =	vld [tilespmem:s20+$0x4410];
	v15 =	vsel vm1, v17, v15;
	v17 =	vperm.xlane v20, v0  }
0x168: {  	v19 =	vld [tilespmem:s20+$0x4400];
	v21 =	vadd.f32 v13, v12;
	v14 =	vperm.xlane v14, v0  }
0x169: {  	v20 =	vadd.f32 v25, v23  }
0x16a: {  	(xrf2) =	vadd.scan.msk.f32 $0xffff, v21;
	v21 =	vadd.f32 v18, v16;
	v9 =	vperm.xlane v9, v0;
	v14 =	vsel vm2, v15, v14  }
0x16b: {  	v11 =	vperm.xlane v11, v0;
	v14 =	vsel vm3, v14, v17;
	(xrf2) =	vadd.scan.msk.f32 $0xffff, v20;
	v17, _, _ =	vpop (xrf2)  }
0x16c: {  	v15 =	vld [tilespmem:s20+$0x4040];
	v9 =	vsel vm4, v14, v9;
	(xrf2) =	vadd.scan.msk.f32 $0xffff, v21;
	v14 =	vperm.xlane v17, v0  }
0x16d: {  	v10 =	vperm.xlane v10, v0;
	v20 =	vld [tilespmem:s20+$0x4050];
	v9 =	vsel vm5, v9, v11;
	v11 =	vadd.f32 v22, v19  }
0x16e: {  	v21 =	vld [tilespmem:s20+$0x4030];
	v9 =	vsel vm6, v9, v14  }
0x16f: {  	v17 =	vld [tilespmem:s20+$0x4020];
	(xrf2) =	vadd.scan.msk.f32 $0xffff, v11;
	v9 =	vsel vm7, v9, v10  }
0x170: {  	v26 =	vmul.f32 $3.225806360e-02, v9  }
0x171: {  	v30 =	vld [tilespmem:s20+$0x4010]  }
0x172: {  	v24 =	vld [tilespmem:s20+$0x4000];
	v9 =	vadd.f32 v20, v15;
	v10 =	vshrl.u32 v26, $0x1;
	v11 =	vmul.f32 $5.000000000e-01, v26  }
0x173: {  	v45 =	vld [tilespmem:s20+$0x4070];
	v10 =	vsub.s32 $0x5F3759DF, v10  }
0x174: {  	v31 =	vld [tilespmem:s20+$0x4060];
	v46, _, _ =	vpop (xrf2);
	(xrf2) =	vadd.scan.msk.f32 $0xffff, v9;
	v9 =	vadd.f32 v21, v17;
	v14 =	vmul.f32 v10, v11  }
0x175: {  	v46 =	vperm.xlane v46, v0;
	v47, _, _ =	vpop (xrf2)  }
0x176: {  	(xrf2) =	vadd.scan.msk.f32 $0xffff, v9;
	v48, _, _ =	vpop (xrf2);
	v14 =	vmul.f32 v10, v14  }
0x177: {  	v46 =	vmul.f32 $3.125000000e-02, v46;
	v9 =	vadd.f32 v30, v24;
	v48 =	vperm.xlane v48, v0  }
0x178: {  	v14 =	vsub.f32 $1.500000000e+00, v14  }
0x179: {  	v49 =	vadd.f32 v45, v31;
	(xrf2) =	vadd.scan.msk.f32 $0xffff, v9;
	v9 =	vsub.f32 v12, v46;
	v50, _, _ =	vpop (xrf2);
	v48 =	vmul.f32 $3.125000000e-02, v48  }
0x17a: {  	v12 =	vsub.f32 v13, v46;
	v13 =	vperm.xlane v50, v0;
	v51 =	vmul.f32 v10, v14  }
0x17b: {  	(xrf2) =	vadd.scan.msk.f32 $0xffff, v49  }
0x17c: {  	v10 =	vsub.f32 v16, v48;
	v13 =	vmul.f32 $3.125000000e-02, v13;
	v16 =	vmul.f32 v51, v11  }
0x17d: {  	v46 =	vmul.f32 v12, v12;
	v14 =	vmul.f32 v9, v9  }
0x17e: {  	v55, _, _ =	vpop (xrf2);
	v11 =	vsub.f32 v18, v48;
	v18 =	vsub.f32 v19, v13;
	v16 =	vmul.f32 v16, v51  }
0x17f: {  	v57 =	vmul.f32 v10, v10;
	v19 =	vsub.f32 v22, v13;
	v56 =	vperm.xlane v55, v0  }
0x180: {  	v58 =	vmul.f32 v11, v11;
	v52, _, _ =	vpop (xrf2);
	v59 =	vmul.f32 v18, v18;
	v13 =	vsub.f32 $1.500000000e+00, v16  }
0x181: {  	v48 =	vmul.f32 $3.125000000e-02, v56;
	v16 =	vperm.xlane v52, v0  }
0x182: {  	v22 =	vadd.f32 v46, v14;
	v60 =	vmul.f32 v19, v19;
	v51 =	vmul.f32 v13, v51  }
0x183: {  	v14 =	vsub.f32 v15, v48;
	v15, _, _ =	vpop (xrf2);
	v13 =	vsub.f32 v20, v48;
	v16 =	vmul.f32 $3.125000000e-02, v16  }
0x184: {  	v53 =	vperm.xlane v15, v0;
	v26 =	vmul.f32 v51, v26  }
0x185: {  	v56, _, _ =	vpop (xrf2);
	v62 =	vmul.f32 v14, v14;
	v63 =	vmul.f32 v13, v13;
	v15 =	vsub.f32 v17, v16  }
0x186: {  	v20 =	vsub.f32 v21, v16;
	v21 =	vperm.xlane v56, v0;
	v26 =	vadd.f32 $9.999999740e-06, v26  }
0x187: {  	v61 =	vadd.f32 v58, v57;
	v16 =	vmul.f32 $3.125000000e-02, v53;
	v57 =	vmul.f32 v15, v15  }
0x188: {  	v46 =	vadd.f32 v60, v59;
	v58 =	vmul.f32 v20, v20;
	(erf) = vrcp.f32 v26  }
0x189: {  	(xrf2) =	vadd.scan.msk.f32 $0xffff, v22;
	v17 =	vsub.f32 v24, v16;
	v16 =	vsub.f32 v30, v16;
	v21 =	vmul.f32 $3.125000000e-02, v21  }
0x18a: {  	(xrf2) =	vadd.scan.msk.f32 $0xffff, v61;
	v24 =	vadd.f32 v63, v62;
	v26 =	vperm.xlane v47, v0;
	v30 =	vadd.f32 v58, v57  }
0x18b: {  	(xrf2) =	vadd.scan.msk.f32 $0xffff, v46;
	v59 =	vmul.f32 v17, v17;
	v60 =	vmul.f32 v16, v16;
	v22 =	vsub.f32 v31, v21  }
0x18c: {  	v21 =	vsub.f32 v45, v21;
	(xrf2) =	vadd.scan.msk.f32 $0xffff, v24;
	v26 =	vmul.f32 $3.125000000e-02, v26  }
0x18d: {  	v31 =	vadd.f32 v60, v59;
	(xrf2) =	vadd.scan.msk.f32 $0xffff, v30;
	v30 =	vmul.f32 v22, v22  }
0x18e: {  	s31 =	simm.s32 $0x200;
	s21 =	simm.s32 $0x100;
	v45 =	vmul.f32 v21, v21;
	v24 =	vsub.f32 v23, v26;
	v23 =	vsub.f32 v25, v26  }
0x18f: {  	s22 =	sand.u32 $0x380, s21;
	s20 =	sand.u32 $0x3800, s31;
	(xrf2) =	vadd.scan.msk.f32 $0xffff, v31  }
0x190: {  	s23 =	sor.u32 s22, s20;
	v25 =	vadd.f32 v45, v30;
	v26 =	vmul.f32 v24, v24;
	v61 =	vmul.f32 v23, v23  }
0x191: {  	v30 =	vld [tilespmem:s23+$0x4460];
	v46 =	vpop (erf)  }
0x192: {  	v31 =	vld [tilespmem:s23+$0x4470];
	(xrf2) =	vadd.scan.msk.f32 $0xffff, v25;
	v45 =	vadd.f32 v61, v26;
	v47 =	vperm.xlane v46, v2;
	v50 =	vperm.xlane v46, v8  }
0x193: {  	v48, _, _ =	vpop (xrf2);
	v49 =	vperm.xlane v46, v1;
	v52 =	vperm.xlane v46, v3  }
0x194: {  	v51, _, _ =	vpop (xrf2);
	v25 =	vld [tilespmem:s23+$0x4440];
	(xrf2) =	vadd.scan.msk.f32 $0xffff, v45;
	v45 =	vperm.xlane v46, v4;
	v55 =	vperm.xlane v46, v5  }
0x195: {  	v26 =	vld [tilespmem:s23+$0x4450];
	v57 =	vperm.xlane v46, v6;
	v61 =	vperm.xlane v46, v7  }
0x196: {  	v53, _, _ =	vpop (xrf2);
	v54 =	vmul.f32 v50, v36;
	v59 =	vmul.f32 v47, v39  }
0x197: {  	v58 =	vadd.f32 v31, v30;
	v56, _, _ =	vpop (xrf2);
	v36 =	vld [tilespmem:s23+$0x4420];
	v44 =	vmul.f32 v47, v44;
	v42 =	vmul.f32 v49, v42  }
0x198: {  	v60, _, _ =	vpop (xrf2);
	v39 =	vld [tilespmem:s23+$0x4430];
	v41 =	vmul.f32 v49, v41;
	v47 =	vmul.f32 v52, v37  }
0x199: {  	s20 =	simm.s32 $0xC080;
	(xrf2) =	vadd.scan.msk.f32 $0xffff, v58;
	v33 =	vmul.f32 v55, v33;
	v32 =	vmul.f32 v55, v32;
	v62, _, _ =	vpop (xrf2)  }
0x19a: {  	v37 =	vld [tilespmem:s23+$0x4400];
	v63 =	vadd.f32 v26, v25;
	v58 =	vperm.xlane v60, v0;
	[tilespmem:s20+$0xFFFFFF80] =	vst v59;
	v46 =	vperm.xlane v62, v0  }
0x19b: {  	v60 =	vperm.xlane v56, v0;
	[tilespmem:s20+$0xFFFFFF90] =	vst v44;
	v44 =	vmul.f32 v52, v38;
	v38 =	vld [tilespmem:s23+$0x4410]  }
0x19c: {  	[tilespmem:s20+$0xFFFFFFA0] =	vst v42;
	v42 =	vmul.f32 v45, v43;
	(xrf2) =	vadd.scan.msk.f32 $0xffff, v63;
	v62, _, _ =	vpop (xrf2);
	v59 =	vnsel vm0, $0x0, v46  }
0x19d: {  	[tilespmem:s20+$0xFFFFFFB0] =	vst v41;
	v41 =	vld [tilespmem:s23+$0x4040];
	v63 =	vadd.f32 v39, v36;
	v49 =	vperm.xlane v62, v0;
	v43 =	vsel vm1, v59, v58  }
0x19e: {  	v56 =	vperm.xlane v53, v0;
	[tilespmem:s20+$0x70] =	vst v54;
	v52 =	vmul.f32 v45, v40;
	v40 =	vld [tilespmem:s23+$0x4050];
	v43 =	vsel vm2, v43, v60  }
0x19f: {  	[tilespmem:s20+$0xFFFFFFC0] =	vst v47;
	v58 =	vperm.xlane v51, v0;
	(xrf2) =	vadd.scan.msk.f32 $0xffff, v63;
	v43 =	vsel vm3, v43, v49;
	v59, _, _ =	vpop (xrf2)  }
0x1a0: {  	[tilespmem:s20+$0x0] =	vst v33;
	v60 =	vadd.f32 v38, v37;
	v45 =	vsel vm4, v43, v56;
	v47 =	vperm.xlane v59, v0;
	v43 =	vld [tilespmem:s23+$0x4020]  }
0x1a1: {  	v50 =	vmul.f32 v50, v27;
	[tilespmem:s20+$0xFFFFFFD0] =	vst v44;
	v63 =	vperm.xlane v48, v0;
	v62 =	vsel vm5, v45, v58;
	v45 =	vld [tilespmem:s23+$0x4030]  }
0x1a2: {  	v44 =	vmul.f32 v61, v35;
	v48 =	vmul.f32 v57, v28;
	(xrf2) =	vadd.scan.msk.f32 $0xffff, v60;
	v28 =	vsel vm6, v62, v47  }
0x1a3: {  	[tilespmem:s20+$0xFFFFFFF0] =	vst v52;
	v52 =	vld [tilespmem:s23+$0x4010];
	v49 =	vmul.f32 v57, v29;
	v29 =	vadd.f32 v40, v41;
	v28 =	vsel vm7, v28, v63  }
0x1a4: {  	s22 =	simm.s32 $0x300;
	[tilespmem:s20+$0xFFFFFFE0] =	vst v42;
	v46 =	vld [tilespmem:s23+$0x4000];
	v53, _, _ =	vpop (xrf2);
	v47 =	vmul.f32 v61, v34;
	v28 =	vmul.f32 $3.225806360e-02, v28  }
.LBB2_9:
0x1a5: {  	p0 =	sne.s32 s22, $0x3F00;
	(xrf2) =	vadd.scan.msk.f32 $0xffff, v29;
	[tilespmem:s20+$0x10] =	vst v32;
	v33 =	vmovc v18;
	v32 =	vmov v19;
	v51 =	vmov v20  }
0x1a6: {  	v18 =	vadd.f32 v45, v43;
	v54 =	vld [tilespmem:s23+$0x4060];
	v55, _, _ =	vpop (xrf2);
	v19 =	vshrl.u32 v28, $0x1;
	v20 =	vmul.f32 $5.000000000e-01, v28;
	[tilespmem:s20+$0x20] =	vst v48  }
0x1a7: {  	v29 =	vmovc v24;
	v27 =	vmovc v23;
	v48 =	vmov v21;
	v56 =	vld [tilespmem:s23+$0x4070];
	v19 =	vsub.s32 $0x5F3759DF, v19;
	[tilespmem:s20+$0x30] =	vst v49;
	v49 =	vmov v22  }
0x1a8: {  	(xrf2) =	vadd.scan.msk.f32 $0xffff, v18;
	v18 =	vmul.f32 v19, v20;
	[tilespmem:s20+$0x40] =	vst v44  }
0x1a9: {  	v22 =	vperm.xlane v53, v0;
	v21 =	vadd.f32 v52, v46;
	v23, _, _ =	vpop (xrf2);
	[tilespmem:s20+$0x50] =	vst v47  }
0x1aa: {  	v18 =	vmul.f32 v19, v18;
	[tilespmem:s20+$0x60] =	vst v50  }
0x1ab: {  	v22 =	vmul.f32 $3.125000000e-02, v22;
	v23 =	vperm.xlane v23, v0;
	(xrf2) =	vadd.scan.msk.f32 $0xffff, v21  }
0x1ac: {  	v21 =	vadd.f32 v56, v54;
	v24, _, _ =	vpop (xrf2);
	v18 =	vsub.f32 $1.500000000e+00, v18  }
0x1ad: {  	v34 =	vsub.f32 v30, v22;
	v44 =	vsub.f32 v31, v22;
	v23 =	vmul.f32 $3.125000000e-02, v23  }
0x1ae: {  	v22 =	vperm.xlane v24, v0;
	(xrf2) =	vadd.scan.msk.f32 $0xffff, v21;
	v21 =	vmul.f32 v19, v18  }
0x1af: {  	v35 =	vsub.f32 v36, v23;
	v18 =	vmul.f32 v34, v34;
	v19 =	vmul.f32 v44, v44;
	v24, _, _ =	vpop (xrf2)  }
0x1b0: {  	v42 =	vsub.f32 v39, v23;
	v24 =	vperm.xlane v24, v0;
	v20 =	vmul.f32 v21, v20  }
0x1b1: {  	v22 =	vmul.f32 $3.125000000e-02, v22;
	v23 =	vmul.f32 v35, v35;
	v30 =	vadd.f32 v19, v18  }
0x1b2: {  	v31 =	vmul.f32 v42, v42;
	v36, _, _ =	vpop (xrf2);
	v20 =	vmul.f32 v20, v21  }
0x1b3: {  	v18 =	vsub.f32 v37, v22;
	v19 =	vsub.f32 v38, v22;
	v24 =	vmul.f32 $3.125000000e-02, v24;
	(xrf2) =	vadd.scan.msk.f32 $0xffff, v30  }
0x1b4: {  	v23 =	vadd.f32 v31, v23;
	v22 =	vperm.xlane v36, v0;
	v20 =	vsub.f32 $1.500000000e+00, v20  }
0x1b5: {  	v37 =	vmul.f32 v18, v18;
	v31 =	vmul.f32 v19, v19;
	v41 =	vsub.f32 v41, v24;
	v36, _, _ =	vpop (xrf2)  }
0x1b6: {  	v40 =	vsub.f32 v40, v24;
	v36 =	vperm.xlane v36, v0;
	(xrf2) =	vadd.scan.msk.f32 $0xffff, v23;
	v20 =	vmul.f32 v20, v21  }
0x1b7: {  	v21 =	vmul.f32 $3.125000000e-02, v22;
	v22 =	vmul.f32 v41, v41;
	v23 =	vadd.f32 v31, v37  }
0x1b8: {  	v24 =	vmul.f32 v40, v40;
	v30, _, _ =	vpop (xrf2);
	v28 =	vmul.f32 v20, v28  }
0x1b9: {  	v37 =	vsub.f32 v43, v21;
	v20 =	vsub.f32 v45, v21;
	v21 =	vperm.xlane v30, v0;
	(xrf2) =	vadd.scan.msk.f32 $0xffff, v23  }
0x1ba: {  	v22 =	vadd.f32 v24, v22;
	v23 =	vmul.f32 $3.125000000e-02, v36;
	v24 =	vadd.f32 $9.999999740e-06, v28  }
0x1bb: {  	v31 =	vmul.f32 v37, v37;
	v30 =	vmul.f32 v20, v20  }
0x1bc: {  	v38 =	vsub.f32 v46, v23;
	v43 =	vsub.f32 v52, v23;
	(xrf2) =	vadd.scan.msk.f32 $0xffff, v22;
	(erf) = vrcp.f32 v24  }
0x1bd: {  	v21 =	vmul.f32 $3.125000000e-02, v21;
	v23 =	vadd.f32 v30, v31;
	v24 =	vperm.xlane v55, v0;
	v28, _, _ =	vpop (xrf2)  }
0x1be: {  	v30 =	vmul.f32 v38, v38;
	v31 =	vmul.f32 v43, v43  }
0x1bf: {  	v22 =	vsub.f32 v54, v21;
	v21 =	vsub.f32 v56, v21;
	(xrf2) =	vadd.scan.msk.f32 $0xffff, v23  }
0x1c0: {  	v30 =	vadd.f32 v31, v30;
	v23 =	vmul.f32 $3.125000000e-02, v24;
	v45, _, _ =	vpop (xrf2)  }
0x1c1: {  	s21 =	sadd.s32 $0x80, s21;
	v31 =	vmul.f32 v22, v22;
	v36 =	vmul.f32 v21, v21  }
0x1c2: {  	s24 =	sand.u32 $0x380, s21;
	s23 =	sand.u32 $0x3800, s22;
	v24 =	vsub.f32 v25, v23;
	v23 =	vsub.f32 v26, v23;
	(xrf2) =	vadd.scan.msk.f32 $0xffff, v30  }
0x1c3: {  	s23 =	sor.u32 s24, s23;
	v25 =	vadd.f32 v36, v31;
	v46, _, _ =	vpop (xrf2)  }
0x1c4: {  	v26 =	vmul.f32 v24, v24;
	v36 =	vmul.f32 v23, v23;
	v30 =	vld [tilespmem:s23+$0x4460]  }
0x1c5: {  	v31 =	vld [tilespmem:s23+$0x4470];
	(xrf2) =	vadd.scan.msk.f32 $0xffff, v25;
	v39 =	vpop (erf)  }
0x1c6: {  	v36 =	vadd.f32 v36, v26;
	v47, _, _ =	vpop (xrf2);
	v50 =	vperm.xlane v39, v2;
	v54 =	vperm.xlane v39, v8  }
0x1c7: {  	v52 =	vperm.xlane v39, v1;
	v53 =	vperm.xlane v39, v3;
	v25 =	vld [tilespmem:s23+$0x4440]  }
0x1c8: {  	v55 =	vperm.xlane v39, v4;
	v26 =	vld [tilespmem:s23+$0x4450];
	(xrf2) =	vadd.scan.msk.f32 $0xffff, v36;
	v56 =	vmul.f32 v54, v12;
	v12 =	vmov v44  }
0x1c9: {  	s20 =	sadd.s32 $0x100, s20;
	v57 =	vperm.xlane v39, v5;
	v58 =	vperm.xlane v39, v6;
	v44, _, _ =	vpop (xrf2)  }
0x1ca: {  	v61 =	vperm.xlane v39, v7;
	v60 =	vmul.f32 v50, v17;
	v36 =	vld [tilespmem:s23+$0x4420];
	v59 =	vadd.f32 v31, v30;
	[tilespmem:s20+$0x70] =	vst v56  }
0x1cb: {  	v50 =	vmul.f32 v50, v16;
	v17 =	vmovc v38;
	v16 =	vmovc v43;
	v56 =	vmul.f32 v52, v15;
	v15 =	vmov v37;
	v39 =	vld [tilespmem:s23+$0x4430]  }
0x1cc: {  	v43 =	vmul.f32 v52, v51;
	v51 =	vmul.f32 v53, v14;
	(xrf2) =	vadd.scan.msk.f32 $0xffff, v59;
	v38, _, _ =	vpop (xrf2);
	[tilespmem:s20+$0xFFFFFF80] =	vst v60  }
0x1cd: {  	v37 =	vld [tilespmem:s23+$0x4400];
	v60 =	vadd.f32 v26, v25;
	v59 =	vperm.xlane v38, v0;
	[tilespmem:s20+$0xFFFFFF90] =	vst v50;
	v50 =	vmul.f32 v53, v13  }
0x1ce: {  	v49 =	vmul.f32 v55, v49;
	v14 =	vmovc v41;
	v44 =	vperm.xlane v44, v0;
	v13 =	vmov v40;
	v38 =	vld [tilespmem:s23+$0x4410];
	[tilespmem:s20+$0xFFFFFFA0] =	vst v56  }
0x1cf: {  	v47 =	vperm.xlane v47, v0;
	v55 =	vmul.f32 v55, v48;
	(xrf2) =	vadd.scan.msk.f32 $0xffff, v60;
	v40 =	vnsel vm0, $0x0, v59;
	v52, _, _ =	vpop (xrf2)  }
0x1d0: {  	v41 =	vld [tilespmem:s23+$0x4040];
	v48 =	vadd.f32 v39, v36;
	v44 =	vsel vm1, v40, v44;
	v52 =	vperm.xlane v52, v0;
	[tilespmem:s20+$0xFFFFFFB0] =	vst v43  }
0x1d1: {  	v33 =	vmul.f32 v57, v33;
	v40 =	vld [tilespmem:s23+$0x4050];
	v43 =	vsel vm2, v44, v47;
	v44 =	vperm.xlane v46, v0;
	[tilespmem:s20+$0xFFFFFFC0] =	vst v51  }
0x1d2: {  	v32 =	vmul.f32 v57, v32;
	v47 =	vperm.xlane v45, v0;
	(xrf2) =	vadd.scan.msk.f32 $0xffff, v48;
	v46 =	vsel vm3, v43, v52;
	v45, _, _ =	vpop (xrf2)  }
.Ltmp4:
0x1d3: {  	v43 =	vld [tilespmem:s23+$0x4020];
	v51 =	vadd.f32 v38, v37;
	v44 =	vsel vm4, v46, v44;
	v46 =	vperm.xlane v45, v0;
	[tilespmem:s20+$0xFFFFFFD0] =	vst v50;
	(pc) =	sbr.rel @p0 .LBB2_9-.Ltmp4, $4  }
0x1d4: {  	v28 =	vperm.xlane v28, v0;
	v48 =	vmul.f32 v58, v10;
	v45 =	vld [tilespmem:s23+$0x4030];
	v44 =	vsel vm5, v44, v47;
	[tilespmem:s20+$0xFFFFFFE0] =	vst v49  }
0x1d5: {  	v49 =	vmul.f32 v58, v11;
	(xrf2) =	vadd.scan.msk.f32 $0xffff, v51;
	v51 =	vsel vm6, v44, v46;
	v44 =	vmul.f32 v61, v29  }
0x1d6: {  	v47 =	vmul.f32 v61, v27;
	v46 =	vld [tilespmem:s23+$0x4000];
	v29 =	vadd.f32 v40, v41;
	v53, _, _ =	vpop (xrf2);
	v51 =	vsel vm7, v51, v28;
	[tilespmem:s20+$0xFFFFFFF0] =	vst v55  }
0x1d7: {  	s22 =	sadd.s32 $0x100, s22;
	v10 =	vmovc v35;
	v50 =	vmul.f32 v54, v9;
	v9 =	vmovc v34;
	v11 =	vmov v42;
	v52 =	vld [tilespmem:s23+$0x4010];
	v28 =	vmul.f32 $3.225806360e-02, v51;
	[tilespmem:s20+$0x0] =	vst v33  }
0x1d8: {  	_ = 	snop  }
0x1d9: {  	(xrf2) =	vadd.scan.msk.f32 $0xffff, v29;
	v51 =	vld [tilespmem:s23+$0x4060];
	v27 =	vadd.f32 v45, v43  }
0x1da: {  	v54 =	vld [tilespmem:s23+$0x4070]  }
0x1db: {  	(xrf2) =	vadd.scan.msk.f32 $0xffff, v27  }
0x1dc: {  	v53 =	vperm.xlane v53, v0;
	v55, _, _ =	vpop (xrf2);
	v42 =	vadd.f32 v52, v46  }
0x1dd: {  	v33, _, _ =	vpop (xrf2)  }
0x1de: {  	v29 =	vmul.f32 $3.125000000e-02, v53;
	v33 =	vperm.xlane v33, v0;
	(xrf2) =	vadd.scan.msk.f32 $0xffff, v42  }
0x1df: {  	v35 =	vadd.f32 v54, v51  }
0x1e0: {  	v27 =	vsub.f32 v30, v29;
	v33 =	vmul.f32 $3.125000000e-02, v33  }
0x1e1: {  	v34 =	vsub.f32 v31, v29;
	(xrf2) =	vadd.scan.msk.f32 $0xffff, v35  }
0x1e2: {  	v57 =	vmul.f32 v27, v27;
	v42, _, _ =	vpop (xrf2);
	v29 =	vsub.f32 v36, v33  }
0x1e3: {  	v58 =	vmul.f32 v34, v34;
	v56 =	vperm.xlane v42, v0;
	v30 =	vsub.f32 v39, v33;
	v59, _, _ =	vpop (xrf2)  }
0x1e4: {  	v60 =	vperm.xlane v59, v0;
	v61 =	vmul.f32 v29, v29  }
0x1e5: {  	v31 =	vmul.f32 $3.125000000e-02, v56;
	v62 =	vmul.f32 v30, v30;
	v63, _, _ =	vpop (xrf2)  }
0x1e6: {  	v56 =	vadd.f32 v58, v57;
	v60 =	vmul.f32 $3.125000000e-02, v60;
	v53 =	vperm.xlane v63, v0  }
0x1e7: {  	v33 =	vsub.f32 v37, v31;
	v31 =	vsub.f32 v38, v31  }
0x1e8: {  	v39 =	vadd.f32 v62, v61;
	v35 =	vsub.f32 v41, v60;
	v61, _, _ =	vpop (xrf2);
	v38 =	vmul.f32 $3.125000000e-02, v53  }
0x1e9: {  	v41 =	vmul.f32 v33, v33;
	v36 =	vsub.f32 v40, v60;
	v62 =	vperm.xlane v61, v0  }
0x1ea: {  	v63 =	vmul.f32 v31, v31;
	v60 =	vmul.f32 v35, v35;
	v37 =	vsub.f32 v43, v38  }
0x1eb: {  	v57 =	vmul.f32 v36, v36;
	v61, _, _ =	vpop (xrf2);
	v38 =	vsub.f32 v45, v38;
	v42 =	vmul.f32 $3.125000000e-02, v62  }
0x1ec: {  	v40 =	vadd.f32 v63, v41;
	v62 =	vperm.xlane v61, v0;
	v63 =	vmul.f32 v37, v37  }
0x1ed: {  	v58 =	vmul.f32 v38, v38;
	v43 =	vsub.f32 v46, v42;
	v42 =	vsub.f32 v52, v42  }
0x1ee: {  	(xrf2) =	vadd.scan.msk.f32 $0xffff, v56;
	v57 =	vadd.f32 v57, v60;
	v60 =	vperm.xlane v55, v0;
	v59 =	vmul.f32 $3.125000000e-02, v62  }
0x1ef: {  	(xrf2) =	vadd.scan.msk.f32 $0xffff, v39;
	v61 =	vadd.f32 v58, v63;
	v62 =	vmul.f32 v43, v43;
	v63 =	vmul.f32 v42, v42  }
0x1f0: {  	(xrf2) =	vadd.scan.msk.f32 $0xffff, v40;
	v41 =	vsub.f32 v51, v59;
	v40 =	vsub.f32 v54, v59  }
0x1f1: {  	(xrf2) =	vadd.scan.msk.f32 $0xffff, v57;
	v57 =	vmul.f32 $3.125000000e-02, v60;
	v45 =	vadd.f32 v63, v62  }
0x1f2: {  	(xrf2) =	vadd.scan.msk.f32 $0xffff, v61;
	v51 =	vmul.f32 v41, v41;
	v52 =	vmul.f32 v40, v40  }
0x1f3: {  	v39 =	vsub.f32 v25, v57;
	v25 =	vsub.f32 v26, v57;
	(xrf2) =	vadd.scan.msk.f32 $0xffff, v45  }
0x1f4: {  	v58 =	vadd.f32 v52, v51  }
0x1f5: {  	v59 =	vmul.f32 v39, v39;
	v46 =	vmul.f32 v25, v25  }
0x1f6: {  	(xrf2) =	vadd.scan.msk.f32 $0xffff, v58  }
0x1f7: {  	v60 =	vadd.f32 v46, v59  }
0x1f8: {  	v45, _, _ =	vpop (xrf2)  }
0x1f9: {  	v46, _, _ =	vpop (xrf2);
	(xrf2) =	vadd.scan.msk.f32 $0xffff, v60  }
0x1fa: {  	v61 =	vshrl.u32 v28, $0x1;
	v52 =	vmul.f32 $5.000000000e-01, v28;
	v26, _, _ =	vpop (xrf2)  }
0x1fb: {  	v51 =	vsub.s32 $0x5F3759DF, v61;
	v62, _, _ =	vpop (xrf2)  }
0x1fc: {  	v63 =	vmul.f32 v51, v52;
	v60, _, _ =	vpop (xrf2)  }
0x1fd: {  	v61, _, _ =	vpop (xrf2)  }
0x1fe: {  	v54 =	vmul.f32 v51, v63;
	v56 =	vperm.xlane v61, v0  }
0x1ff: {  	v55 =	vperm.xlane v60, v0  }
0x200: {  	v54 =	vsub.f32 $1.500000000e+00, v54;
	v53 =	vperm.xlane v62, v0;
	v62, _, _ =	vpop (xrf2);
	v56 =	vnsel vm0, $0x0, v56  }
0x201: {  	v63 =	vperm.xlane v62, v0;
	v55 =	vsel vm1, v56, v55  }
0x202: {  	v26 =	vperm.xlane v26, v0;
	v51 =	vmul.f32 v51, v54;
	v53 =	vsel vm2, v55, v53  }
0x203: {  	v46 =	vperm.xlane v46, v0;
	v58, _, _ =	vpop (xrf2);
	v53 =	vsel vm3, v53, v63  }
0x204: {  	v52 =	vmul.f32 v51, v52;
	v59 =	vperm.xlane v58, v0;
	v26 =	vsel vm4, v53, v26  }
0x205: {  	v45 =	vperm.xlane v45, v0;
	v26 =	vsel vm5, v26, v46  }
0x206: {  	v60 =	vmul.f32 v52, v51;
	v26 =	vsel vm6, v26, v59  }
0x207: {  	v26 =	vsel vm7, v26, v45  }
0x208: {  	v61 =	vsub.f32 $1.500000000e+00, v60;
	v26 =	vmul.f32 $3.225806360e-02, v26;
	_ =	sdelay $0x1  }
0x209: {  	v45 =	vmul.f32 v61, v51;
	v62 =	vshrl.u32 v26, $0x1;
	v63 =	vmul.f32 $5.000000000e-01, v26  }
0x20a: {  	v46 =	vsub.s32 $0x5F3759DF, v62  }
0x20b: {  	v52 =	vmul.f32 v45, v28;
	v53 =	vmul.f32 v46, v63;
	_ =	sdelay $0x1  }
0x20c: {  	v28 =	vadd.f32 $9.999999740e-06, v52;
	v45 =	vmul.f32 v46, v53;
	_ =	sdelay $0x1  }
0x20d: {  	(erf) = vrcp.f32 v28;
	v54 =	vsub.f32 $1.500000000e+00, v45;
	_ =	sdelay $0x1  }
0x20e: {  	v28 =	vmul.f32 v46, v54;
	_ =	sdelay $0x1  }
0x20f: {  	v55 =	vmul.f32 v28, v63;
	_ =	sdelay $0x1  }
0x210: {  	v45 =	vmul.f32 v55, v28;
	_ =	sdelay $0x1  }
0x211: {  	[tilespmem:s20+$0x10] =	vst v32;
	v56 =	vsub.f32 $1.500000000e+00, v45  }
0x212: {  	[tilespmem:s20+$0x20] =	vst v48;
	v57 =	vpop (erf)  }
0x213: {  	[tilespmem:s20+$0x30] =	vst v49;
	v58 =	vperm.xlane v57, v8;
	v28 =	vmul.f32 v56, v28  }
0x214: {  	[tilespmem:s20+$0x40] =	vst v44;
	v59 =	vperm.xlane v57, v2  }
0x215: {  	[tilespmem:s20+$0x50] =	vst v47;
	v12 =	vmul.f32 v58, v12;
	v26 =	vmul.f32 v28, v26  }
0x216: {  	s31 =	sadd.s32 $0x100, s20;
	[tilespmem:s20+$0x60] =	vst v50;
	v60 =	vperm.xlane v57, v1;
	v17 =	vmul.f32 v59, v17  }
0x217: {  	v63 =	vperm.xlane v57, v3;
	v61 =	vmul.f32 v59, v16;
	[tilespmem:s31+$0x70] =	vst v12;
	v62 =	vadd.f32 $9.999999740e-06, v26  }
0x218: {  	v32 =	vperm.xlane v57, v4;
	v15 =	vmul.f32 v60, v15;
	[tilespmem:s31+$0xFFFFFF80] =	vst v17  }
0x219: {  	v14 =	vmul.f32 v63, v14;
	[tilespmem:s31+$0xFFFFFF90] =	vst v61;
	(erf) = vrcp.f32 v62  }
0x21a: {  	v44 =	vperm.xlane v57, v5;
	v13 =	vmul.f32 v63, v13;
	[tilespmem:s31+$0xFFFFFFA0] =	vst v15  }
0x21b: {  	v48 =	vperm.xlane v57, v6;
	v47 =	vmul.f32 v32, v22;
	[tilespmem:s31+$0xFFFFFFC0] =	vst v14  }
0x21c: {  	v49 =	vmul.f32 v44, v18;
	[tilespmem:s31+$0xFFFFFFD0] =	vst v13  }
0x21d: {  	v50 =	vperm.xlane v57, v7;
	v10 =	vmul.f32 v48, v10;
	[tilespmem:s31+$0xFFFFFFE0] =	vst v47  }
0x21e: {  	v11 =	vmul.f32 v48, v11;
	[tilespmem:s31+$0x0] =	vst v49  }
0x21f: {  	v51 =	vmul.f32 v50, v24;
	[tilespmem:s31+$0x20] =	vst v10  }
0x220: {  	v9 =	vmul.f32 v58, v9;
	[tilespmem:s31+$0x30] =	vst v11  }
0x221: {  	v12 =	vmul.f32 v32, v21;
	[tilespmem:s31+$0x40] =	vst v51  }
0x222: {  	v15 =	vmul.f32 v44, v19;
	[tilespmem:s31+$0x60] =	vst v9;
	v10 =	vpop (erf)  }
0x223: {  	v28 =	vmul.f32 v60, v20;
	[tilespmem:s31+$0xFFFFFFF0] =	vst v12;
	v11 =	vperm.xlane v10, v8  }
0x224: {  	[tilespmem:s31+$0x10] =	vst v15;
	v12 =	vmul.f32 v50, v23;
	v52 =	vperm.xlane v10, v2  }
0x225: {  	[tilespmem:s31+$0xFFFFFFB0] =	vst v28;
	v53 =	vmul.f32 v11, v34  }
0x226: {  	s20 =	sadd.s32 $0x100, s31;
	[tilespmem:s31+$0x50] =	vst v12;
	v9 =	vperm.xlane v10, v1;
	v54 =	vmul.f32 v52, v43  }
0x227: {  	v55 =	vmul.f32 v52, v42;
	[tilespmem:s20+$0x70] =	vst v53  }
0x228: {  	v56 =	vperm.xlane v10, v3;
	v57 =	vmul.f32 v9, v37;
	[tilespmem:s20+$0xFFFFFF80] =	vst v54  }
0x229: {  	v9 =	vmul.f32 v9, v38;
	[tilespmem:s20+$0xFFFFFF90] =	vst v55  }
0x22a: {  	v58 =	vperm.xlane v10, v4;
	v59 =	vmul.f32 v56, v35;
	[tilespmem:s20+$0xFFFFFFA0] =	vst v57  }
0x22b: {  	v13 =	vmul.f32 v56, v36;
	[tilespmem:s20+$0xFFFFFFB0] =	vst v9  }
0x22c: {  	v61 =	vperm.xlane v10, v6;
	v60 =	vmul.f32 v58, v41;
	[tilespmem:s20+$0xFFFFFFC0] =	vst v59  }
0x22d: {  	v12 =	vmul.f32 v58, v40;
	[tilespmem:s20+$0xFFFFFFD0] =	vst v13  }
0x22e: {  	v63 =	vmul.f32 v61, v29;
	[tilespmem:s20+$0xFFFFFFE0] =	vst v60  }
0x22f: {  	v11 =	vmul.f32 v11, v27;
	v9 =	vperm.xlane v10, v5;
	[tilespmem:s20+$0xFFFFFFF0] =	vst v12  }
0x230: {  	v10 =	vperm.xlane v10, v7;
	v13 =	vmul.f32 v61, v30;
	[tilespmem:s20+$0x20] =	vst v63  }
0x231: {  	s18 =	sadd.s32 $0x1, s18;
	[tilespmem:s20+$0x60] =	vst v11;
	v62 =	vmul.f32 v9, v33;
	v9 =	vmul.f32 v9, v31  }
0x232: {  	p0 =	sne.s32 s18, $0x10;
	[tilespmem:s20+$0x30] =	vst v13  }
.Ltmp5:
0x233: {  	[tilespmem:s20+$0x10] =	vst v9;
	v9 =	vmul.f32 v10, v39;
	(pc) =	sbr.rel @p0 .LBB2_2-.Ltmp5, $4  }
0x234: {  	[tilespmem:s20+$0x0] =	vst v62;
	v10 =	vmul.f32 v10, v25  }
0x235: {  	[tilespmem:s20+$0x40] =	vst v9  }
0x236: {  	s19 =	sadd.s32 s3, s19;
	[tilespmem:s20+$0x50] =	vst v10  }
0x237: {  	[hbm4b:s19+s4] =	stream.linear.scatter [tilespmem:s15], [sflag:$0x4], $0x4000, $0x38;
	[tilespmem:$0x10000] =	vst v63  }
0x238: {  	s17 =	sadd.s32 $0x1, s17  }
0x239: {  	_ =	swait.ge [sflag:s16], $0x4000;
	p0 =	sne.s32 s17, s9  }
.Ltmp6:
0x23a: {  	[sflag:s16] =	ssyncset.done $0x0;
	(pc) =	sbr.rel @p0 .LBB2_1-.Ltmp6, $4  }
0x23b: {  	[sflag:s16] =	ssyncadd.s32 $0xFFFFC000  }
0x23c: {  	_ =	swait.ge [sflag:s14], $0x4000  }
0x23d: {  	[sflag:s14] =	ssyncset.done $0x0  }
0x23e: {  	[sflag:s14] =	ssyncadd.s32 $0xFFFFC000  }
0x23f: {  	_ =	sfence.sel $0x180000  }
0x240: {  	[bflag:$0x0] =	sbarrier.arrive $0xFFFF  }
0x241: {  	p0 =	sne.s32 s2, $0x0;
	_ =	strace $0x90000047  }
0x242: {  	s0 =	sadd.s32 @!p0 $0x100000, s0;
	[bflag:$0x2] =	sbarrier.arrive $0xFFFF  }
0x243: {  	[sflag:s0] =	ssyncadd.tile.s32 @!p0 $0x1;
	_ =	shalt  }
.Lfunc_end2:
_tile_overlayer_lowered:
.L_overlay_start_2:
0x244: {  	(tag) =	ssettag $0x2  }
0x245: {  	s0 =	rddreg [dreg:$0x0];
	s2 =	stileid.u32  }
0x246: {  	s1 =	rddreg [dreg:$0x1];
	p0 =	sne.s32 s2, $0x0  }
0x247: {  	s3 =	rddreg [dreg:$0x2];
	[bflag:$0x3] =	sbarrier.arrive $0xFFFF;
	s2 =	simm.s32 @!p0 $0x1C05  }
0x248: {  	[timem:s3], [sflag:s2] =	dma.local @!p0 [hbm:s0], s1  }
0x249: {  	s0 =	simm.s32 @!p0 $0x5  }
0x24a: {  	_ =	swait.ge @!p0 [sflag:s0], s1  }
0x24b: {  	s1 =	ssub.s32 @!p0 $0x0, s1;
	[sflag:s0] =	ssyncset.done @!p0 $0x0  }
0x24c: {  	[sflag:s0] =	ssyncadd.s32 @!p0 s1  }
0x24d: {  	[bflag:$0x3] =	sbarrier.arrive $0xFFFF  }
0x24e: {  	_ =	shalt  }

</sc_bundles>
